<compile_context>
chip_gen: v7x
topology: tpu7x:2x2x1
jax: 0.10.2.dev20260603
libtpu: 0.0.44.dev20260713+nightly
codegen_flags: <defaults>
</compile_context>

<pallas_src>
import functools

import jax
import jax.numpy as jnp
from jax import lax
from jax.experimental import pallas as pl
from jax.experimental.pallas import tpu as pltpu
from jax.experimental.pallas import tpu_sc as plsc

N = 10000
F = 128
NC = 2
NS = 16
L = 16
NW = NC * NS

NPAD = 10240
RPT = NPAD // NS

E = 320000
CHUNK = 128
NCHUNK = 80
EPT = NCHUNK * CHUNK
EPAD = EPT * NW

BM = 2000
GRID = N // BM

_sc_mesh = plsc.VectorSubcoreMesh(
    core_axis_name="c", subcore_axis_name="s", num_cores=NC, num_subcores=NS)


@functools.partial(
    pl.kernel,
    out_type=jax.ShapeDtypeStruct((NC * NPAD,), jnp.float32),
    mesh=_sc_mesh,
    scratch_types=[
        pltpu.VMEM((NCHUNK, CHUNK), jnp.int32),
        pltpu.VMEM((CHUNK,), jnp.float32),
        pltpu.VMEM((RPT,), jnp.float32),
        pltpu.VMEM_SHARED((NPAD,), jnp.float32),
        pltpu.SemaphoreType.DMA,
    ],
)
def _sc_deg(dst_hbm, out_hbm, dstv, ones_v, zv, deg_sh, dsem):
    c = lax.axis_index("c")
    s = lax.axis_index("s")
    wid = c * NS + s

    pltpu.sync_copy(dst_hbm.at[wid], dstv)
    for i in range(RPT // L):
        zv[pl.ds(i * L, L)] = jnp.zeros((L,), jnp.float32)
    for i in range(CHUNK // L):
        ones_v[pl.ds(i * L, L)] = jnp.ones((L,), jnp.float32)

    pltpu.sync_copy(zv, deg_sh.at[pl.ds(s * RPT, RPT)])
    plsc.subcore_barrier()

    def body(j, carry):
        pltpu.async_copy(ones_v, deg_sh.at[dstv.at[j]], dsem, add=True)
        return carry

    lax.fori_loop(0, NCHUNK, body, 0)

    def drain(j, carry):
        pltpu.make_async_copy(ones_v, deg_sh.at[dstv.at[0]], dsem).wait()
        return carry

    lax.fori_loop(0, NCHUNK, drain, 0)
    plsc.subcore_barrier()
    pltpu.sync_copy(deg_sh.at[pl.ds(s * RPT, RPT)], zv)
    pltpu.sync_copy(zv,
                    out_hbm.at[pl.ds(c * NPAD + s * RPT, RPT)])


ZR = 128
HCHUNK = 40


@functools.partial(
    pl.kernel,
    out_type=jax.ShapeDtypeStruct((NC, NPAD, F), jnp.float32),
    mesh=_sc_mesh,
    scratch_types=[
        pltpu.VMEM((HCHUNK, CHUNK), jnp.int32),
        pltpu.VMEM((HCHUNK, CHUNK), jnp.int32),
        pltpu.VMEM((CHUNK, F), jnp.float32),
        pltpu.VMEM((CHUNK, F), jnp.float32),
        pltpu.VMEM_SHARED((NPAD, F), jnp.float32),
        pltpu.SemaphoreType.DMA,
        pltpu.SemaphoreType.DMA,
        pltpu.SemaphoreType.DMA,
        pltpu.SemaphoreType.DMA,
    ],
)
def _sc_agg(h_hbm, src_hbm, dst_hbm, zeros_hbm, out_hbm,
            srcv, dstv, rb0, rb1, acc_sh,
            gsem0, gsem1, ssem0, ssem1):
    c = lax.axis_index("c")
    s = lax.axis_index("s")
    wid = c * NS + s

    pltpu.sync_copy(zeros_hbm, rb0)
    for i in range(RPT // ZR):
        pltpu.async_copy(rb0, acc_sh.at[pl.ds(s * RPT + i * ZR, ZR)], ssem0)

    for p in range(2):
        pltpu.sync_copy(src_hbm.at[wid, pl.ds(p * HCHUNK, HCHUNK)], srcv)
        pltpu.sync_copy(dst_hbm.at[wid, pl.ds(p * HCHUNK, HCHUNK)], dstv)
        if p == 0:
            for i in range(RPT // ZR):
                pltpu.make_async_copy(
                    rb0, acc_sh.at[pl.ds(s * RPT + i * ZR, ZR)], ssem0).wait()
            plsc.subcore_barrier()

        pltpu.async_copy(h_hbm.at[srcv.at[0]], rb0, gsem0)
        pltpu.async_copy(h_hbm.at[srcv.at[1]], rb1, gsem1)

        def body(jj, carry):
            j0 = jj * 2
            last = HCHUNK // 2 - 1

            pltpu.make_async_copy(h_hbm.at[srcv.at[0]], rb0, gsem0).wait()
            pltpu.async_copy(rb0, acc_sh.at[dstv.at[j0]], ssem0, priority=1, add=True)

            @pl.when(jj < last)
            def _():
                pltpu.make_async_copy(rb0, acc_sh.at[dstv.at[0]], ssem0).wait()
                pltpu.async_copy(h_hbm.at[srcv.at[j0 + 2]], rb0, gsem0)

            pltpu.make_async_copy(h_hbm.at[srcv.at[0]], rb1, gsem1).wait()
            pltpu.async_copy(rb1, acc_sh.at[dstv.at[j0 + 1]], ssem1, priority=1, add=True)

            @pl.when(jj < last)
            def _():
                pltpu.make_async_copy(rb1, acc_sh.at[dstv.at[0]], ssem1).wait()
                pltpu.async_copy(h_hbm.at[srcv.at[j0 + 3]], rb1, gsem1)

            return carry

        lax.fori_loop(0, HCHUNK // 2, body, 0)
        pltpu.make_async_copy(rb0, acc_sh.at[dstv.at[0]], ssem0).wait()
        pltpu.make_async_copy(rb1, acc_sh.at[dstv.at[0]], ssem1).wait()

    plsc.subcore_barrier()
    NRO = RPT // ZR
    bufs = (rb0, rb1)
    isems = (gsem0, gsem1)
    osems = (ssem0, ssem1)
    pltpu.async_copy(acc_sh.at[pl.ds(s * RPT, ZR)], rb0, gsem0)
    for i in range(NRO):
        b = i % 2
        pltpu.make_async_copy(
            acc_sh.at[pl.ds(s * RPT, ZR)], bufs[b], isems[b]).wait()
        if i + 1 < NRO:
            nb = (i + 1) % 2
            if i >= 1:
                pltpu.make_async_copy(
                    bufs[nb], out_hbm.at[c, pl.ds(s * RPT, ZR)],
                    osems[nb]).wait()
            pltpu.async_copy(
                acc_sh.at[pl.ds(s * RPT + (i + 1) * ZR, ZR)], bufs[nb],
                isems[nb])
        pltpu.async_copy(
            bufs[b], out_hbm.at[c, pl.ds(s * RPT + i * ZR, ZR)], osems[b])
    pltpu.make_async_copy(
        rb0, out_hbm.at[c, pl.ds(s * RPT, ZR)], ssem0).wait()
    pltpu.make_async_copy(
        rb1, out_hbm.at[c, pl.ds(s * RPT, ZR)], ssem1).wait()


def _mm_scale_body(x_ref, w_ref, degp_ref, hs_ref, dinv_ref):
    h = jnp.dot(x_ref[...], w_ref[...], preferred_element_type=jnp.float32)
    dp = degp_ref[...]
    deg = dp[:, 0] + dp[:, 1] + 1.0
    dinv = lax.rsqrt(deg)
    hs_ref[...] = h * dinv[:, None]
    dinv_ref[...] = dinv[:, None]


_mm_scale = pl.pallas_call(
    _mm_scale_body,
    grid=(GRID,),
    in_specs=[
        pl.BlockSpec((BM, F), lambda i: (i, 0)),
        pl.BlockSpec((F, F), lambda i: (0, 0)),
        pl.BlockSpec((BM, NC), lambda i: (i, 0)),
    ],
    out_specs=[
        pl.BlockSpec((BM, F), lambda i: (i, 0)),
        pl.BlockSpec((BM, 1), lambda i: (i, 0)),
    ],
    out_shape=[
        jax.ShapeDtypeStruct((N, F), jnp.float32),
        jax.ShapeDtypeStruct((N, 1), jnp.float32),
    ],
)


def _fuse1_body(p_ref, hs1_ref, dinv_ref, b1_ref, w2_ref, h2s_ref):
    dinv = dinv_ref[...]
    t = (p_ref[0] + p_ref[1] + hs1_ref[...]) * dinv + b1_ref[...]
    t = jnp.maximum(t, 0.0)
    h2 = jnp.dot(t, w2_ref[...], preferred_element_type=jnp.float32)
    h2s_ref[...] = h2 * dinv


_fuse1 = pl.pallas_call(
    _fuse1_body,
    grid=(GRID,),
    in_specs=[
        pl.BlockSpec((NC, BM, F), lambda i: (0, i, 0)),
        pl.BlockSpec((BM, F), lambda i: (i, 0)),
        pl.BlockSpec((BM, 1), lambda i: (i, 0)),
        pl.BlockSpec((F,), lambda i: (0,)),
        pl.BlockSpec((F, F), lambda i: (0, 0)),
    ],
    out_specs=pl.BlockSpec((BM, F), lambda i: (i, 0)),
    out_shape=jax.ShapeDtypeStruct((N, F), jnp.float32),
)


def _fuse2_body(q_ref, h2s_ref, dinv_ref, b2_ref, wc_ref, bc_ref, out_ref):
    dinv = dinv_ref[...]
    t = (q_ref[0] + q_ref[1] + h2s_ref[...]) * dinv + b2_ref[...]
    t = jnp.maximum(t, 0.0)
    logits = jnp.dot(t, wc_ref[...], preferred_element_type=jnp.float32)
    logits = logits + bc_ref[...]
    m = jnp.max(logits, axis=1, keepdims=True)
    e = jnp.exp(logits - m)
    lse = jnp.log(jnp.sum(e, axis=1, keepdims=True)) + m
    out_ref[...] = logits - lse


_fuse2 = pl.pallas_call(
    _fuse2_body,
    grid=(GRID,),
    in_specs=[
        pl.BlockSpec((NC, BM, F), lambda i: (0, i, 0)),
        pl.BlockSpec((BM, F), lambda i: (i, 0)),
        pl.BlockSpec((BM, 1), lambda i: (i, 0)),
        pl.BlockSpec((F,), lambda i: (0,)),
        pl.BlockSpec((F, F), lambda i: (0, 0)),
        pl.BlockSpec((F,), lambda i: (0,)),
    ],
    out_specs=pl.BlockSpec((BM, F), lambda i: (i, 0)),
    out_shape=jax.ShapeDtypeStruct((N, F), jnp.float32),
)


@jax.jit
def _run(x, edge_index, W1, b1, W2, b2, Wc, bc):
    src = edge_index[0].astype(jnp.int32)
    dst = edge_index[1].astype(jnp.int32)
    padn = EPAD - E
    ar = jnp.arange(padn, dtype=jnp.int32)
    pad_src = (ar * 131) % N
    pad_dst = N + ar % (NPAD - N)
    srcp = jnp.concatenate([src, pad_src]).reshape(NW, NCHUNK, CHUNK)
    dstp = jnp.concatenate([dst, pad_dst]).reshape(NW, NCHUNK, CHUNK)
    zrows = jnp.zeros((ZR, F), jnp.float32)

    degp = _sc_deg(dstp).reshape(NC, NPAD)[:, :N].T
    hs1, dinv = _mm_scale(x, W1, degp)
    agg1 = _sc_agg(hs1, srcp, dstp, zrows)
    h2s = _fuse1(agg1, hs1, dinv, b1, W2)
    agg2 = _sc_agg(h2s, srcp, dstp, zrows)
    return _fuse2(agg2, h2s, dinv, b2, Wc, bc)


def kernel(x, edge_index, W1, b1, W2, b2, Wc, bc):
    return _run(x, edge_index, W1, b1, W2, b2, Wc, bc)

# --- scband reference (transcript-rebuilt; emitter-appended) ---
"""Pipeline reference for scband-rational-partition-classifier-15522011808346 (READ-ONLY COPY).

The authoritative reference and input builder live on the scoring server;
editing this copy changes nothing except your own understanding.
"""

import jax, jax.numpy as jnp
import numpy as np

NUM_NODES = 10000
NUM_EDGES = 320000
NUM_FEATURES = 128
HIDDEN_DIM = 128
NUM_CLASSES = 128


def setup_inputs(seed: int = 0) -> dict:
    key = jax.random.key(seed)
    k = jax.random.split(key, 9)
    x = jax.random.normal(k[0], (NUM_NODES, NUM_FEATURES), dtype=jnp.float32)
    edge_index = jax.random.randint(k[1], (2, NUM_EDGES), 0, NUM_NODES, dtype=jnp.int64)
    s1 = 1.0 / np.sqrt(NUM_FEATURES)
    s2 = 1.0 / np.sqrt(HIDDEN_DIM)
    W1 = jax.random.uniform(k[2], (NUM_FEATURES, HIDDEN_DIM), jnp.float32, -s1, s1)
    b1 = jnp.zeros((HIDDEN_DIM,), dtype=jnp.float32)
    W2 = jax.random.uniform(k[3], (HIDDEN_DIM, HIDDEN_DIM), jnp.float32, -s2, s2)
    b2 = jnp.zeros((HIDDEN_DIM,), dtype=jnp.float32)
    Wc = jax.random.uniform(k[4], (HIDDEN_DIM, NUM_CLASSES), jnp.float32, -s2, s2)
    bc = jax.random.uniform(k[5], (NUM_CLASSES,), jnp.float32, -s2, s2)
    return {"x": x, "edge_index": edge_index, "W1": W1, "b1": b1, "W2": W2, "b2": b2, "Wc": Wc, "bc": bc}


def gcn_conv(x, src, dst, norm, W, b, num_nodes):
    h = x @ W
    msg = h[src] * norm[:, None]
    out = jnp.zeros((num_nodes, h.shape[1]), dtype=h.dtype).at[dst].add(msg)
    return out + b


def build_norm(edge_index, num_nodes):
    # GCN: add self-loops, symmetric normalization D^{-1/2} A_hat D^{-1/2}
    loop = jnp.arange(num_nodes, dtype=edge_index.dtype)
    src = jnp.concatenate([edge_index[0], loop])
    dst = jnp.concatenate([edge_index[1], loop])
    deg = jnp.zeros((num_nodes,), dtype=jnp.float32).at[dst].add(1.0)
    dinv = jnp.where(deg > 0, 1.0 / jnp.sqrt(deg), 0.0)
    norm = dinv[src] * dinv[dst]
    return src, dst, norm


def reference(x, edge_index, W1, b1, W2, b2, Wc, bc):
    num_nodes = x.shape[0]
    src, dst, norm = build_norm(edge_index, num_nodes)
    h = gcn_conv(x, src, dst, norm, W1, b1, num_nodes)
    h = jax.nn.relu(h)
    # dropout is identity in eval mode
    h = gcn_conv(h, src, dst, norm, W2, b2, num_nodes)
    h = jax.nn.relu(h)
    logits = h @ Wc + bc
    return jax.nn.log_softmax(logits, axis=1)

if __name__ == "__main__":
    import jax
    _d = setup_inputs()
    print(jax.jit(kernel)(*tuple(_d.values())))

</pallas_src>

<mosaic_0001>
#map = affine_map<(d0, d1) -> (0, 0)>
#map1 = affine_map<(d0, d1) -> (0, 0, 0)>
module attributes {stable_mosaic.version = 14 : i64} {
  func.func @_sc_agg(%arg0: i32, %arg1: i32, %arg2: memref<10000x128xf32, #tpu.memory_space<hbm>>, %arg3: memref<32x80x128xi32, #tpu.memory_space<hbm>>, %arg4: memref<32x80x128xi32, #tpu.memory_space<hbm>>, %arg5: memref<128x128xf32, #tpu.memory_space<hbm>>, %arg6: memref<2x10240x128xf32, #tpu.memory_space<hbm>>, %arg7: memref<40x128xi32, #tpu.memory_space<vmem>>, %arg8: memref<40x128xi32, #tpu.memory_space<vmem>>, %arg9: memref<128x128xf32, #tpu.memory_space<vmem>>, %arg10: memref<128x128xf32, #tpu.memory_space<vmem>>, %arg11: memref<10240x128xf32, #tpu.memory_space<vmem_shared>>, %arg12: memref<!tpu.dma_semaphore, #tpu.memory_space<semaphore_mem>>, %arg13: memref<!tpu.dma_semaphore, #tpu.memory_space<semaphore_mem>>, %arg14: memref<!tpu.dma_semaphore, #tpu.memory_space<semaphore_mem>>, %arg15: memref<!tpu.dma_semaphore, #tpu.memory_space<semaphore_mem>>) attributes {dimension_semantics = [#tpu.dimension_semantics<core_parallel>, #tpu.dimension_semantics<subcore_parallel>], iteration_bounds = array<i64: 2, 16>, scalar_prefetch = 0 : i64, scratch_operands = 9 : i64, tpu.core_type = #tpu.core_type<sc_vector_subcore>, window_params = [{transform_indices = #map}, {transform_indices = #map1}, {transform_indices = #map1}, {transform_indices = #map}, {transform_indices = #map1}]} {
    %mul3A = arith.constant 16 : i32
    %mul3A_0 = arith.muli %arg0, %mul3A : i32
    %add3A = arith.addi %mul3A_0, %arg1 : i32
    "tpu.region"() ({
      %run_scoped3A = tpu.sem_alloc : memref<!tpu.dma_semaphore, #tpu.memory_space<semaphore_mem>>
      tpu.enqueue_dma source(%arg5 : memref<128x128xf32, #tpu.memory_space<hbm>>) target(%arg9 : memref<128x128xf32, #tpu.memory_space<vmem>>) target_semaphore(%run_scoped3A : memref<!tpu.dma_semaphore, #tpu.memory_space<semaphore_mem>>)
      tpu.wait_dma2 semaphore(%run_scoped3A : memref<!tpu.dma_semaphore, #tpu.memory_space<semaphore_mem>>) src(%arg5 : memref<128x128xf32, #tpu.memory_space<hbm>>) dst(%arg9 : memref<128x128xf32, #tpu.memory_space<vmem>>)
      tpu.yield
    }) : () -> ()
    %mul3A_1 = arith.constant 640 : i32
    %mul3A_2 = arith.muli %arg1, %mul3A_1 : i32
    %add3A_3 = arith.constant 0 : i32
    %add3A_4 = arith.addi %mul3A_2, %add3A_3 : i32
    %dma_start3A = arith.constant 0 : i32
    %dma_start3A_5 = tpu.memref_slice %arg11[%add3A_4, %dma_start3A] : memref<10240x128xf32, #tpu.memory_space<vmem_shared>> -> memref<128x128xf32, #tpu.memory_space<vmem_shared>>
    %dma_start3A_6 = arith.constant 0 : i32
    %dma_start3A_7 = tpu.memref_slice %arg11[%add3A_4, %dma_start3A_6] : memref<10240x128xf32, #tpu.memory_space<vmem_shared>> -> memref<128x128xf32, #tpu.memory_space<vmem_shared>>
    tpu.enqueue_dma source(%arg9 : memref<128x128xf32, #tpu.memory_space<vmem>>) target(%dma_start3A_7 : memref<128x128xf32, #tpu.memory_space<vmem_shared>>) target_semaphore(%arg14 : memref<!tpu.dma_semaphore, #tpu.memory_space<semaphore_mem>>)
    %mul3A_8 = arith.constant 640 : i32
    %mul3A_9 = arith.muli %arg1, %mul3A_8 : i32
    %add3A_10 = arith.constant 128 : i32
    %add3A_11 = arith.addi %mul3A_9, %add3A_10 : i32
    %dma_start3A_12 = arith.constant 0 : i32
    %dma_start3A_13 = tpu.memref_slice %arg11[%add3A_11, %dma_start3A_12] : memref<10240x128xf32, #tpu.memory_space<vmem_shared>> -> memref<128x128xf32, #tpu.memory_space<vmem_shared>>
    %dma_start3A_14 = arith.constant 0 : i32
    %dma_start3A_15 = tpu.memref_slice %arg11[%add3A_11, %dma_start3A_14] : memref<10240x128xf32, #tpu.memory_space<vmem_shared>> -> memref<128x128xf32, #tpu.memory_space<vmem_shared>>
    tpu.enqueue_dma source(%arg9 : memref<128x128xf32, #tpu.memory_space<vmem>>) target(%dma_start3A_15 : memref<128x128xf32, #tpu.memory_space<vmem_shared>>) target_semaphore(%arg14 : memref<!tpu.dma_semaphore, #tpu.memory_space<semaphore_mem>>)
    %mul3A_16 = arith.constant 640 : i32
    %mul3A_17 = arith.muli %arg1, %mul3A_16 : i32
    %add3A_18 = arith.constant 256 : i32
    %add3A_19 = arith.addi %mul3A_17, %add3A_18 : i32
    %dma_start3A_20 = arith.constant 0 : i32
    %dma_start3A_21 = tpu.memref_slice %arg11[%add3A_19, %dma_start3A_20] : memref<10240x128xf32, #tpu.memory_space<vmem_shared>> -> memref<128x128xf32, #tpu.memory_space<vmem_shared>>
    %dma_start3A_22 = arith.constant 0 : i32
    %dma_start3A_23 = tpu.memref_slice %arg11[%add3A_19, %dma_start3A_22] : memref<10240x128xf32, #tpu.memory_space<vmem_shared>> -> memref<128x128xf32, #tpu.memory_space<vmem_shared>>
    tpu.enqueue_dma source(%arg9 : memref<128x128xf32, #tpu.memory_space<vmem>>) target(%dma_start3A_23 : memref<128x128xf32, #tpu.memory_space<vmem_shared>>) target_semaphore(%arg14 : memref<!tpu.dma_semaphore, #tpu.memory_space<semaphore_mem>>)
    %mul3A_24 = arith.constant 640 : i32
    %mul3A_25 = arith.muli %arg1, %mul3A_24 : i32
    %add3A_26 = arith.constant 384 : i32
    %add3A_27 = arith.addi %mul3A_25, %add3A_26 : i32
    %dma_start3A_28 = arith.constant 0 : i32
    %dma_start3A_29 = tpu.memref_slice %arg11[%add3A_27, %dma_start3A_28] : memref<10240x128xf32, #tpu.memory_space<vmem_shared>> -> memref<128x128xf32, #tpu.memory_space<vmem_shared>>
    %dma_start3A_30 = arith.constant 0 : i32
    %dma_start3A_31 = tpu.memref_slice %arg11[%add3A_27, %dma_start3A_30] : memref<10240x128xf32, #tpu.memory_space<vmem_shared>> -> memref<128x128xf32, #tpu.memory_space<vmem_shared>>
    tpu.enqueue_dma source(%arg9 : memref<128x128xf32, #tpu.memory_space<vmem>>) target(%dma_start3A_31 : memref<128x128xf32, #tpu.memory_space<vmem_shared>>) target_semaphore(%arg14 : memref<!tpu.dma_semaphore, #tpu.memory_space<semaphore_mem>>)
    %mul3A_32 = arith.constant 640 : i32
    %mul3A_33 = arith.muli %arg1, %mul3A_32 : i32
    %add3A_34 = arith.constant 512 : i32
    %add3A_35 = arith.addi %mul3A_33, %add3A_34 : i32
    %dma_start3A_36 = arith.constant 0 : i32
    %dma_start3A_37 = tpu.memref_slice %arg11[%add3A_35, %dma_start3A_36] : memref<10240x128xf32, #tpu.memory_space<vmem_shared>> -> memref<128x128xf32, #tpu.memory_space<vmem_shared>>
    %dma_start3A_38 = arith.constant 0 : i32
    %dma_start3A_39 = tpu.memref_slice %arg11[%add3A_35, %dma_start3A_38] : memref<10240x128xf32, #tpu.memory_space<vmem_shared>> -> memref<128x128xf32, #tpu.memory_space<vmem_shared>>
    tpu.enqueue_dma source(%arg9 : memref<128x128xf32, #tpu.memory_space<vmem>>) target(%dma_start3A_39 : memref<128x128xf32, #tpu.memory_space<vmem_shared>>) target_semaphore(%arg14 : memref<!tpu.dma_semaphore, #tpu.memory_space<semaphore_mem>>)
    "tpu.region"() ({
      %run_scoped3A = tpu.sem_alloc : memref<!tpu.dma_semaphore, #tpu.memory_space<semaphore_mem>>
      %dma_start3A_305 = arith.constant 0 : i32
      %dma_start3A_306 = arith.constant 0 : i32
      %dma_start3A_307 = tpu.memref_slice %arg3[%add3A, %dma_start3A_305, %dma_start3A_306] : memref<32x80x128xi32, #tpu.memory_space<hbm>> -> memref<1x40x128xi32, #tpu.memory_space<hbm>>
      %dma_start3A_308 = tpu.memref_squeeze %dma_start3A_307 : memref<1x40x128xi32, #tpu.memory_space<hbm>> -> memref<40x128xi32, #tpu.memory_space<hbm>>
      %dma_start3A_309 = arith.constant 0 : i32
      %dma_start3A_310 = arith.constant 0 : i32
      %dma_start3A_311 = tpu.memref_slice %arg3[%add3A, %dma_start3A_309, %dma_start3A_310] : memref<32x80x128xi32, #tpu.memory_space<hbm>> -> memref<1x40x128xi32, #tpu.memory_space<hbm>>
      %dma_start3A_312 = tpu.memref_squeeze %dma_start3A_311 : memref<1x40x128xi32, #tpu.memory_space<hbm>> -> memref<40x128xi32, #tpu.memory_space<hbm>>
      tpu.enqueue_dma source(%dma_start3A_312 : memref<40x128xi32, #tpu.memory_space<hbm>>) target(%arg7 : memref<40x128xi32, #tpu.memory_space<vmem>>) target_semaphore(%run_scoped3A : memref<!tpu.dma_semaphore, #tpu.memory_space<semaphore_mem>>)
      %dma_wait3A_313 = arith.constant 0 : i32
      %dma_wait3A_314 = arith.constant 0 : i32
      %dma_wait3A_315 = tpu.memref_slice %arg3[%add3A, %dma_wait3A_313, %dma_wait3A_314] : memref<32x80x128xi32, #tpu.memory_space<hbm>> -> memref<1x40x128xi32, #tpu.memory_space<hbm>>
      %dma_wait3A_316 = tpu.memref_squeeze %dma_wait3A_315 : memref<1x40x128xi32, #tpu.memory_space<hbm>> -> memref<40x128xi32, #tpu.memory_space<hbm>>
      %dma_wait3A_317 = arith.constant 0 : i32
      %dma_wait3A_318 = arith.constant 0 : i32
      %dma_wait3A_319 = tpu.memref_slice %arg3[%add3A, %dma_wait3A_317, %dma_wait3A_318] : memref<32x80x128xi32, #tpu.memory_space<hbm>> -> memref<1x40x128xi32, #tpu.memory_space<hbm>>
      %dma_wait3A_320 = tpu.memref_squeeze %dma_wait3A_319 : memref<1x40x128xi32, #tpu.memory_space<hbm>> -> memref<40x128xi32, #tpu.memory_space<hbm>>
      tpu.wait_dma2 semaphore(%run_scoped3A : memref<!tpu.dma_semaphore, #tpu.memory_space<semaphore_mem>>) src(%dma_wait3A_320 : memref<40x128xi32, #tpu.memory_space<hbm>>) dst(%arg7 : memref<40x128xi32, #tpu.memory_space<vmem>>)
      tpu.yield
    }) : () -> ()
    "tpu.region"() ({
      %run_scoped3A = tpu.sem_alloc : memref<!tpu.dma_semaphore, #tpu.memory_space<semaphore_mem>>
      %dma_start3A_305 = arith.constant 0 : i32
      %dma_start3A_306 = arith.constant 0 : i32
      %dma_start3A_307 = tpu.memref_slice %arg4[%add3A, %dma_start3A_305, %dma_start3A_306] : memref<32x80x128xi32, #tpu.memory_space<hbm>> -> memref<1x40x128xi32, #tpu.memory_space<hbm>>
      %dma_start3A_308 = tpu.memref_squeeze %dma_start3A_307 : memref<1x40x128xi32, #tpu.memory_space<hbm>> -> memref<40x128xi32, #tpu.memory_space<hbm>>
      %dma_start3A_309 = arith.constant 0 : i32
      %dma_start3A_310 = arith.constant 0 : i32
      %dma_start3A_311 = tpu.memref_slice %arg4[%add3A, %dma_start3A_309, %dma_start3A_310] : memref<32x80x128xi32, #tpu.memory_space<hbm>> -> memref<1x40x128xi32, #tpu.memory_space<hbm>>
      %dma_start3A_312 = tpu.memref_squeeze %dma_start3A_311 : memref<1x40x128xi32, #tpu.memory_space<hbm>> -> memref<40x128xi32, #tpu.memory_space<hbm>>
      tpu.enqueue_dma source(%dma_start3A_312 : memref<40x128xi32, #tpu.memory_space<hbm>>) target(%arg8 : memref<40x128xi32, #tpu.memory_space<vmem>>) target_semaphore(%run_scoped3A : memref<!tpu.dma_semaphore, #tpu.memory_space<semaphore_mem>>)
      %dma_wait3A_313 = arith.constant 0 : i32
      %dma_wait3A_314 = arith.constant 0 : i32
      %dma_wait3A_315 = tpu.memref_slice %arg4[%add3A, %dma_wait3A_313, %dma_wait3A_314] : memref<32x80x128xi32, #tpu.memory_space<hbm>> -> memref<1x40x128xi32, #tpu.memory_space<hbm>>
      %dma_wait3A_316 = tpu.memref_squeeze %dma_wait3A_315 : memref<1x40x128xi32, #tpu.memory_space<hbm>> -> memref<40x128xi32, #tpu.memory_space<hbm>>
      %dma_wait3A_317 = arith.constant 0 : i32
      %dma_wait3A_318 = arith.constant 0 : i32
      %dma_wait3A_319 = tpu.memref_slice %arg4[%add3A, %dma_wait3A_317, %dma_wait3A_318] : memref<32x80x128xi32, #tpu.memory_space<hbm>> -> memref<1x40x128xi32, #tpu.memory_space<hbm>>
      %dma_wait3A_320 = tpu.memref_squeeze %dma_wait3A_319 : memref<1x40x128xi32, #tpu.memory_space<hbm>> -> memref<40x128xi32, #tpu.memory_space<hbm>>
      tpu.wait_dma2 semaphore(%run_scoped3A : memref<!tpu.dma_semaphore, #tpu.memory_space<semaphore_mem>>) src(%dma_wait3A_320 : memref<40x128xi32, #tpu.memory_space<hbm>>) dst(%arg8 : memref<40x128xi32, #tpu.memory_space<vmem>>)
      tpu.yield
    }) : () -> ()
    %mul3A_40 = arith.constant 640 : i32
    %mul3A_41 = arith.muli %arg1, %mul3A_40 : i32
    %add3A_42 = arith.constant 0 : i32
    %add3A_43 = arith.addi %mul3A_41, %add3A_42 : i32
    %dma_wait3A = arith.constant 0 : i32
    %dma_wait3A_44 = tpu.memref_slice %arg11[%add3A_43, %dma_wait3A] : memref<10240x128xf32, #tpu.memory_space<vmem_shared>> -> memref<128x128xf32, #tpu.memory_space<vmem_shared>>
    %dma_wait3A_45 = arith.constant 0 : i32
    %dma_wait3A_46 = tpu.memref_slice %arg11[%add3A_43, %dma_wait3A_45] : memref<10240x128xf32, #tpu.memory_space<vmem_shared>> -> memref<128x128xf32, #tpu.memory_space<vmem_shared>>
    tpu.wait_dma2 semaphore(%arg14 : memref<!tpu.dma_semaphore, #tpu.memory_space<semaphore_mem>>) src(%arg9 : memref<128x128xf32, #tpu.memory_space<vmem>>) dst(%dma_wait3A_46 : memref<128x128xf32, #tpu.memory_space<vmem_shared>>)
    %mul3A_47 = arith.constant 640 : i32
    %mul3A_48 = arith.muli %arg1, %mul3A_47 : i32
    %add3A_49 = arith.constant 128 : i32
    %add3A_50 = arith.addi %mul3A_48, %add3A_49 : i32
    %dma_wait3A_51 = arith.constant 0 : i32
    %dma_wait3A_52 = tpu.memref_slice %arg11[%add3A_50, %dma_wait3A_51] : memref<10240x128xf32, #tpu.memory_space<vmem_shared>> -> memref<128x128xf32, #tpu.memory_space<vmem_shared>>
    %dma_wait3A_53 = arith.constant 0 : i32
    %dma_wait3A_54 = tpu.memref_slice %arg11[%add3A_50, %dma_wait3A_53] : memref<10240x128xf32, #tpu.memory_space<vmem_shared>> -> memref<128x128xf32, #tpu.memory_space<vmem_shared>>
    tpu.wait_dma2 semaphore(%arg14 : memref<!tpu.dma_semaphore, #tpu.memory_space<semaphore_mem>>) src(%arg9 : memref<128x128xf32, #tpu.memory_space<vmem>>) dst(%dma_wait3A_54 : memref<128x128xf32, #tpu.memory_space<vmem_shared>>)
    %mul3A_55 = arith.constant 640 : i32
    %mul3A_56 = arith.muli %arg1, %mul3A_55 : i32
    %add3A_57 = arith.constant 256 : i32
    %add3A_58 = arith.addi %mul3A_56, %add3A_57 : i32
    %dma_wait3A_59 = arith.constant 0 : i32
    %dma_wait3A_60 = tpu.memref_slice %arg11[%add3A_58, %dma_wait3A_59] : memref<10240x128xf32, #tpu.memory_space<vmem_shared>> -> memref<128x128xf32, #tpu.memory_space<vmem_shared>>
    %dma_wait3A_61 = arith.constant 0 : i32
    %dma_wait3A_62 = tpu.memref_slice %arg11[%add3A_58, %dma_wait3A_61] : memref<10240x128xf32, #tpu.memory_space<vmem_shared>> -> memref<128x128xf32, #tpu.memory_space<vmem_shared>>
    tpu.wait_dma2 semaphore(%arg14 : memref<!tpu.dma_semaphore, #tpu.memory_space<semaphore_mem>>) src(%arg9 : memref<128x128xf32, #tpu.memory_space<vmem>>) dst(%dma_wait3A_62 : memref<128x128xf32, #tpu.memory_space<vmem_shared>>)
    %mul3A_63 = arith.constant 640 : i32
    %mul3A_64 = arith.muli %arg1, %mul3A_63 : i32
    %add3A_65 = arith.constant 384 : i32
    %add3A_66 = arith.addi %mul3A_64, %add3A_65 : i32
    %dma_wait3A_67 = arith.constant 0 : i32
    %dma_wait3A_68 = tpu.memref_slice %arg11[%add3A_66, %dma_wait3A_67] : memref<10240x128xf32, #tpu.memory_space<vmem_shared>> -> memref<128x128xf32, #tpu.memory_space<vmem_shared>>
    %dma_wait3A_69 = arith.constant 0 : i32
    %dma_wait3A_70 = tpu.memref_slice %arg11[%add3A_66, %dma_wait3A_69] : memref<10240x128xf32, #tpu.memory_space<vmem_shared>> -> memref<128x128xf32, #tpu.memory_space<vmem_shared>>
    tpu.wait_dma2 semaphore(%arg14 : memref<!tpu.dma_semaphore, #tpu.memory_space<semaphore_mem>>) src(%arg9 : memref<128x128xf32, #tpu.memory_space<vmem>>) dst(%dma_wait3A_70 : memref<128x128xf32, #tpu.memory_space<vmem_shared>>)
    %mul3A_71 = arith.constant 640 : i32
    %mul3A_72 = arith.muli %arg1, %mul3A_71 : i32
    %add3A_73 = arith.constant 512 : i32
    %add3A_74 = arith.addi %mul3A_72, %add3A_73 : i32
    %dma_wait3A_75 = arith.constant 0 : i32
    %dma_wait3A_76 = tpu.memref_slice %arg11[%add3A_74, %dma_wait3A_75] : memref<10240x128xf32, #tpu.memory_space<vmem_shared>> -> memref<128x128xf32, #tpu.memory_space<vmem_shared>>
    %dma_wait3A_77 = arith.constant 0 : i32
    %dma_wait3A_78 = tpu.memref_slice %arg11[%add3A_74, %dma_wait3A_77] : memref<10240x128xf32, #tpu.memory_space<vmem_shared>> -> memref<128x128xf32, #tpu.memory_space<vmem_shared>>
    tpu.wait_dma2 semaphore(%arg14 : memref<!tpu.dma_semaphore, #tpu.memory_space<semaphore_mem>>) src(%arg9 : memref<128x128xf32, #tpu.memory_space<vmem>>) dst(%dma_wait3A_78 : memref<128x128xf32, #tpu.memory_space<vmem_shared>>)
    %barrier3A = arith.constant 0 : index
    tpu.barrier barrier_id(%barrier3A)
    %dma_start3A_79 = arith.constant 0 : i32
    %dma_start3A_80 = arith.constant 0 : i32
    %dma_start3A_81 = tpu.memref_slice %arg7[%dma_start3A_79, %dma_start3A_80] : memref<40x128xi32, #tpu.memory_space<vmem>> -> memref<1x128xi32, #tpu.memory_space<vmem>>
    %dma_start3A_82 = tpu.memref_squeeze %dma_start3A_81 : memref<1x128xi32, #tpu.memory_space<vmem>> -> memref<128xi32, #tpu.memory_space<vmem>>
    %dma_start3A_83 = arith.constant 0 : i32
    %dma_start3A_84 = arith.constant 0 : i32
    %dma_start3A_85 = tpu.memref_slice %arg2[%dma_start3A_83, %dma_start3A_84] : memref<10000x128xf32, #tpu.memory_space<hbm>> -> memref<10000x128xf32, #tpu.memory_space<hbm>>
    tpu.enqueue_indirect_dma source(%dma_start3A_85 : memref<10000x128xf32, #tpu.memory_space<hbm>>) target(%arg9 : memref<128x128xf32, #tpu.memory_space<vmem>>) offsets(%dma_start3A_82 : memref<128xi32, #tpu.memory_space<vmem>>) semaphore(%arg12 : memref<!tpu.dma_semaphore, #tpu.memory_space<semaphore_mem>>)
    %dma_start3A_86 = arith.constant 1 : i32
    %dma_start3A_87 = arith.constant 0 : i32
    %dma_start3A_88 = tpu.memref_slice %arg7[%dma_start3A_86, %dma_start3A_87] : memref<40x128xi32, #tpu.memory_space<vmem>> -> memref<1x128xi32, #tpu.memory_space<vmem>>
    %dma_start3A_89 = tpu.memref_squeeze %dma_start3A_88 : memref<1x128xi32, #tpu.memory_space<vmem>> -> memref<128xi32, #tpu.memory_space<vmem>>
    %dma_start3A_90 = arith.constant 0 : i32
    %dma_start3A_91 = arith.constant 0 : i32
    %dma_start3A_92 = tpu.memref_slice %arg2[%dma_start3A_90, %dma_start3A_91] : memref<10000x128xf32, #tpu.memory_space<hbm>> -> memref<10000x128xf32, #tpu.memory_space<hbm>>
    tpu.enqueue_indirect_dma source(%dma_start3A_92 : memref<10000x128xf32, #tpu.memory_space<hbm>>) target(%arg10 : memref<128x128xf32, #tpu.memory_space<vmem>>) offsets(%dma_start3A_89 : memref<128xi32, #tpu.memory_space<vmem>>) semaphore(%arg13 : memref<!tpu.dma_semaphore, #tpu.memory_space<semaphore_mem>>)
    %scan3A = arith.constant 0 : i32
    %scan3A_93 = arith.constant 0 : i32
    %scan3A_94 = arith.constant 20 : i32
    %scan3A_95 = arith.addi %scan3A_93, %scan3A_94 : i32
    %scan3A_96 = arith.constant 1 : i32
    scf.for %scan3A_305 = %scan3A_93 to %scan3A_95 step %scan3A_96  : i32 {
      %mul3A_306 = arith.constant 2 : i32
      %mul3A_307 = arith.muli %scan3A_305, %mul3A_306 : i32
      %dma_wait3A_308 = arith.constant 0 : i32
      %dma_wait3A_309 = arith.constant 0 : i32
      %dma_wait3A_310 = tpu.memref_slice %arg7[%dma_wait3A_308, %dma_wait3A_309] : memref<40x128xi32, #tpu.memory_space<vmem>> -> memref<1x128xi32, #tpu.memory_space<vmem>>
      %dma_wait3A_311 = tpu.memref_squeeze %dma_wait3A_310 : memref<1x128xi32, #tpu.memory_space<vmem>> -> memref<128xi32, #tpu.memory_space<vmem>>
      %dma_wait3A_312 = arith.constant 0 : i32
      %dma_wait3A_313 = arith.constant 0 : i32
      %dma_wait3A_314 = tpu.memref_slice %arg2[%dma_wait3A_312, %dma_wait3A_313] : memref<10000x128xf32, #tpu.memory_space<hbm>> -> memref<10000x128xf32, #tpu.memory_space<hbm>>
      tpu.wait_indirect_dma semaphore(%arg12 : memref<!tpu.dma_semaphore, #tpu.memory_space<semaphore_mem>>) src(%dma_wait3A_314 : memref<10000x128xf32, #tpu.memory_space<hbm>>) dst(%arg9 : memref<128x128xf32, #tpu.memory_space<vmem>>)
      %dma_start3A_315 = arith.constant 0 : i32
      %dma_start3A_316 = tpu.memref_slice %arg8[%mul3A_307, %dma_start3A_315] : memref<40x128xi32, #tpu.memory_space<vmem>> -> memref<1x128xi32, #tpu.memory_space<vmem>>
      %dma_start3A_317 = tpu.memref_squeeze %dma_start3A_316 : memref<1x128xi32, #tpu.memory_space<vmem>> -> memref<128xi32, #tpu.memory_space<vmem>>
      %dma_start3A_318 = arith.constant 0 : i32
      %dma_start3A_319 = arith.constant 0 : i32
      %dma_start3A_320 = tpu.memref_slice %arg11[%dma_start3A_318, %dma_start3A_319] : memref<10240x128xf32, #tpu.memory_space<vmem_shared>> -> memref<10240x128xf32, #tpu.memory_space<vmem_shared>>
      tpu.enqueue_indirect_dma source(%arg9 : memref<128x128xf32, #tpu.memory_space<vmem>>) target(%dma_start3A_320 : memref<10240x128xf32, #tpu.memory_space<vmem_shared>>) offsets(%dma_start3A_317 : memref<128xi32, #tpu.memory_space<vmem>>) semaphore(%arg14 : memref<!tpu.dma_semaphore, #tpu.memory_space<semaphore_mem>>) {add = true}
      %lt3A = arith.constant 19 : i32
      %lt3A_321 = arith.cmpi slt, %scan3A_305, %lt3A : i32
      %convert_element_type3A = arith.extui %lt3A_321 : i1 to i32
      %cond3A = arith.constant 0 : i32
      %cond3A_322 = arith.cmpi ne, %convert_element_type3A, %cond3A : i32
      scf.if %cond3A_322 {
        %dma_wait3A_343 = arith.constant 0 : i32
        %dma_wait3A_344 = arith.constant 0 : i32
        %dma_wait3A_345 = tpu.memref_slice %arg8[%dma_wait3A_343, %dma_wait3A_344] : memref<40x128xi32, #tpu.memory_space<vmem>> -> memref<1x128xi32, #tpu.memory_space<vmem>>
        %dma_wait3A_346 = tpu.memref_squeeze %dma_wait3A_345 : memref<1x128xi32, #tpu.memory_space<vmem>> -> memref<128xi32, #tpu.memory_space<vmem>>
        %dma_wait3A_347 = arith.constant 0 : i32
        %dma_wait3A_348 = arith.constant 0 : i32
        %dma_wait3A_349 = tpu.memref_slice %arg11[%dma_wait3A_347, %dma_wait3A_348] : memref<10240x128xf32, #tpu.memory_space<vmem_shared>> -> memref<10240x128xf32, #tpu.memory_space<vmem_shared>>
        tpu.wait_indirect_dma semaphore(%arg14 : memref<!tpu.dma_semaphore, #tpu.memory_space<semaphore_mem>>) src(%arg9 : memref<128x128xf32, #tpu.memory_space<vmem>>) dst(%dma_wait3A_349 : memref<10240x128xf32, #tpu.memory_space<vmem_shared>>)
        %add3A_350 = arith.constant 2 : i32
        %add3A_351 = arith.addi %mul3A_307, %add3A_350 : i32
        %dma_start3A_352 = arith.constant 0 : i32
        %dma_start3A_353 = tpu.memref_slice %arg7[%add3A_351, %dma_start3A_352] : memref<40x128xi32, #tpu.memory_space<vmem>> -> memref<1x128xi32, #tpu.memory_space<vmem>>
        %dma_start3A_354 = tpu.memref_squeeze %dma_start3A_353 : memref<1x128xi32, #tpu.memory_space<vmem>> -> memref<128xi32, #tpu.memory_space<vmem>>
        %dma_start3A_355 = arith.constant 0 : i32
        %dma_start3A_356 = arith.constant 0 : i32
        %dma_start3A_357 = tpu.memref_slice %arg2[%dma_start3A_355, %dma_start3A_356] : memref<10000x128xf32, #tpu.memory_space<hbm>> -> memref<10000x128xf32, #tpu.memory_space<hbm>>
        tpu.enqueue_indirect_dma source(%dma_start3A_357 : memref<10000x128xf32, #tpu.memory_space<hbm>>) target(%arg9 : memref<128x128xf32, #tpu.memory_space<vmem>>) offsets(%dma_start3A_354 : memref<128xi32, #tpu.memory_space<vmem>>) semaphore(%arg12 : memref<!tpu.dma_semaphore, #tpu.memory_space<semaphore_mem>>)
      } else {
      }
      %dma_wait3A_323 = arith.constant 0 : i32
      %dma_wait3A_324 = arith.constant 0 : i32
      %dma_wait3A_325 = tpu.memref_slice %arg7[%dma_wait3A_323, %dma_wait3A_324] : memref<40x128xi32, #tpu.memory_space<vmem>> -> memref<1x128xi32, #tpu.memory_space<vmem>>
      %dma_wait3A_326 = tpu.memref_squeeze %dma_wait3A_325 : memref<1x128xi32, #tpu.memory_space<vmem>> -> memref<128xi32, #tpu.memory_space<vmem>>
      %dma_wait3A_327 = arith.constant 0 : i32
      %dma_wait3A_328 = arith.constant 0 : i32
      %dma_wait3A_329 = tpu.memref_slice %arg2[%dma_wait3A_327, %dma_wait3A_328] : memref<10000x128xf32, #tpu.memory_space<hbm>> -> memref<10000x128xf32, #tpu.memory_space<hbm>>
      tpu.wait_indirect_dma semaphore(%arg13 : memref<!tpu.dma_semaphore, #tpu.memory_space<semaphore_mem>>) src(%dma_wait3A_329 : memref<10000x128xf32, #tpu.memory_space<hbm>>) dst(%arg10 : memref<128x128xf32, #tpu.memory_space<vmem>>)
      %add3A_330 = arith.constant 1 : i32
      %add3A_331 = arith.addi %mul3A_307, %add3A_330 : i32
      %dma_start3A_332 = arith.constant 0 : i32
      %dma_start3A_333 = tpu.memref_slice %arg8[%add3A_331, %dma_start3A_332] : memref<40x128xi32, #tpu.memory_space<vmem>> -> memref<1x128xi32, #tpu.memory_space<vmem>>
      %dma_start3A_334 = tpu.memref_squeeze %dma_start3A_333 : memref<1x128xi32, #tpu.memory_space<vmem>> -> memref<128xi32, #tpu.memory_space<vmem>>
      %dma_start3A_335 = arith.constant 0 : i32
      %dma_start3A_336 = arith.constant 0 : i32
      %dma_start3A_337 = tpu.memref_slice %arg11[%dma_start3A_335, %dma_start3A_336] : memref<10240x128xf32, #tpu.memory_space<vmem_shared>> -> memref<10240x128xf32, #tpu.memory_space<vmem_shared>>
      tpu.enqueue_indirect_dma source(%arg10 : memref<128x128xf32, #tpu.memory_space<vmem>>) target(%dma_start3A_337 : memref<10240x128xf32, #tpu.memory_space<vmem_shared>>) offsets(%dma_start3A_334 : memref<128xi32, #tpu.memory_space<vmem>>) semaphore(%arg15 : memref<!tpu.dma_semaphore, #tpu.memory_space<semaphore_mem>>) {add = true}
      %lt3A_338 = arith.constant 19 : i32
      %lt3A_339 = arith.cmpi slt, %scan3A_305, %lt3A_338 : i32
      %convert_element_type3A_340 = arith.extui %lt3A_339 : i1 to i32
      %cond3A_341 = arith.constant 0 : i32
      %cond3A_342 = arith.cmpi ne, %convert_element_type3A_340, %cond3A_341 : i32
      scf.if %cond3A_342 {
        %dma_wait3A_343 = arith.constant 0 : i32
        %dma_wait3A_344 = arith.constant 0 : i32
        %dma_wait3A_345 = tpu.memref_slice %arg8[%dma_wait3A_343, %dma_wait3A_344] : memref<40x128xi32, #tpu.memory_space<vmem>> -> memref<1x128xi32, #tpu.memory_space<vmem>>
        %dma_wait3A_346 = tpu.memref_squeeze %dma_wait3A_345 : memref<1x128xi32, #tpu.memory_space<vmem>> -> memref<128xi32, #tpu.memory_space<vmem>>
        %dma_wait3A_347 = arith.constant 0 : i32
        %dma_wait3A_348 = arith.constant 0 : i32
        %dma_wait3A_349 = tpu.memref_slice %arg11[%dma_wait3A_347, %dma_wait3A_348] : memref<10240x128xf32, #tpu.memory_space<vmem_shared>> -> memref<10240x128xf32, #tpu.memory_space<vmem_shared>>
        tpu.wait_indirect_dma semaphore(%arg15 : memref<!tpu.dma_semaphore, #tpu.memory_space<semaphore_mem>>) src(%arg10 : memref<128x128xf32, #tpu.memory_space<vmem>>) dst(%dma_wait3A_349 : memref<10240x128xf32, #tpu.memory_space<vmem_shared>>)
        %add3A_350 = arith.constant 3 : i32
        %add3A_351 = arith.addi %mul3A_307, %add3A_350 : i32
        %dma_start3A_352 = arith.constant 0 : i32
        %dma_start3A_353 = tpu.memref_slice %arg7[%add3A_351, %dma_start3A_352] : memref<40x128xi32, #tpu.memory_space<vmem>> -> memref<1x128xi32, #tpu.memory_space<vmem>>
        %dma_start3A_354 = tpu.memref_squeeze %dma_start3A_353 : memref<1x128xi32, #tpu.memory_space<vmem>> -> memref<128xi32, #tpu.memory_space<vmem>>
        %dma_start3A_355 = arith.constant 0 : i32
        %dma_start3A_356 = arith.constant 0 : i32
        %dma_start3A_357 = tpu.memref_slice %arg2[%dma_start3A_355, %dma_start3A_356] : memref<10000x128xf32, #tpu.memory_space<hbm>> -> memref<10000x128xf32, #tpu.memory_space<hbm>>
        tpu.enqueue_indirect_dma source(%dma_start3A_357 : memref<10000x128xf32, #tpu.memory_space<hbm>>) target(%arg10 : memref<128x128xf32, #tpu.memory_space<vmem>>) offsets(%dma_start3A_354 : memref<128xi32, #tpu.memory_space<vmem>>) semaphore(%arg13 : memref<!tpu.dma_semaphore, #tpu.memory_space<semaphore_mem>>)
      } else {
      }
    }
    %scan3A_97 = arith.constant 20 : i32
    %dma_wait3A_98 = arith.constant 0 : i32
    %dma_wait3A_99 = arith.constant 0 : i32
    %dma_wait3A_100 = tpu.memref_slice %arg8[%dma_wait3A_98, %dma_wait3A_99] : memref<40x128xi32, #tpu.memory_space<vmem>> -> memref<1x128xi32, #tpu.memory_space<vmem>>
    %dma_wait3A_101 = tpu.memref_squeeze %dma_wait3A_100 : memref<1x128xi32, #tpu.memory_space<vmem>> -> memref<128xi32, #tpu.memory_space<vmem>>
    %dma_wait3A_102 = arith.constant 0 : i32
    %dma_wait3A_103 = arith.constant 0 : i32
    %dma_wait3A_104 = tpu.memref_slice %arg11[%dma_wait3A_102, %dma_wait3A_103] : memref<10240x128xf32, #tpu.memory_space<vmem_shared>> -> memref<10240x128xf32, #tpu.memory_space<vmem_shared>>
    tpu.wait_indirect_dma semaphore(%arg14 : memref<!tpu.dma_semaphore, #tpu.memory_space<semaphore_mem>>) src(%arg9 : memref<128x128xf32, #tpu.memory_space<vmem>>) dst(%dma_wait3A_104 : memref<10240x128xf32, #tpu.memory_space<vmem_shared>>)
    %dma_wait3A_105 = arith.constant 0 : i32
    %dma_wait3A_106 = arith.constant 0 : i32
    %dma_wait3A_107 = tpu.memref_slice %arg8[%dma_wait3A_105, %dma_wait3A_106] : memref<40x128xi32, #tpu.memory_space<vmem>> -> memref<1x128xi32, #tpu.memory_space<vmem>>
    %dma_wait3A_108 = tpu.memref_squeeze %dma_wait3A_107 : memref<1x128xi32, #tpu.memory_space<vmem>> -> memref<128xi32, #tpu.memory_space<vmem>>
    %dma_wait3A_109 = arith.constant 0 : i32
    %dma_wait3A_110 = arith.constant 0 : i32
    %dma_wait3A_111 = tpu.memref_slice %arg11[%dma_wait3A_109, %dma_wait3A_110] : memref<10240x128xf32, #tpu.memory_space<vmem_shared>> -> memref<10240x128xf32, #tpu.memory_space<vmem_shared>>
    tpu.wait_indirect_dma semaphore(%arg15 : memref<!tpu.dma_semaphore, #tpu.memory_space<semaphore_mem>>) src(%arg10 : memref<128x128xf32, #tpu.memory_space<vmem>>) dst(%dma_wait3A_111 : memref<10240x128xf32, #tpu.memory_space<vmem_shared>>)
    "tpu.region"() ({
      %run_scoped3A = tpu.sem_alloc : memref<!tpu.dma_semaphore, #tpu.memory_space<semaphore_mem>>
      %dma_start3A_305 = arith.constant 40 : i32
      %dma_start3A_306 = arith.constant 0 : i32
      %dma_start3A_307 = tpu.memref_slice %arg3[%add3A, %dma_start3A_305, %dma_start3A_306] : memref<32x80x128xi32, #tpu.memory_space<hbm>> -> memref<1x40x128xi32, #tpu.memory_space<hbm>>
      %dma_start3A_308 = tpu.memref_squeeze %dma_start3A_307 : memref<1x40x128xi32, #tpu.memory_space<hbm>> -> memref<40x128xi32, #tpu.memory_space<hbm>>
      %dma_start3A_309 = arith.constant 40 : i32
      %dma_start3A_310 = arith.constant 0 : i32
      %dma_start3A_311 = tpu.memref_slice %arg3[%add3A, %dma_start3A_309, %dma_start3A_310] : memref<32x80x128xi32, #tpu.memory_space<hbm>> -> memref<1x40x128xi32, #tpu.memory_space<hbm>>
      %dma_start3A_312 = tpu.memref_squeeze %dma_start3A_311 : memref<1x40x128xi32, #tpu.memory_space<hbm>> -> memref<40x128xi32, #tpu.memory_space<hbm>>
      tpu.enqueue_dma source(%dma_start3A_312 : memref<40x128xi32, #tpu.memory_space<hbm>>) target(%arg7 : memref<40x128xi32, #tpu.memory_space<vmem>>) target_semaphore(%run_scoped3A : memref<!tpu.dma_semaphore, #tpu.memory_space<semaphore_mem>>)
      %dma_wait3A_313 = arith.constant 40 : i32
      %dma_wait3A_314 = arith.constant 0 : i32
      %dma_wait3A_315 = tpu.memref_slice %arg3[%add3A, %dma_wait3A_313, %dma_wait3A_314] : memref<32x80x128xi32, #tpu.memory_space<hbm>> -> memref<1x40x128xi32, #tpu.memory_space<hbm>>
      %dma_wait3A_316 = tpu.memref_squeeze %dma_wait3A_315 : memref<1x40x128xi32, #tpu.memory_space<hbm>> -> memref<40x128xi32, #tpu.memory_space<hbm>>
      %dma_wait3A_317 = arith.constant 40 : i32
      %dma_wait3A_318 = arith.constant 0 : i32
      %dma_wait3A_319 = tpu.memref_slice %arg3[%add3A, %dma_wait3A_317, %dma_wait3A_318] : memref<32x80x128xi32, #tpu.memory_space<hbm>> -> memref<1x40x128xi32, #tpu.memory_space<hbm>>
      %dma_wait3A_320 = tpu.memref_squeeze %dma_wait3A_319 : memref<1x40x128xi32, #tpu.memory_space<hbm>> -> memref<40x128xi32, #tpu.memory_space<hbm>>
      tpu.wait_dma2 semaphore(%run_scoped3A : memref<!tpu.dma_semaphore, #tpu.memory_space<semaphore_mem>>) src(%dma_wait3A_320 : memref<40x128xi32, #tpu.memory_space<hbm>>) dst(%arg7 : memref<40x128xi32, #tpu.memory_space<vmem>>)
      tpu.yield
    }) : () -> ()
    "tpu.region"() ({
      %run_scoped3A = tpu.sem_alloc : memref<!tpu.dma_semaphore, #tpu.memory_space<semaphore_mem>>
      %dma_start3A_305 = arith.constant 40 : i32
      %dma_start3A_306 = arith.constant 0 : i32
      %dma_start3A_307 = tpu.memref_slice %arg4[%add3A, %dma_start3A_305, %dma_start3A_306] : memref<32x80x128xi32, #tpu.memory_space<hbm>> -> memref<1x40x128xi32, #tpu.memory_space<hbm>>
      %dma_start3A_308 = tpu.memref_squeeze %dma_start3A_307 : memref<1x40x128xi32, #tpu.memory_space<hbm>> -> memref<40x128xi32, #tpu.memory_space<hbm>>
      %dma_start3A_309 = arith.constant 40 : i32
      %dma_start3A_310 = arith.constant 0 : i32
      %dma_start3A_311 = tpu.memref_slice %arg4[%add3A, %dma_start3A_309, %dma_start3A_310] : memref<32x80x128xi32, #tpu.memory_space<hbm>> -> memref<1x40x128xi32, #tpu.memory_space<hbm>>
      %dma_start3A_312 = tpu.memref_squeeze %dma_start3A_311 : memref<1x40x128xi32, #tpu.memory_space<hbm>> -> memref<40x128xi32, #tpu.memory_space<hbm>>
      tpu.enqueue_dma source(%dma_start3A_312 : memref<40x128xi32, #tpu.memory_space<hbm>>) target(%arg8 : memref<40x128xi32, #tpu.memory_space<vmem>>) target_semaphore(%run_scoped3A : memref<!tpu.dma_semaphore, #tpu.memory_space<semaphore_mem>>)
      %dma_wait3A_313 = arith.constant 40 : i32
      %dma_wait3A_314 = arith.constant 0 : i32
      %dma_wait3A_315 = tpu.memref_slice %arg4[%add3A, %dma_wait3A_313, %dma_wait3A_314] : memref<32x80x128xi32, #tpu.memory_space<hbm>> -> memref<1x40x128xi32, #tpu.memory_space<hbm>>
      %dma_wait3A_316 = tpu.memref_squeeze %dma_wait3A_315 : memref<1x40x128xi32, #tpu.memory_space<hbm>> -> memref<40x128xi32, #tpu.memory_space<hbm>>
      %dma_wait3A_317 = arith.constant 40 : i32
      %dma_wait3A_318 = arith.constant 0 : i32
      %dma_wait3A_319 = tpu.memref_slice %arg4[%add3A, %dma_wait3A_317, %dma_wait3A_318] : memref<32x80x128xi32, #tpu.memory_space<hbm>> -> memref<1x40x128xi32, #tpu.memory_space<hbm>>
      %dma_wait3A_320 = tpu.memref_squeeze %dma_wait3A_319 : memref<1x40x128xi32, #tpu.memory_space<hbm>> -> memref<40x128xi32, #tpu.memory_space<hbm>>
      tpu.wait_dma2 semaphore(%run_scoped3A : memref<!tpu.dma_semaphore, #tpu.memory_space<semaphore_mem>>) src(%dma_wait3A_320 : memref<40x128xi32, #tpu.memory_space<hbm>>) dst(%arg8 : memref<40x128xi32, #tpu.memory_space<vmem>>)
      tpu.yield
    }) : () -> ()
    %dma_start3A_112 = arith.constant 0 : i32
    %dma_start3A_113 = arith.constant 0 : i32
    %dma_start3A_114 = tpu.memref_slice %arg7[%dma_start3A_112, %dma_start3A_113] : memref<40x128xi32, #tpu.memory_space<vmem>> -> memref<1x128xi32, #tpu.memory_space<vmem>>
    %dma_start3A_115 = tpu.memref_squeeze %dma_start3A_114 : memref<1x128xi32, #tpu.memory_space<vmem>> -> memref<128xi32, #tpu.memory_space<vmem>>
    %dma_start3A_116 = arith.constant 0 : i32
    %dma_start3A_117 = arith.constant 0 : i32
    %dma_start3A_118 = tpu.memref_slice %arg2[%dma_start3A_116, %dma_start3A_117] : memref<10000x128xf32, #tpu.memory_space<hbm>> -> memref<10000x128xf32, #tpu.memory_space<hbm>>
    tpu.enqueue_indirect_dma source(%dma_start3A_118 : memref<10000x128xf32, #tpu.memory_space<hbm>>) target(%arg9 : memref<128x128xf32, #tpu.memory_space<vmem>>) offsets(%dma_start3A_115 : memref<128xi32, #tpu.memory_space<vmem>>) semaphore(%arg12 : memref<!tpu.dma_semaphore, #tpu.memory_space<semaphore_mem>>)
    %dma_start3A_119 = arith.constant 1 : i32
    %dma_start3A_120 = arith.constant 0 : i32
    %dma_start3A_121 = tpu.memref_slice %arg7[%dma_start3A_119, %dma_start3A_120] : memref<40x128xi32, #tpu.memory_space<vmem>> -> memref<1x128xi32, #tpu.memory_space<vmem>>
    %dma_start3A_122 = tpu.memref_squeeze %dma_start3A_121 : memref<1x128xi32, #tpu.memory_space<vmem>> -> memref<128xi32, #tpu.memory_space<vmem>>
    %dma_start3A_123 = arith.constant 0 : i32
    %dma_start3A_124 = arith.constant 0 : i32
    %dma_start3A_125 = tpu.memref_slice %arg2[%dma_start3A_123, %dma_start3A_124] : memref<10000x128xf32, #tpu.memory_space<hbm>> -> memref<10000x128xf32, #tpu.memory_space<hbm>>
    tpu.enqueue_indirect_dma source(%dma_start3A_125 : memref<10000x128xf32, #tpu.memory_space<hbm>>) target(%arg10 : memref<128x128xf32, #tpu.memory_space<vmem>>) offsets(%dma_start3A_122 : memref<128xi32, #tpu.memory_space<vmem>>) semaphore(%arg13 : memref<!tpu.dma_semaphore, #tpu.memory_space<semaphore_mem>>)
    %scan3A_126 = arith.constant 0 : i32
    %scan3A_127 = arith.constant 0 : i32
    %scan3A_128 = arith.constant 20 : i32
    %scan3A_129 = arith.addi %scan3A_127, %scan3A_128 : i32
    %scan3A_130 = arith.constant 1 : i32
    scf.for %scan3A_305 = %scan3A_127 to %scan3A_129 step %scan3A_130  : i32 {
      %mul3A_306 = arith.constant 2 : i32
      %mul3A_307 = arith.muli %scan3A_305, %mul3A_306 : i32
      %dma_wait3A_308 = arith.constant 0 : i32
      %dma_wait3A_309 = arith.constant 0 : i32
      %dma_wait3A_310 = tpu.memref_slice %arg7[%dma_wait3A_308, %dma_wait3A_309] : memref<40x128xi32, #tpu.memory_space<vmem>> -> memref<1x128xi32, #tpu.memory_space<vmem>>
      %dma_wait3A_311 = tpu.memref_squeeze %dma_wait3A_310 : memref<1x128xi32, #tpu.memory_space<vmem>> -> memref<128xi32, #tpu.memory_space<vmem>>
      %dma_wait3A_312 = arith.constant 0 : i32
      %dma_wait3A_313 = arith.constant 0 : i32
      %dma_wait3A_314 = tpu.memref_slice %arg2[%dma_wait3A_312, %dma_wait3A_313] : memref<10000x128xf32, #tpu.memory_space<hbm>> -> memref<10000x128xf32, #tpu.memory_space<hbm>>
      tpu.wait_indirect_dma semaphore(%arg12 : memref<!tpu.dma_semaphore, #tpu.memory_space<semaphore_mem>>) src(%dma_wait3A_314 : memref<10000x128xf32, #tpu.memory_space<hbm>>) dst(%arg9 : memref<128x128xf32, #tpu.memory_space<vmem>>)
      %dma_start3A_315 = arith.constant 0 : i32
      %dma_start3A_316 = tpu.memref_slice %arg8[%mul3A_307, %dma_start3A_315] : memref<40x128xi32, #tpu.memory_space<vmem>> -> memref<1x128xi32, #tpu.memory_space<vmem>>
      %dma_start3A_317 = tpu.memref_squeeze %dma_start3A_316 : memref<1x128xi32, #tpu.memory_space<vmem>> -> memref<128xi32, #tpu.memory_space<vmem>>
      %dma_start3A_318 = arith.constant 0 : i32
      %dma_start3A_319 = arith.constant 0 : i32
      %dma_start3A_320 = tpu.memref_slice %arg11[%dma_start3A_318, %dma_start3A_319] : memref<10240x128xf32, #tpu.memory_space<vmem_shared>> -> memref<10240x128xf32, #tpu.memory_space<vmem_shared>>
      tpu.enqueue_indirect_dma source(%arg9 : memref<128x128xf32, #tpu.memory_space<vmem>>) target(%dma_start3A_320 : memref<10240x128xf32, #tpu.memory_space<vmem_shared>>) offsets(%dma_start3A_317 : memref<128xi32, #tpu.memory_space<vmem>>) semaphore(%arg14 : memref<!tpu.dma_semaphore, #tpu.memory_space<semaphore_mem>>) {add = true}
      %lt3A = arith.constant 19 : i32
      %lt3A_321 = arith.cmpi slt, %scan3A_305, %lt3A : i32
      %convert_element_type3A = arith.extui %lt3A_321 : i1 to i32
      %cond3A = arith.constant 0 : i32
      %cond3A_322 = arith.cmpi ne, %convert_element_type3A, %cond3A : i32
      scf.if %cond3A_322 {
        %dma_wait3A_343 = arith.constant 0 : i32
        %dma_wait3A_344 = arith.constant 0 : i32
        %dma_wait3A_345 = tpu.memref_slice %arg8[%dma_wait3A_343, %dma_wait3A_344] : memref<40x128xi32, #tpu.memory_space<vmem>> -> memref<1x128xi32, #tpu.memory_space<vmem>>
        %dma_wait3A_346 = tpu.memref_squeeze %dma_wait3A_345 : memref<1x128xi32, #tpu.memory_space<vmem>> -> memref<128xi32, #tpu.memory_space<vmem>>
        %dma_wait3A_347 = arith.constant 0 : i32
        %dma_wait3A_348 = arith.constant 0 : i32
        %dma_wait3A_349 = tpu.memref_slice %arg11[%dma_wait3A_347, %dma_wait3A_348] : memref<10240x128xf32, #tpu.memory_space<vmem_shared>> -> memref<10240x128xf32, #tpu.memory_space<vmem_shared>>
        tpu.wait_indirect_dma semaphore(%arg14 : memref<!tpu.dma_semaphore, #tpu.memory_space<semaphore_mem>>) src(%arg9 : memref<128x128xf32, #tpu.memory_space<vmem>>) dst(%dma_wait3A_349 : memref<10240x128xf32, #tpu.memory_space<vmem_shared>>)
        %add3A_350 = arith.constant 2 : i32
        %add3A_351 = arith.addi %mul3A_307, %add3A_350 : i32
        %dma_start3A_352 = arith.constant 0 : i32
        %dma_start3A_353 = tpu.memref_slice %arg7[%add3A_351, %dma_start3A_352] : memref<40x128xi32, #tpu.memory_space<vmem>> -> memref<1x128xi32, #tpu.memory_space<vmem>>
        %dma_start3A_354 = tpu.memref_squeeze %dma_start3A_353 : memref<1x128xi32, #tpu.memory_space<vmem>> -> memref<128xi32, #tpu.memory_space<vmem>>
        %dma_start3A_355 = arith.constant 0 : i32
        %dma_start3A_356 = arith.constant 0 : i32
        %dma_start3A_357 = tpu.memref_slice %arg2[%dma_start3A_355, %dma_start3A_356] : memref<10000x128xf32, #tpu.memory_space<hbm>> -> memref<10000x128xf32, #tpu.memory_space<hbm>>
        tpu.enqueue_indirect_dma source(%dma_start3A_357 : memref<10000x128xf32, #tpu.memory_space<hbm>>) target(%arg9 : memref<128x128xf32, #tpu.memory_space<vmem>>) offsets(%dma_start3A_354 : memref<128xi32, #tpu.memory_space<vmem>>) semaphore(%arg12 : memref<!tpu.dma_semaphore, #tpu.memory_space<semaphore_mem>>)
      } else {
      }
      %dma_wait3A_323 = arith.constant 0 : i32
      %dma_wait3A_324 = arith.constant 0 : i32
      %dma_wait3A_325 = tpu.memref_slice %arg7[%dma_wait3A_323, %dma_wait3A_324] : memref<40x128xi32, #tpu.memory_space<vmem>> -> memref<1x128xi32, #tpu.memory_space<vmem>>
      %dma_wait3A_326 = tpu.memref_squeeze %dma_wait3A_325 : memref<1x128xi32, #tpu.memory_space<vmem>> -> memref<128xi32, #tpu.memory_space<vmem>>
      %dma_wait3A_327 = arith.constant 0 : i32
      %dma_wait3A_328 = arith.constant 0 : i32
      %dma_wait3A_329 = tpu.memref_slice %arg2[%dma_wait3A_327, %dma_wait3A_328] : memref<10000x128xf32, #tpu.memory_space<hbm>> -> memref<10000x128xf32, #tpu.memory_space<hbm>>
      tpu.wait_indirect_dma semaphore(%arg13 : memref<!tpu.dma_semaphore, #tpu.memory_space<semaphore_mem>>) src(%dma_wait3A_329 : memref<10000x128xf32, #tpu.memory_space<hbm>>) dst(%arg10 : memref<128x128xf32, #tpu.memory_space<vmem>>)
      %add3A_330 = arith.constant 1 : i32
      %add3A_331 = arith.addi %mul3A_307, %add3A_330 : i32
      %dma_start3A_332 = arith.constant 0 : i32
      %dma_start3A_333 = tpu.memref_slice %arg8[%add3A_331, %dma_start3A_332] : memref<40x128xi32, #tpu.memory_space<vmem>> -> memref<1x128xi32, #tpu.memory_space<vmem>>
      %dma_start3A_334 = tpu.memref_squeeze %dma_start3A_333 : memref<1x128xi32, #tpu.memory_space<vmem>> -> memref<128xi32, #tpu.memory_space<vmem>>
      %dma_start3A_335 = arith.constant 0 : i32
      %dma_start3A_336 = arith.constant 0 : i32
      %dma_start3A_337 = tpu.memref_slice %arg11[%dma_start3A_335, %dma_start3A_336] : memref<10240x128xf32, #tpu.memory_space<vmem_shared>> -> memref<10240x128xf32, #tpu.memory_space<vmem_shared>>
      tpu.enqueue_indirect_dma source(%arg10 : memref<128x128xf32, #tpu.memory_space<vmem>>) target(%dma_start3A_337 : memref<10240x128xf32, #tpu.memory_space<vmem_shared>>) offsets(%dma_start3A_334 : memref<128xi32, #tpu.memory_space<vmem>>) semaphore(%arg15 : memref<!tpu.dma_semaphore, #tpu.memory_space<semaphore_mem>>) {add = true}
      %lt3A_338 = arith.constant 19 : i32
      %lt3A_339 = arith.cmpi slt, %scan3A_305, %lt3A_338 : i32
      %convert_element_type3A_340 = arith.extui %lt3A_339 : i1 to i32
      %cond3A_341 = arith.constant 0 : i32
      %cond3A_342 = arith.cmpi ne, %convert_element_type3A_340, %cond3A_341 : i32
      scf.if %cond3A_342 {
        %dma_wait3A_343 = arith.constant 0 : i32
        %dma_wait3A_344 = arith.constant 0 : i32
        %dma_wait3A_345 = tpu.memref_slice %arg8[%dma_wait3A_343, %dma_wait3A_344] : memref<40x128xi32, #tpu.memory_space<vmem>> -> memref<1x128xi32, #tpu.memory_space<vmem>>
        %dma_wait3A_346 = tpu.memref_squeeze %dma_wait3A_345 : memref<1x128xi32, #tpu.memory_space<vmem>> -> memref<128xi32, #tpu.memory_space<vmem>>
        %dma_wait3A_347 = arith.constant 0 : i32
        %dma_wait3A_348 = arith.constant 0 : i32
        %dma_wait3A_349 = tpu.memref_slice %arg11[%dma_wait3A_347, %dma_wait3A_348] : memref<10240x128xf32, #tpu.memory_space<vmem_shared>> -> memref<10240x128xf32, #tpu.memory_space<vmem_shared>>
        tpu.wait_indirect_dma semaphore(%arg15 : memref<!tpu.dma_semaphore, #tpu.memory_space<semaphore_mem>>) src(%arg10 : memref<128x128xf32, #tpu.memory_space<vmem>>) dst(%dma_wait3A_349 : memref<10240x128xf32, #tpu.memory_space<vmem_shared>>)
        %add3A_350 = arith.constant 3 : i32
        %add3A_351 = arith.addi %mul3A_307, %add3A_350 : i32
        %dma_start3A_352 = arith.constant 0 : i32
        %dma_start3A_353 = tpu.memref_slice %arg7[%add3A_351, %dma_start3A_352] : memref<40x128xi32, #tpu.memory_space<vmem>> -> memref<1x128xi32, #tpu.memory_space<vmem>>
        %dma_start3A_354 = tpu.memref_squeeze %dma_start3A_353 : memref<1x128xi32, #tpu.memory_space<vmem>> -> memref<128xi32, #tpu.memory_space<vmem>>
        %dma_start3A_355 = arith.constant 0 : i32
        %dma_start3A_356 = arith.constant 0 : i32
        %dma_start3A_357 = tpu.memref_slice %arg2[%dma_start3A_355, %dma_start3A_356] : memref<10000x128xf32, #tpu.memory_space<hbm>> -> memref<10000x128xf32, #tpu.memory_space<hbm>>
        tpu.enqueue_indirect_dma source(%dma_start3A_357 : memref<10000x128xf32, #tpu.memory_space<hbm>>) target(%arg10 : memref<128x128xf32, #tpu.memory_space<vmem>>) offsets(%dma_start3A_354 : memref<128xi32, #tpu.memory_space<vmem>>) semaphore(%arg13 : memref<!tpu.dma_semaphore, #tpu.memory_space<semaphore_mem>>)
      } else {
      }
    }
    %scan3A_131 = arith.constant 20 : i32
    %dma_wait3A_132 = arith.constant 0 : i32
    %dma_wait3A_133 = arith.constant 0 : i32
    %dma_wait3A_134 = tpu.memref_slice %arg8[%dma_wait3A_132, %dma_wait3A_133] : memref<40x128xi32, #tpu.memory_space<vmem>> -> memref<1x128xi32, #tpu.memory_space<vmem>>
    %dma_wait3A_135 = tpu.memref_squeeze %dma_wait3A_134 : memref<1x128xi32, #tpu.memory_space<vmem>> -> memref<128xi32, #tpu.memory_space<vmem>>
    %dma_wait3A_136 = arith.constant 0 : i32
    %dma_wait3A_137 = arith.constant 0 : i32
    %dma_wait3A_138 = tpu.memref_slice %arg11[%dma_wait3A_136, %dma_wait3A_137] : memref<10240x128xf32, #tpu.memory_space<vmem_shared>> -> memref<10240x128xf32, #tpu.memory_space<vmem_shared>>
    tpu.wait_indirect_dma semaphore(%arg14 : memref<!tpu.dma_semaphore, #tpu.memory_space<semaphore_mem>>) src(%arg9 : memref<128x128xf32, #tpu.memory_space<vmem>>) dst(%dma_wait3A_138 : memref<10240x128xf32, #tpu.memory_space<vmem_shared>>)
    %dma_wait3A_139 = arith.constant 0 : i32
    %dma_wait3A_140 = arith.constant 0 : i32
    %dma_wait3A_141 = tpu.memref_slice %arg8[%dma_wait3A_139, %dma_wait3A_140] : memref<40x128xi32, #tpu.memory_space<vmem>> -> memref<1x128xi32, #tpu.memory_space<vmem>>
    %dma_wait3A_142 = tpu.memref_squeeze %dma_wait3A_141 : memref<1x128xi32, #tpu.memory_space<vmem>> -> memref<128xi32, #tpu.memory_space<vmem>>
    %dma_wait3A_143 = arith.constant 0 : i32
    %dma_wait3A_144 = arith.constant 0 : i32
    %dma_wait3A_145 = tpu.memref_slice %arg11[%dma_wait3A_143, %dma_wait3A_144] : memref<10240x128xf32, #tpu.memory_space<vmem_shared>> -> memref<10240x128xf32, #tpu.memory_space<vmem_shared>>
    tpu.wait_indirect_dma semaphore(%arg15 : memref<!tpu.dma_semaphore, #tpu.memory_space<semaphore_mem>>) src(%arg10 : memref<128x128xf32, #tpu.memory_space<vmem>>) dst(%dma_wait3A_145 : memref<10240x128xf32, #tpu.memory_space<vmem_shared>>)
    %barrier3A_146 = arith.constant 0 : index
    tpu.barrier barrier_id(%barrier3A_146)
    %mul3A_147 = arith.constant 640 : i32
    %mul3A_148 = arith.muli %arg1, %mul3A_147 : i32
    %dma_start3A_149 = arith.constant 0 : i32
    %dma_start3A_150 = tpu.memref_slice %arg11[%mul3A_148, %dma_start3A_149] : memref<10240x128xf32, #tpu.memory_space<vmem_shared>> -> memref<128x128xf32, #tpu.memory_space<vmem_shared>>
    %dma_start3A_151 = arith.constant 0 : i32
    %dma_start3A_152 = tpu.memref_slice %arg11[%mul3A_148, %dma_start3A_151] : memref<10240x128xf32, #tpu.memory_space<vmem_shared>> -> memref<128x128xf32, #tpu.memory_space<vmem_shared>>
    tpu.enqueue_dma source(%dma_start3A_152 : memref<128x128xf32, #tpu.memory_space<vmem_shared>>) target(%arg9 : memref<128x128xf32, #tpu.memory_space<vmem>>) target_semaphore(%arg12 : memref<!tpu.dma_semaphore, #tpu.memory_space<semaphore_mem>>)
    %mul3A_153 = arith.constant 640 : i32
    %mul3A_154 = arith.muli %arg1, %mul3A_153 : i32
    %dma_wait3A_155 = arith.constant 0 : i32
    %dma_wait3A_156 = tpu.memref_slice %arg11[%mul3A_154, %dma_wait3A_155] : memref<10240x128xf32, #tpu.memory_space<vmem_shared>> -> memref<128x128xf32, #tpu.memory_space<vmem_shared>>
    %dma_wait3A_157 = arith.constant 0 : i32
    %dma_wait3A_158 = tpu.memref_slice %arg11[%mul3A_154, %dma_wait3A_157] : memref<10240x128xf32, #tpu.memory_space<vmem_shared>> -> memref<128x128xf32, #tpu.memory_space<vmem_shared>>
    tpu.wait_dma2 semaphore(%arg12 : memref<!tpu.dma_semaphore, #tpu.memory_space<semaphore_mem>>) src(%dma_wait3A_158 : memref<128x128xf32, #tpu.memory_space<vmem_shared>>) dst(%arg9 : memref<128x128xf32, #tpu.memory_space<vmem>>)
    %mul3A_159 = arith.constant 640 : i32
    %mul3A_160 = arith.muli %arg1, %mul3A_159 : i32
    %add3A_161 = arith.constant 128 : i32
    %add3A_162 = arith.addi %mul3A_160, %add3A_161 : i32
    %dma_start3A_163 = arith.constant 0 : i32
    %dma_start3A_164 = tpu.memref_slice %arg11[%add3A_162, %dma_start3A_163] : memref<10240x128xf32, #tpu.memory_space<vmem_shared>> -> memref<128x128xf32, #tpu.memory_space<vmem_shared>>
    %dma_start3A_165 = arith.constant 0 : i32
    %dma_start3A_166 = tpu.memref_slice %arg11[%add3A_162, %dma_start3A_165] : memref<10240x128xf32, #tpu.memory_space<vmem_shared>> -> memref<128x128xf32, #tpu.memory_space<vmem_shared>>
    tpu.enqueue_dma source(%dma_start3A_166 : memref<128x128xf32, #tpu.memory_space<vmem_shared>>) target(%arg10 : memref<128x128xf32, #tpu.memory_space<vmem>>) target_semaphore(%arg13 : memref<!tpu.dma_semaphore, #tpu.memory_space<semaphore_mem>>)
    %mul3A_167 = arith.constant 640 : i32
    %mul3A_168 = arith.muli %arg1, %mul3A_167 : i32
    %add3A_169 = arith.constant 0 : i32
    %add3A_170 = arith.addi %mul3A_168, %add3A_169 : i32
    %dma_start3A_171 = arith.constant 0 : i32
    %dma_start3A_172 = tpu.memref_slice %arg6[%arg0, %add3A_170, %dma_start3A_171] : memref<2x10240x128xf32, #tpu.memory_space<hbm>> -> memref<1x128x128xf32, #tpu.memory_space<hbm>>
    %dma_start3A_173 = tpu.memref_squeeze %dma_start3A_172 : memref<1x128x128xf32, #tpu.memory_space<hbm>> -> memref<128x128xf32, #tpu.memory_space<hbm>>
    %dma_start3A_174 = arith.constant 0 : i32
    %dma_start3A_175 = tpu.memref_slice %arg6[%arg0, %add3A_170, %dma_start3A_174] : memref<2x10240x128xf32, #tpu.memory_space<hbm>> -> memref<1x128x128xf32, #tpu.memory_space<hbm>>
    %dma_start3A_176 = tpu.memref_squeeze %dma_start3A_175 : memref<1x128x128xf32, #tpu.memory_space<hbm>> -> memref<128x128xf32, #tpu.memory_space<hbm>>
    tpu.enqueue_dma source(%arg9 : memref<128x128xf32, #tpu.memory_space<vmem>>) target(%dma_start3A_176 : memref<128x128xf32, #tpu.memory_space<hbm>>) target_semaphore(%arg14 : memref<!tpu.dma_semaphore, #tpu.memory_space<semaphore_mem>>)
    %mul3A_177 = arith.constant 640 : i32
    %mul3A_178 = arith.muli %arg1, %mul3A_177 : i32
    %dma_wait3A_179 = arith.constant 0 : i32
    %dma_wait3A_180 = tpu.memref_slice %arg11[%mul3A_178, %dma_wait3A_179] : memref<10240x128xf32, #tpu.memory_space<vmem_shared>> -> memref<128x128xf32, #tpu.memory_space<vmem_shared>>
    %dma_wait3A_181 = arith.constant 0 : i32
    %dma_wait3A_182 = tpu.memref_slice %arg11[%mul3A_178, %dma_wait3A_181] : memref<10240x128xf32, #tpu.memory_space<vmem_shared>> -> memref<128x128xf32, #tpu.memory_space<vmem_shared>>
    tpu.wait_dma2 semaphore(%arg13 : memref<!tpu.dma_semaphore, #tpu.memory_space<semaphore_mem>>) src(%dma_wait3A_182 : memref<128x128xf32, #tpu.memory_space<vmem_shared>>) dst(%arg10 : memref<128x128xf32, #tpu.memory_space<vmem>>)
    %mul3A_183 = arith.constant 640 : i32
    %mul3A_184 = arith.muli %arg1, %mul3A_183 : i32
    %dma_wait3A_185 = arith.constant 0 : i32
    %dma_wait3A_186 = tpu.memref_slice %arg6[%arg0, %mul3A_184, %dma_wait3A_185] : memref<2x10240x128xf32, #tpu.memory_space<hbm>> -> memref<1x128x128xf32, #tpu.memory_space<hbm>>
    %dma_wait3A_187 = tpu.memref_squeeze %dma_wait3A_186 : memref<1x128x128xf32, #tpu.memory_space<hbm>> -> memref<128x128xf32, #tpu.memory_space<hbm>>
    %dma_wait3A_188 = arith.constant 0 : i32
    %dma_wait3A_189 = tpu.memref_slice %arg6[%arg0, %mul3A_184, %dma_wait3A_188] : memref<2x10240x128xf32, #tpu.memory_space<hbm>> -> memref<1x128x128xf32, #tpu.memory_space<hbm>>
    %dma_wait3A_190 = tpu.memref_squeeze %dma_wait3A_189 : memref<1x128x128xf32, #tpu.memory_space<hbm>> -> memref<128x128xf32, #tpu.memory_space<hbm>>
    tpu.wait_dma2 semaphore(%arg14 : memref<!tpu.dma_semaphore, #tpu.memory_space<semaphore_mem>>) src(%arg9 : memref<128x128xf32, #tpu.memory_space<vmem>>) dst(%dma_wait3A_190 : memref<128x128xf32, #tpu.memory_space<hbm>>)
    %mul3A_191 = arith.constant 640 : i32
    %mul3A_192 = arith.muli %arg1, %mul3A_191 : i32
    %add3A_193 = arith.constant 256 : i32
    %add3A_194 = arith.addi %mul3A_192, %add3A_193 : i32
    %dma_start3A_195 = arith.constant 0 : i32
    %dma_start3A_196 = tpu.memref_slice %arg11[%add3A_194, %dma_start3A_195] : memref<10240x128xf32, #tpu.memory_space<vmem_shared>> -> memref<128x128xf32, #tpu.memory_space<vmem_shared>>
    %dma_start3A_197 = arith.constant 0 : i32
    %dma_start3A_198 = tpu.memref_slice %arg11[%add3A_194, %dma_start3A_197] : memref<10240x128xf32, #tpu.memory_space<vmem_shared>> -> memref<128x128xf32, #tpu.memory_space<vmem_shared>>
    tpu.enqueue_dma source(%dma_start3A_198 : memref<128x128xf32, #tpu.memory_space<vmem_shared>>) target(%arg9 : memref<128x128xf32, #tpu.memory_space<vmem>>) target_semaphore(%arg12 : memref<!tpu.dma_semaphore, #tpu.memory_space<semaphore_mem>>)
    %mul3A_199 = arith.constant 640 : i32
    %mul3A_200 = arith.muli %arg1, %mul3A_199 : i32
    %add3A_201 = arith.constant 128 : i32
    %add3A_202 = arith.addi %mul3A_200, %add3A_201 : i32
    %dma_start3A_203 = arith.constant 0 : i32
    %dma_start3A_204 = tpu.memref_slice %arg6[%arg0, %add3A_202, %dma_start3A_203] : memref<2x10240x128xf32, #tpu.memory_space<hbm>> -> memref<1x128x128xf32, #tpu.memory_space<hbm>>
    %dma_start3A_205 = tpu.memref_squeeze %dma_start3A_204 : memref<1x128x128xf32, #tpu.memory_space<hbm>> -> memref<128x128xf32, #tpu.memory_space<hbm>>
    %dma_start3A_206 = arith.constant 0 : i32
    %dma_start3A_207 = tpu.memref_slice %arg6[%arg0, %add3A_202, %dma_start3A_206] : memref<2x10240x128xf32, #tpu.memory_space<hbm>> -> memref<1x128x128xf32, #tpu.memory_space<hbm>>
    %dma_start3A_208 = tpu.memref_squeeze %dma_start3A_207 : memref<1x128x128xf32, #tpu.memory_space<hbm>> -> memref<128x128xf32, #tpu.memory_space<hbm>>
    tpu.enqueue_dma source(%arg10 : memref<128x128xf32, #tpu.memory_space<vmem>>) target(%dma_start3A_208 : memref<128x128xf32, #tpu.memory_space<hbm>>) target_semaphore(%arg15 : memref<!tpu.dma_semaphore, #tpu.memory_space<semaphore_mem>>)
    %mul3A_209 = arith.constant 640 : i32
    %mul3A_210 = arith.muli %arg1, %mul3A_209 : i32
    %dma_wait3A_211 = arith.constant 0 : i32
    %dma_wait3A_212 = tpu.memref_slice %arg11[%mul3A_210, %dma_wait3A_211] : memref<10240x128xf32, #tpu.memory_space<vmem_shared>> -> memref<128x128xf32, #tpu.memory_space<vmem_shared>>
    %dma_wait3A_213 = arith.constant 0 : i32
    %dma_wait3A_214 = tpu.memref_slice %arg11[%mul3A_210, %dma_wait3A_213] : memref<10240x128xf32, #tpu.memory_space<vmem_shared>> -> memref<128x128xf32, #tpu.memory_space<vmem_shared>>
    tpu.wait_dma2 semaphore(%arg12 : memref<!tpu.dma_semaphore, #tpu.memory_space<semaphore_mem>>) src(%dma_wait3A_214 : memref<128x128xf32, #tpu.memory_space<vmem_shared>>) dst(%arg9 : memref<128x128xf32, #tpu.memory_space<vmem>>)
    %mul3A_215 = arith.constant 640 : i32
    %mul3A_216 = arith.muli %arg1, %mul3A_215 : i32
    %dma_wait3A_217 = arith.constant 0 : i32
    %dma_wait3A_218 = tpu.memref_slice %arg6[%arg0, %mul3A_216, %dma_wait3A_217] : memref<2x10240x128xf32, #tpu.memory_space<hbm>> -> memref<1x128x128xf32, #tpu.memory_space<hbm>>
    %dma_wait3A_219 = tpu.memref_squeeze %dma_wait3A_218 : memref<1x128x128xf32, #tpu.memory_space<hbm>> -> memref<128x128xf32, #tpu.memory_space<hbm>>
    %dma_wait3A_220 = arith.constant 0 : i32
    %dma_wait3A_221 = tpu.memref_slice %arg6[%arg0, %mul3A_216, %dma_wait3A_220] : memref<2x10240x128xf32, #tpu.memory_space<hbm>> -> memref<1x128x128xf32, #tpu.memory_space<hbm>>
    %dma_wait3A_222 = tpu.memref_squeeze %dma_wait3A_221 : memref<1x128x128xf32, #tpu.memory_space<hbm>> -> memref<128x128xf32, #tpu.memory_space<hbm>>
    tpu.wait_dma2 semaphore(%arg15 : memref<!tpu.dma_semaphore, #tpu.memory_space<semaphore_mem>>) src(%arg10 : memref<128x128xf32, #tpu.memory_space<vmem>>) dst(%dma_wait3A_222 : memref<128x128xf32, #tpu.memory_space<hbm>>)
    %mul3A_223 = arith.constant 640 : i32
    %mul3A_224 = arith.muli %arg1, %mul3A_223 : i32
    %add3A_225 = arith.constant 384 : i32
    %add3A_226 = arith.addi %mul3A_224, %add3A_225 : i32
    %dma_start3A_227 = arith.constant 0 : i32
    %dma_start3A_228 = tpu.memref_slice %arg11[%add3A_226, %dma_start3A_227] : memref<10240x128xf32, #tpu.memory_space<vmem_shared>> -> memref<128x128xf32, #tpu.memory_space<vmem_shared>>
    %dma_start3A_229 = arith.constant 0 : i32
    %dma_start3A_230 = tpu.memref_slice %arg11[%add3A_226, %dma_start3A_229] : memref<10240x128xf32, #tpu.memory_space<vmem_shared>> -> memref<128x128xf32, #tpu.memory_space<vmem_shared>>
    tpu.enqueue_dma source(%dma_start3A_230 : memref<128x128xf32, #tpu.memory_space<vmem_shared>>) target(%arg10 : memref<128x128xf32, #tpu.memory_space<vmem>>) target_semaphore(%arg13 : memref<!tpu.dma_semaphore, #tpu.memory_space<semaphore_mem>>)
    %mul3A_231 = arith.constant 640 : i32
    %mul3A_232 = arith.muli %arg1, %mul3A_231 : i32
    %add3A_233 = arith.constant 256 : i32
    %add3A_234 = arith.addi %mul3A_232, %add3A_233 : i32
    %dma_start3A_235 = arith.constant 0 : i32
    %dma_start3A_236 = tpu.memref_slice %arg6[%arg0, %add3A_234, %dma_start3A_235] : memref<2x10240x128xf32, #tpu.memory_space<hbm>> -> memref<1x128x128xf32, #tpu.memory_space<hbm>>
    %dma_start3A_237 = tpu.memref_squeeze %dma_start3A_236 : memref<1x128x128xf32, #tpu.memory_space<hbm>> -> memref<128x128xf32, #tpu.memory_space<hbm>>
    %dma_start3A_238 = arith.constant 0 : i32
    %dma_start3A_239 = tpu.memref_slice %arg6[%arg0, %add3A_234, %dma_start3A_238] : memref<2x10240x128xf32, #tpu.memory_space<hbm>> -> memref<1x128x128xf32, #tpu.memory_space<hbm>>
    %dma_start3A_240 = tpu.memref_squeeze %dma_start3A_239 : memref<1x128x128xf32, #tpu.memory_space<hbm>> -> memref<128x128xf32, #tpu.memory_space<hbm>>
    tpu.enqueue_dma source(%arg9 : memref<128x128xf32, #tpu.memory_space<vmem>>) target(%dma_start3A_240 : memref<128x128xf32, #tpu.memory_space<hbm>>) target_semaphore(%arg14 : memref<!tpu.dma_semaphore, #tpu.memory_space<semaphore_mem>>)
    %mul3A_241 = arith.constant 640 : i32
    %mul3A_242 = arith.muli %arg1, %mul3A_241 : i32
    %dma_wait3A_243 = arith.constant 0 : i32
    %dma_wait3A_244 = tpu.memref_slice %arg11[%mul3A_242, %dma_wait3A_243] : memref<10240x128xf32, #tpu.memory_space<vmem_shared>> -> memref<128x128xf32, #tpu.memory_space<vmem_shared>>
    %dma_wait3A_245 = arith.constant 0 : i32
    %dma_wait3A_246 = tpu.memref_slice %arg11[%mul3A_242, %dma_wait3A_245] : memref<10240x128xf32, #tpu.memory_space<vmem_shared>> -> memref<128x128xf32, #tpu.memory_space<vmem_shared>>
    tpu.wait_dma2 semaphore(%arg13 : memref<!tpu.dma_semaphore, #tpu.memory_space<semaphore_mem>>) src(%dma_wait3A_246 : memref<128x128xf32, #tpu.memory_space<vmem_shared>>) dst(%arg10 : memref<128x128xf32, #tpu.memory_space<vmem>>)
    %mul3A_247 = arith.constant 640 : i32
    %mul3A_248 = arith.muli %arg1, %mul3A_247 : i32
    %dma_wait3A_249 = arith.constant 0 : i32
    %dma_wait3A_250 = tpu.memref_slice %arg6[%arg0, %mul3A_248, %dma_wait3A_249] : memref<2x10240x128xf32, #tpu.memory_space<hbm>> -> memref<1x128x128xf32, #tpu.memory_space<hbm>>
    %dma_wait3A_251 = tpu.memref_squeeze %dma_wait3A_250 : memref<1x128x128xf32, #tpu.memory_space<hbm>> -> memref<128x128xf32, #tpu.memory_space<hbm>>
    %dma_wait3A_252 = arith.constant 0 : i32
    %dma_wait3A_253 = tpu.memref_slice %arg6[%arg0, %mul3A_248, %dma_wait3A_252] : memref<2x10240x128xf32, #tpu.memory_space<hbm>> -> memref<1x128x128xf32, #tpu.memory_space<hbm>>
    %dma_wait3A_254 = tpu.memref_squeeze %dma_wait3A_253 : memref<1x128x128xf32, #tpu.memory_space<hbm>> -> memref<128x128xf32, #tpu.memory_space<hbm>>
    tpu.wait_dma2 semaphore(%arg14 : memref<!tpu.dma_semaphore, #tpu.memory_space<semaphore_mem>>) src(%arg9 : memref<128x128xf32, #tpu.memory_space<vmem>>) dst(%dma_wait3A_254 : memref<128x128xf32, #tpu.memory_space<hbm>>)
    %mul3A_255 = arith.constant 640 : i32
    %mul3A_256 = arith.muli %arg1, %mul3A_255 : i32
    %add3A_257 = arith.constant 512 : i32
    %add3A_258 = arith.addi %mul3A_256, %add3A_257 : i32
    %dma_start3A_259 = arith.constant 0 : i32
    %dma_start3A_260 = tpu.memref_slice %arg11[%add3A_258, %dma_start3A_259] : memref<10240x128xf32, #tpu.memory_space<vmem_shared>> -> memref<128x128xf32, #tpu.memory_space<vmem_shared>>
    %dma_start3A_261 = arith.constant 0 : i32
    %dma_start3A_262 = tpu.memref_slice %arg11[%add3A_258, %dma_start3A_261] : memref<10240x128xf32, #tpu.memory_space<vmem_shared>> -> memref<128x128xf32, #tpu.memory_space<vmem_shared>>
    tpu.enqueue_dma source(%dma_start3A_262 : memref<128x128xf32, #tpu.memory_space<vmem_shared>>) target(%arg9 : memref<128x128xf32, #tpu.memory_space<vmem>>) target_semaphore(%arg12 : memref<!tpu.dma_semaphore, #tpu.memory_space<semaphore_mem>>)
    %mul3A_263 = arith.constant 640 : i32
    %mul3A_264 = arith.muli %arg1, %mul3A_263 : i32
    %add3A_265 = arith.constant 384 : i32
    %add3A_266 = arith.addi %mul3A_264, %add3A_265 : i32
    %dma_start3A_267 = arith.constant 0 : i32
    %dma_start3A_268 = tpu.memref_slice %arg6[%arg0, %add3A_266, %dma_start3A_267] : memref<2x10240x128xf32, #tpu.memory_space<hbm>> -> memref<1x128x128xf32, #tpu.memory_space<hbm>>
    %dma_start3A_269 = tpu.memref_squeeze %dma_start3A_268 : memref<1x128x128xf32, #tpu.memory_space<hbm>> -> memref<128x128xf32, #tpu.memory_space<hbm>>
    %dma_start3A_270 = arith.constant 0 : i32
    %dma_start3A_271 = tpu.memref_slice %arg6[%arg0, %add3A_266, %dma_start3A_270] : memref<2x10240x128xf32, #tpu.memory_space<hbm>> -> memref<1x128x128xf32, #tpu.memory_space<hbm>>
    %dma_start3A_272 = tpu.memref_squeeze %dma_start3A_271 : memref<1x128x128xf32, #tpu.memory_space<hbm>> -> memref<128x128xf32, #tpu.memory_space<hbm>>
    tpu.enqueue_dma source(%arg10 : memref<128x128xf32, #tpu.memory_space<vmem>>) target(%dma_start3A_272 : memref<128x128xf32, #tpu.memory_space<hbm>>) target_semaphore(%arg15 : memref<!tpu.dma_semaphore, #tpu.memory_space<semaphore_mem>>)
    %mul3A_273 = arith.constant 640 : i32
    %mul3A_274 = arith.muli %arg1, %mul3A_273 : i32
    %dma_wait3A_275 = arith.constant 0 : i32
    %dma_wait3A_276 = tpu.memref_slice %arg11[%mul3A_274, %dma_wait3A_275] : memref<10240x128xf32, #tpu.memory_space<vmem_shared>> -> memref<128x128xf32, #tpu.memory_space<vmem_shared>>
    %dma_wait3A_277 = arith.constant 0 : i32
    %dma_wait3A_278 = tpu.memref_slice %arg11[%mul3A_274, %dma_wait3A_277] : memref<10240x128xf32, #tpu.memory_space<vmem_shared>> -> memref<128x128xf32, #tpu.memory_space<vmem_shared>>
    tpu.wait_dma2 semaphore(%arg12 : memref<!tpu.dma_semaphore, #tpu.memory_space<semaphore_mem>>) src(%dma_wait3A_278 : memref<128x128xf32, #tpu.memory_space<vmem_shared>>) dst(%arg9 : memref<128x128xf32, #tpu.memory_space<vmem>>)
    %mul3A_279 = arith.constant 640 : i32
    %mul3A_280 = arith.muli %arg1, %mul3A_279 : i32
    %add3A_281 = arith.constant 512 : i32
    %add3A_282 = arith.addi %mul3A_280, %add3A_281 : i32
    %dma_start3A_283 = arith.constant 0 : i32
    %dma_start3A_284 = tpu.memref_slice %arg6[%arg0, %add3A_282, %dma_start3A_283] : memref<2x10240x128xf32, #tpu.memory_space<hbm>> -> memref<1x128x128xf32, #tpu.memory_space<hbm>>
    %dma_start3A_285 = tpu.memref_squeeze %dma_start3A_284 : memref<1x128x128xf32, #tpu.memory_space<hbm>> -> memref<128x128xf32, #tpu.memory_space<hbm>>
    %dma_start3A_286 = arith.constant 0 : i32
    %dma_start3A_287 = tpu.memref_slice %arg6[%arg0, %add3A_282, %dma_start3A_286] : memref<2x10240x128xf32, #tpu.memory_space<hbm>> -> memref<1x128x128xf32, #tpu.memory_space<hbm>>
    %dma_start3A_288 = tpu.memref_squeeze %dma_start3A_287 : memref<1x128x128xf32, #tpu.memory_space<hbm>> -> memref<128x128xf32, #tpu.memory_space<hbm>>
    tpu.enqueue_dma source(%arg9 : memref<128x128xf32, #tpu.memory_space<vmem>>) target(%dma_start3A_288 : memref<128x128xf32, #tpu.memory_space<hbm>>) target_semaphore(%arg14 : memref<!tpu.dma_semaphore, #tpu.memory_space<semaphore_mem>>)
    %mul3A_289 = arith.constant 640 : i32
    %mul3A_290 = arith.muli %arg1, %mul3A_289 : i32
    %dma_wait3A_291 = arith.constant 0 : i32
    %dma_wait3A_292 = tpu.memref_slice %arg6[%arg0, %mul3A_290, %dma_wait3A_291] : memref<2x10240x128xf32, #tpu.memory_space<hbm>> -> memref<1x128x128xf32, #tpu.memory_space<hbm>>
    %dma_wait3A_293 = tpu.memref_squeeze %dma_wait3A_292 : memref<1x128x128xf32, #tpu.memory_space<hbm>> -> memref<128x128xf32, #tpu.memory_space<hbm>>
    %dma_wait3A_294 = arith.constant 0 : i32
    %dma_wait3A_295 = tpu.memref_slice %arg6[%arg0, %mul3A_290, %dma_wait3A_294] : memref<2x10240x128xf32, #tpu.memory_space<hbm>> -> memref<1x128x128xf32, #tpu.memory_space<hbm>>
    %dma_wait3A_296 = tpu.memref_squeeze %dma_wait3A_295 : memref<1x128x128xf32, #tpu.memory_space<hbm>> -> memref<128x128xf32, #tpu.memory_space<hbm>>
    tpu.wait_dma2 semaphore(%arg14 : memref<!tpu.dma_semaphore, #tpu.memory_space<semaphore_mem>>) src(%arg9 : memref<128x128xf32, #tpu.memory_space<vmem>>) dst(%dma_wait3A_296 : memref<128x128xf32, #tpu.memory_space<hbm>>)
    %mul3A_297 = arith.constant 640 : i32
    %mul3A_298 = arith.muli %arg1, %mul3A_297 : i32
    %dma_wait3A_299 = arith.constant 0 : i32
    %dma_wait3A_300 = tpu.memref_slice %arg6[%arg0, %mul3A_298, %dma_wait3A_299] : memref<2x10240x128xf32, #tpu.memory_space<hbm>> -> memref<1x128x128xf32, #tpu.memory_space<hbm>>
    %dma_wait3A_301 = tpu.memref_squeeze %dma_wait3A_300 : memref<1x128x128xf32, #tpu.memory_space<hbm>> -> memref<128x128xf32, #tpu.memory_space<hbm>>
    %dma_wait3A_302 = arith.constant 0 : i32
    %dma_wait3A_303 = tpu.memref_slice %arg6[%arg0, %mul3A_298, %dma_wait3A_302] : memref<2x10240x128xf32, #tpu.memory_space<hbm>> -> memref<1x128x128xf32, #tpu.memory_space<hbm>>
    %dma_wait3A_304 = tpu.memref_squeeze %dma_wait3A_303 : memref<1x128x128xf32, #tpu.memory_space<hbm>> -> memref<128x128xf32, #tpu.memory_space<hbm>>
    tpu.wait_dma2 semaphore(%arg15 : memref<!tpu.dma_semaphore, #tpu.memory_space<semaphore_mem>>) src(%arg10 : memref<128x128xf32, #tpu.memory_space<vmem>>) dst(%dma_wait3A_304 : memref<128x128xf32, #tpu.memory_space<hbm>>)
    return
  }
}

#map = affine_map<(d0, d1) -> (0, 0, 0)>
#map1 = affine_map<(d0, d1) -> (0)>
module attributes {stable_mosaic.version = 14 : i64} {
  func.func @_sc_deg(%arg0: i32, %arg1: i32, %arg2: memref<32x80x128xi32, #tpu.memory_space<hbm>>, %arg3: memref<20480xf32, #tpu.memory_space<hbm>>, %arg4: memref<80x128xi32, #tpu.memory_space<vmem>>, %arg5: memref<128xf32, #tpu.memory_space<vmem>>, %arg6: memref<640xf32, #tpu.memory_space<vmem>>, %arg7: memref<10240xf32, #tpu.memory_space<vmem_shared>>, %arg8: memref<!tpu.dma_semaphore, #tpu.memory_space<semaphore_mem>>) attributes {dimension_semantics = [#tpu.dimension_semantics<core_parallel>, #tpu.dimension_semantics<subcore_parallel>], iteration_bounds = array<i64: 2, 16>, scalar_prefetch = 0 : i64, scratch_operands = 5 : i64, tpu.core_type = #tpu.core_type<sc_vector_subcore>, window_params = [{transform_indices = #map}, {transform_indices = #map1}]} {
    %mul3A = arith.constant 16 : i32
    %mul3A_0 = arith.muli %arg0, %mul3A : i32
    %add3A = arith.addi %mul3A_0, %arg1 : i32
    "tpu.region"() ({
      %run_scoped3A = tpu.sem_alloc : memref<!tpu.dma_semaphore, #tpu.memory_space<semaphore_mem>>
      %dma_start3A = arith.constant 0 : i32
      %dma_start3A_308 = arith.constant 0 : i32
      %dma_start3A_309 = tpu.memref_slice %arg2[%add3A, %dma_start3A, %dma_start3A_308] : memref<32x80x128xi32, #tpu.memory_space<hbm>> -> memref<1x80x128xi32, #tpu.memory_space<hbm>>
      %dma_start3A_310 = tpu.memref_squeeze %dma_start3A_309 : memref<1x80x128xi32, #tpu.memory_space<hbm>> -> memref<80x128xi32, #tpu.memory_space<hbm>>
      %dma_start3A_311 = arith.constant 0 : i32
      %dma_start3A_312 = arith.constant 0 : i32
      %dma_start3A_313 = tpu.memref_slice %arg2[%add3A, %dma_start3A_311, %dma_start3A_312] : memref<32x80x128xi32, #tpu.memory_space<hbm>> -> memref<1x80x128xi32, #tpu.memory_space<hbm>>
      %dma_start3A_314 = tpu.memref_squeeze %dma_start3A_313 : memref<1x80x128xi32, #tpu.memory_space<hbm>> -> memref<80x128xi32, #tpu.memory_space<hbm>>
      tpu.enqueue_dma source(%dma_start3A_314 : memref<80x128xi32, #tpu.memory_space<hbm>>) target(%arg4 : memref<80x128xi32, #tpu.memory_space<vmem>>) target_semaphore(%run_scoped3A : memref<!tpu.dma_semaphore, #tpu.memory_space<semaphore_mem>>)
      %dma_wait3A = arith.constant 0 : i32
      %dma_wait3A_315 = arith.constant 0 : i32
      %dma_wait3A_316 = tpu.memref_slice %arg2[%add3A, %dma_wait3A, %dma_wait3A_315] : memref<32x80x128xi32, #tpu.memory_space<hbm>> -> memref<1x80x128xi32, #tpu.memory_space<hbm>>
      %dma_wait3A_317 = tpu.memref_squeeze %dma_wait3A_316 : memref<1x80x128xi32, #tpu.memory_space<hbm>> -> memref<80x128xi32, #tpu.memory_space<hbm>>
      %dma_wait3A_318 = arith.constant 0 : i32
      %dma_wait3A_319 = arith.constant 0 : i32
      %dma_wait3A_320 = tpu.memref_slice %arg2[%add3A, %dma_wait3A_318, %dma_wait3A_319] : memref<32x80x128xi32, #tpu.memory_space<hbm>> -> memref<1x80x128xi32, #tpu.memory_space<hbm>>
      %dma_wait3A_321 = tpu.memref_squeeze %dma_wait3A_320 : memref<1x80x128xi32, #tpu.memory_space<hbm>> -> memref<80x128xi32, #tpu.memory_space<hbm>>
      tpu.wait_dma2 semaphore(%run_scoped3A : memref<!tpu.dma_semaphore, #tpu.memory_space<semaphore_mem>>) src(%dma_wait3A_321 : memref<80x128xi32, #tpu.memory_space<hbm>>) dst(%arg4 : memref<80x128xi32, #tpu.memory_space<vmem>>)
      tpu.yield
    }) : () -> ()
    %broadcast_in_dim3A = arith.constant 0.000000e+00 : f32
    %broadcast_in_dim3A_1 = vector.broadcast %broadcast_in_dim3A : f32 to vector<16xf32>
    %swap3A = arith.constant 0 : index
    %swap3A_2 = tpu.vector_load %arg6[%swap3A] {strides = array<i32>} : memref<640xf32, #tpu.memory_space<vmem>>, vector<16xf32>,
    %swap3A_3 = vector.shape_cast %swap3A_2 : vector<16xf32> to vector<16xf32>
    %swap3A_4 = vector.shape_cast %broadcast_in_dim3A_1 : vector<16xf32> to vector<16xf32>
    tpu.vector_store %arg6[%swap3A], %swap3A_4 {strides = array<i32>} : memref<640xf32, #tpu.memory_space<vmem>>, vector<16xf32>,
    %broadcast_in_dim3A_5 = arith.constant 0.000000e+00 : f32
    %broadcast_in_dim3A_6 = vector.broadcast %broadcast_in_dim3A_5 : f32 to vector<16xf32>
    %swap3A_7 = arith.constant 16 : index
    %swap3A_8 = tpu.vector_load %arg6[%swap3A_7] {strides = array<i32>} : memref<640xf32, #tpu.memory_space<vmem>>, vector<16xf32>,
    %swap3A_9 = vector.shape_cast %swap3A_8 : vector<16xf32> to vector<16xf32>
    %swap3A_10 = vector.shape_cast %broadcast_in_dim3A_6 : vector<16xf32> to vector<16xf32>
    tpu.vector_store %arg6[%swap3A_7], %swap3A_10 {strides = array<i32>} : memref<640xf32, #tpu.memory_space<vmem>>, vector<16xf32>,
    %broadcast_in_dim3A_11 = arith.constant 0.000000e+00 : f32
    %broadcast_in_dim3A_12 = vector.broadcast %broadcast_in_dim3A_11 : f32 to vector<16xf32>
    %swap3A_13 = arith.constant 32 : index
    %swap3A_14 = tpu.vector_load %arg6[%swap3A_13] {strides = array<i32>} : memref<640xf32, #tpu.memory_space<vmem>>, vector<16xf32>,
    %swap3A_15 = vector.shape_cast %swap3A_14 : vector<16xf32> to vector<16xf32>
    %swap3A_16 = vector.shape_cast %broadcast_in_dim3A_12 : vector<16xf32> to vector<16xf32>
    tpu.vector_store %arg6[%swap3A_13], %swap3A_16 {strides = array<i32>} : memref<640xf32, #tpu.memory_space<vmem>>, vector<16xf32>,
    %broadcast_in_dim3A_17 = arith.constant 0.000000e+00 : f32
    %broadcast_in_dim3A_18 = vector.broadcast %broadcast_in_dim3A_17 : f32 to vector<16xf32>
    %swap3A_19 = arith.constant 48 : index
    %swap3A_20 = tpu.vector_load %arg6[%swap3A_19] {strides = array<i32>} : memref<640xf32, #tpu.memory_space<vmem>>, vector<16xf32>,
    %swap3A_21 = vector.shape_cast %swap3A_20 : vector<16xf32> to vector<16xf32>
    %swap3A_22 = vector.shape_cast %broadcast_in_dim3A_18 : vector<16xf32> to vector<16xf32>
    tpu.vector_store %arg6[%swap3A_19], %swap3A_22 {strides = array<i32>} : memref<640xf32, #tpu.memory_space<vmem>>, vector<16xf32>,
    %broadcast_in_dim3A_23 = arith.constant 0.000000e+00 : f32
    %broadcast_in_dim3A_24 = vector.broadcast %broadcast_in_dim3A_23 : f32 to vector<16xf32>
    %swap3A_25 = arith.constant 64 : index
    %swap3A_26 = tpu.vector_load %arg6[%swap3A_25] {strides = array<i32>} : memref<640xf32, #tpu.memory_space<vmem>>, vector<16xf32>,
    %swap3A_27 = vector.shape_cast %swap3A_26 : vector<16xf32> to vector<16xf32>
    %swap3A_28 = vector.shape_cast %broadcast_in_dim3A_24 : vector<16xf32> to vector<16xf32>
    tpu.vector_store %arg6[%swap3A_25], %swap3A_28 {strides = array<i32>} : memref<640xf32, #tpu.memory_space<vmem>>, vector<16xf32>,
    %broadcast_in_dim3A_29 = arith.constant 0.000000e+00 : f32
    %broadcast_in_dim3A_30 = vector.broadcast %broadcast_in_dim3A_29 : f32 to vector<16xf32>
    %swap3A_31 = arith.constant 80 : index
    %swap3A_32 = tpu.vector_load %arg6[%swap3A_31] {strides = array<i32>} : memref<640xf32, #tpu.memory_space<vmem>>, vector<16xf32>,
    %swap3A_33 = vector.shape_cast %swap3A_32 : vector<16xf32> to vector<16xf32>
    %swap3A_34 = vector.shape_cast %broadcast_in_dim3A_30 : vector<16xf32> to vector<16xf32>
    tpu.vector_store %arg6[%swap3A_31], %swap3A_34 {strides = array<i32>} : memref<640xf32, #tpu.memory_space<vmem>>, vector<16xf32>,
    %broadcast_in_dim3A_35 = arith.constant 0.000000e+00 : f32
    %broadcast_in_dim3A_36 = vector.broadcast %broadcast_in_dim3A_35 : f32 to vector<16xf32>
    %swap3A_37 = arith.constant 96 : index
    %swap3A_38 = tpu.vector_load %arg6[%swap3A_37] {strides = array<i32>} : memref<640xf32, #tpu.memory_space<vmem>>, vector<16xf32>,
    %swap3A_39 = vector.shape_cast %swap3A_38 : vector<16xf32> to vector<16xf32>
    %swap3A_40 = vector.shape_cast %broadcast_in_dim3A_36 : vector<16xf32> to vector<16xf32>
    tpu.vector_store %arg6[%swap3A_37], %swap3A_40 {strides = array<i32>} : memref<640xf32, #tpu.memory_space<vmem>>, vector<16xf32>,
    %broadcast_in_dim3A_41 = arith.constant 0.000000e+00 : f32
    %broadcast_in_dim3A_42 = vector.broadcast %broadcast_in_dim3A_41 : f32 to vector<16xf32>
    %swap3A_43 = arith.constant 112 : index
    %swap3A_44 = tpu.vector_load %arg6[%swap3A_43] {strides = array<i32>} : memref<640xf32, #tpu.memory_space<vmem>>, vector<16xf32>,
    %swap3A_45 = vector.shape_cast %swap3A_44 : vector<16xf32> to vector<16xf32>
    %swap3A_46 = vector.shape_cast %broadcast_in_dim3A_42 : vector<16xf32> to vector<16xf32>
    tpu.vector_store %arg6[%swap3A_43], %swap3A_46 {strides = array<i32>} : memref<640xf32, #tpu.memory_space<vmem>>, vector<16xf32>,
    %broadcast_in_dim3A_47 = arith.constant 0.000000e+00 : f32
    %broadcast_in_dim3A_48 = vector.broadcast %broadcast_in_dim3A_47 : f32 to vector<16xf32>
    %swap3A_49 = arith.constant 128 : index
    %swap3A_50 = tpu.vector_load %arg6[%swap3A_49] {strides = array<i32>} : memref<640xf32, #tpu.memory_space<vmem>>, vector<16xf32>,
    %swap3A_51 = vector.shape_cast %swap3A_50 : vector<16xf32> to vector<16xf32>
    %swap3A_52 = vector.shape_cast %broadcast_in_dim3A_48 : vector<16xf32> to vector<16xf32>
    tpu.vector_store %arg6[%swap3A_49], %swap3A_52 {strides = array<i32>} : memref<640xf32, #tpu.memory_space<vmem>>, vector<16xf32>,
    %broadcast_in_dim3A_53 = arith.constant 0.000000e+00 : f32
    %broadcast_in_dim3A_54 = vector.broadcast %broadcast_in_dim3A_53 : f32 to vector<16xf32>
    %swap3A_55 = arith.constant 144 : index
    %swap3A_56 = tpu.vector_load %arg6[%swap3A_55] {strides = array<i32>} : memref<640xf32, #tpu.memory_space<vmem>>, vector<16xf32>,
    %swap3A_57 = vector.shape_cast %swap3A_56 : vector<16xf32> to vector<16xf32>
    %swap3A_58 = vector.shape_cast %broadcast_in_dim3A_54 : vector<16xf32> to vector<16xf32>
    tpu.vector_store %arg6[%swap3A_55], %swap3A_58 {strides = array<i32>} : memref<640xf32, #tpu.memory_space<vmem>>, vector<16xf32>,
    %broadcast_in_dim3A_59 = arith.constant 0.000000e+00 : f32
    %broadcast_in_dim3A_60 = vector.broadcast %broadcast_in_dim3A_59 : f32 to vector<16xf32>
    %swap3A_61 = arith.constant 160 : index
    %swap3A_62 = tpu.vector_load %arg6[%swap3A_61] {strides = array<i32>} : memref<640xf32, #tpu.memory_space<vmem>>, vector<16xf32>,
    %swap3A_63 = vector.shape_cast %swap3A_62 : vector<16xf32> to vector<16xf32>
    %swap3A_64 = vector.shape_cast %broadcast_in_dim3A_60 : vector<16xf32> to vector<16xf32>
    tpu.vector_store %arg6[%swap3A_61], %swap3A_64 {strides = array<i32>} : memref<640xf32, #tpu.memory_space<vmem>>, vector<16xf32>,
    %broadcast_in_dim3A_65 = arith.constant 0.000000e+00 : f32
    %broadcast_in_dim3A_66 = vector.broadcast %broadcast_in_dim3A_65 : f32 to vector<16xf32>
    %swap3A_67 = arith.constant 176 : index
    %swap3A_68 = tpu.vector_load %arg6[%swap3A_67] {strides = array<i32>} : memref<640xf32, #tpu.memory_space<vmem>>, vector<16xf32>,
    %swap3A_69 = vector.shape_cast %swap3A_68 : vector<16xf32> to vector<16xf32>
    %swap3A_70 = vector.shape_cast %broadcast_in_dim3A_66 : vector<16xf32> to vector<16xf32>
    tpu.vector_store %arg6[%swap3A_67], %swap3A_70 {strides = array<i32>} : memref<640xf32, #tpu.memory_space<vmem>>, vector<16xf32>,
    %broadcast_in_dim3A_71 = arith.constant 0.000000e+00 : f32
    %broadcast_in_dim3A_72 = vector.broadcast %broadcast_in_dim3A_71 : f32 to vector<16xf32>
    %swap3A_73 = arith.constant 192 : index
    %swap3A_74 = tpu.vector_load %arg6[%swap3A_73] {strides = array<i32>} : memref<640xf32, #tpu.memory_space<vmem>>, vector<16xf32>,
    %swap3A_75 = vector.shape_cast %swap3A_74 : vector<16xf32> to vector<16xf32>
    %swap3A_76 = vector.shape_cast %broadcast_in_dim3A_72 : vector<16xf32> to vector<16xf32>
    tpu.vector_store %arg6[%swap3A_73], %swap3A_76 {strides = array<i32>} : memref<640xf32, #tpu.memory_space<vmem>>, vector<16xf32>,
    %broadcast_in_dim3A_77 = arith.constant 0.000000e+00 : f32
    %broadcast_in_dim3A_78 = vector.broadcast %broadcast_in_dim3A_77 : f32 to vector<16xf32>
    %swap3A_79 = arith.constant 208 : index
    %swap3A_80 = tpu.vector_load %arg6[%swap3A_79] {strides = array<i32>} : memref<640xf32, #tpu.memory_space<vmem>>, vector<16xf32>,
    %swap3A_81 = vector.shape_cast %swap3A_80 : vector<16xf32> to vector<16xf32>
    %swap3A_82 = vector.shape_cast %broadcast_in_dim3A_78 : vector<16xf32> to vector<16xf32>
    tpu.vector_store %arg6[%swap3A_79], %swap3A_82 {strides = array<i32>} : memref<640xf32, #tpu.memory_space<vmem>>, vector<16xf32>,
    %broadcast_in_dim3A_83 = arith.constant 0.000000e+00 : f32
    %broadcast_in_dim3A_84 = vector.broadcast %broadcast_in_dim3A_83 : f32 to vector<16xf32>
    %swap3A_85 = arith.constant 224 : index
    %swap3A_86 = tpu.vector_load %arg6[%swap3A_85] {strides = array<i32>} : memref<640xf32, #tpu.memory_space<vmem>>, vector<16xf32>,
    %swap3A_87 = vector.shape_cast %swap3A_86 : vector<16xf32> to vector<16xf32>
    %swap3A_88 = vector.shape_cast %broadcast_in_dim3A_84 : vector<16xf32> to vector<16xf32>
    tpu.vector_store %arg6[%swap3A_85], %swap3A_88 {strides = array<i32>} : memref<640xf32, #tpu.memory_space<vmem>>, vector<16xf32>,
    %broadcast_in_dim3A_89 = arith.constant 0.000000e+00 : f32
    %broadcast_in_dim3A_90 = vector.broadcast %broadcast_in_dim3A_89 : f32 to vector<16xf32>
    %swap3A_91 = arith.constant 240 : index
    %swap3A_92 = tpu.vector_load %arg6[%swap3A_91] {strides = array<i32>} : memref<640xf32, #tpu.memory_space<vmem>>, vector<16xf32>,
    %swap3A_93 = vector.shape_cast %swap3A_92 : vector<16xf32> to vector<16xf32>
    %swap3A_94 = vector.shape_cast %broadcast_in_dim3A_90 : vector<16xf32> to vector<16xf32>
    tpu.vector_store %arg6[%swap3A_91], %swap3A_94 {strides = array<i32>} : memref<640xf32, #tpu.memory_space<vmem>>, vector<16xf32>,
    %broadcast_in_dim3A_95 = arith.constant 0.000000e+00 : f32
    %broadcast_in_dim3A_96 = vector.broadcast %broadcast_in_dim3A_95 : f32 to vector<16xf32>
    %swap3A_97 = arith.constant 256 : index
    %swap3A_98 = tpu.vector_load %arg6[%swap3A_97] {strides = array<i32>} : memref<640xf32, #tpu.memory_space<vmem>>, vector<16xf32>,
    %swap3A_99 = vector.shape_cast %swap3A_98 : vector<16xf32> to vector<16xf32>
    %swap3A_100 = vector.shape_cast %broadcast_in_dim3A_96 : vector<16xf32> to vector<16xf32>
    tpu.vector_store %arg6[%swap3A_97], %swap3A_100 {strides = array<i32>} : memref<640xf32, #tpu.memory_space<vmem>>, vector<16xf32>,
    %broadcast_in_dim3A_101 = arith.constant 0.000000e+00 : f32
    %broadcast_in_dim3A_102 = vector.broadcast %broadcast_in_dim3A_101 : f32 to vector<16xf32>
    %swap3A_103 = arith.constant 272 : index
    %swap3A_104 = tpu.vector_load %arg6[%swap3A_103] {strides = array<i32>} : memref<640xf32, #tpu.memory_space<vmem>>, vector<16xf32>,
    %swap3A_105 = vector.shape_cast %swap3A_104 : vector<16xf32> to vector<16xf32>
    %swap3A_106 = vector.shape_cast %broadcast_in_dim3A_102 : vector<16xf32> to vector<16xf32>
    tpu.vector_store %arg6[%swap3A_103], %swap3A_106 {strides = array<i32>} : memref<640xf32, #tpu.memory_space<vmem>>, vector<16xf32>,
    %broadcast_in_dim3A_107 = arith.constant 0.000000e+00 : f32
    %broadcast_in_dim3A_108 = vector.broadcast %broadcast_in_dim3A_107 : f32 to vector<16xf32>
    %swap3A_109 = arith.constant 288 : index
    %swap3A_110 = tpu.vector_load %arg6[%swap3A_109] {strides = array<i32>} : memref<640xf32, #tpu.memory_space<vmem>>, vector<16xf32>,
    %swap3A_111 = vector.shape_cast %swap3A_110 : vector<16xf32> to vector<16xf32>
    %swap3A_112 = vector.shape_cast %broadcast_in_dim3A_108 : vector<16xf32> to vector<16xf32>
    tpu.vector_store %arg6[%swap3A_109], %swap3A_112 {strides = array<i32>} : memref<640xf32, #tpu.memory_space<vmem>>, vector<16xf32>,
    %broadcast_in_dim3A_113 = arith.constant 0.000000e+00 : f32
    %broadcast_in_dim3A_114 = vector.broadcast %broadcast_in_dim3A_113 : f32 to vector<16xf32>
    %swap3A_115 = arith.constant 304 : index
    %swap3A_116 = tpu.vector_load %arg6[%swap3A_115] {strides = array<i32>} : memref<640xf32, #tpu.memory_space<vmem>>, vector<16xf32>,
    %swap3A_117 = vector.shape_cast %swap3A_116 : vector<16xf32> to vector<16xf32>
    %swap3A_118 = vector.shape_cast %broadcast_in_dim3A_114 : vector<16xf32> to vector<16xf32>
    tpu.vector_store %arg6[%swap3A_115], %swap3A_118 {strides = array<i32>} : memref<640xf32, #tpu.memory_space<vmem>>, vector<16xf32>,
    %broadcast_in_dim3A_119 = arith.constant 0.000000e+00 : f32
    %broadcast_in_dim3A_120 = vector.broadcast %broadcast_in_dim3A_119 : f32 to vector<16xf32>
    %swap3A_121 = arith.constant 320 : index
    %swap3A_122 = tpu.vector_load %arg6[%swap3A_121] {strides = array<i32>} : memref<640xf32, #tpu.memory_space<vmem>>, vector<16xf32>,
    %swap3A_123 = vector.shape_cast %swap3A_122 : vector<16xf32> to vector<16xf32>
    %swap3A_124 = vector.shape_cast %broadcast_in_dim3A_120 : vector<16xf32> to vector<16xf32>
    tpu.vector_store %arg6[%swap3A_121], %swap3A_124 {strides = array<i32>} : memref<640xf32, #tpu.memory_space<vmem>>, vector<16xf32>,
    %broadcast_in_dim3A_125 = arith.constant 0.000000e+00 : f32
    %broadcast_in_dim3A_126 = vector.broadcast %broadcast_in_dim3A_125 : f32 to vector<16xf32>
    %swap3A_127 = arith.constant 336 : index
    %swap3A_128 = tpu.vector_load %arg6[%swap3A_127] {strides = array<i32>} : memref<640xf32, #tpu.memory_space<vmem>>, vector<16xf32>,
    %swap3A_129 = vector.shape_cast %swap3A_128 : vector<16xf32> to vector<16xf32>
    %swap3A_130 = vector.shape_cast %broadcast_in_dim3A_126 : vector<16xf32> to vector<16xf32>
    tpu.vector_store %arg6[%swap3A_127], %swap3A_130 {strides = array<i32>} : memref<640xf32, #tpu.memory_space<vmem>>, vector<16xf32>,
    %broadcast_in_dim3A_131 = arith.constant 0.000000e+00 : f32
    %broadcast_in_dim3A_132 = vector.broadcast %broadcast_in_dim3A_131 : f32 to vector<16xf32>
    %swap3A_133 = arith.constant 352 : index
    %swap3A_134 = tpu.vector_load %arg6[%swap3A_133] {strides = array<i32>} : memref<640xf32, #tpu.memory_space<vmem>>, vector<16xf32>,
    %swap3A_135 = vector.shape_cast %swap3A_134 : vector<16xf32> to vector<16xf32>
    %swap3A_136 = vector.shape_cast %broadcast_in_dim3A_132 : vector<16xf32> to vector<16xf32>
    tpu.vector_store %arg6[%swap3A_133], %swap3A_136 {strides = array<i32>} : memref<640xf32, #tpu.memory_space<vmem>>, vector<16xf32>,
    %broadcast_in_dim3A_137 = arith.constant 0.000000e+00 : f32
    %broadcast_in_dim3A_138 = vector.broadcast %broadcast_in_dim3A_137 : f32 to vector<16xf32>
    %swap3A_139 = arith.constant 368 : index
    %swap3A_140 = tpu.vector_load %arg6[%swap3A_139] {strides = array<i32>} : memref<640xf32, #tpu.memory_space<vmem>>, vector<16xf32>,
    %swap3A_141 = vector.shape_cast %swap3A_140 : vector<16xf32> to vector<16xf32>
    %swap3A_142 = vector.shape_cast %broadcast_in_dim3A_138 : vector<16xf32> to vector<16xf32>
    tpu.vector_store %arg6[%swap3A_139], %swap3A_142 {strides = array<i32>} : memref<640xf32, #tpu.memory_space<vmem>>, vector<16xf32>,
    %broadcast_in_dim3A_143 = arith.constant 0.000000e+00 : f32
    %broadcast_in_dim3A_144 = vector.broadcast %broadcast_in_dim3A_143 : f32 to vector<16xf32>
    %swap3A_145 = arith.constant 384 : index
    %swap3A_146 = tpu.vector_load %arg6[%swap3A_145] {strides = array<i32>} : memref<640xf32, #tpu.memory_space<vmem>>, vector<16xf32>,
    %swap3A_147 = vector.shape_cast %swap3A_146 : vector<16xf32> to vector<16xf32>
    %swap3A_148 = vector.shape_cast %broadcast_in_dim3A_144 : vector<16xf32> to vector<16xf32>
    tpu.vector_store %arg6[%swap3A_145], %swap3A_148 {strides = array<i32>} : memref<640xf32, #tpu.memory_space<vmem>>, vector<16xf32>,
    %broadcast_in_dim3A_149 = arith.constant 0.000000e+00 : f32
    %broadcast_in_dim3A_150 = vector.broadcast %broadcast_in_dim3A_149 : f32 to vector<16xf32>
    %swap3A_151 = arith.constant 400 : index
    %swap3A_152 = tpu.vector_load %arg6[%swap3A_151] {strides = array<i32>} : memref<640xf32, #tpu.memory_space<vmem>>, vector<16xf32>,
    %swap3A_153 = vector.shape_cast %swap3A_152 : vector<16xf32> to vector<16xf32>
    %swap3A_154 = vector.shape_cast %broadcast_in_dim3A_150 : vector<16xf32> to vector<16xf32>
    tpu.vector_store %arg6[%swap3A_151], %swap3A_154 {strides = array<i32>} : memref<640xf32, #tpu.memory_space<vmem>>, vector<16xf32>,
    %broadcast_in_dim3A_155 = arith.constant 0.000000e+00 : f32
    %broadcast_in_dim3A_156 = vector.broadcast %broadcast_in_dim3A_155 : f32 to vector<16xf32>
    %swap3A_157 = arith.constant 416 : index
    %swap3A_158 = tpu.vector_load %arg6[%swap3A_157] {strides = array<i32>} : memref<640xf32, #tpu.memory_space<vmem>>, vector<16xf32>,
    %swap3A_159 = vector.shape_cast %swap3A_158 : vector<16xf32> to vector<16xf32>
    %swap3A_160 = vector.shape_cast %broadcast_in_dim3A_156 : vector<16xf32> to vector<16xf32>
    tpu.vector_store %arg6[%swap3A_157], %swap3A_160 {strides = array<i32>} : memref<640xf32, #tpu.memory_space<vmem>>, vector<16xf32>,
    %broadcast_in_dim3A_161 = arith.constant 0.000000e+00 : f32
    %broadcast_in_dim3A_162 = vector.broadcast %broadcast_in_dim3A_161 : f32 to vector<16xf32>
    %swap3A_163 = arith.constant 432 : index
    %swap3A_164 = tpu.vector_load %arg6[%swap3A_163] {strides = array<i32>} : memref<640xf32, #tpu.memory_space<vmem>>, vector<16xf32>,
    %swap3A_165 = vector.shape_cast %swap3A_164 : vector<16xf32> to vector<16xf32>
    %swap3A_166 = vector.shape_cast %broadcast_in_dim3A_162 : vector<16xf32> to vector<16xf32>
    tpu.vector_store %arg6[%swap3A_163], %swap3A_166 {strides = array<i32>} : memref<640xf32, #tpu.memory_space<vmem>>, vector<16xf32>,
    %broadcast_in_dim3A_167 = arith.constant 0.000000e+00 : f32
    %broadcast_in_dim3A_168 = vector.broadcast %broadcast_in_dim3A_167 : f32 to vector<16xf32>
    %swap3A_169 = arith.constant 448 : index
    %swap3A_170 = tpu.vector_load %arg6[%swap3A_169] {strides = array<i32>} : memref<640xf32, #tpu.memory_space<vmem>>, vector<16xf32>,
    %swap3A_171 = vector.shape_cast %swap3A_170 : vector<16xf32> to vector<16xf32>
    %swap3A_172 = vector.shape_cast %broadcast_in_dim3A_168 : vector<16xf32> to vector<16xf32>
    tpu.vector_store %arg6[%swap3A_169], %swap3A_172 {strides = array<i32>} : memref<640xf32, #tpu.memory_space<vmem>>, vector<16xf32>,
    %broadcast_in_dim3A_173 = arith.constant 0.000000e+00 : f32
    %broadcast_in_dim3A_174 = vector.broadcast %broadcast_in_dim3A_173 : f32 to vector<16xf32>
    %swap3A_175 = arith.constant 464 : index
    %swap3A_176 = tpu.vector_load %arg6[%swap3A_175] {strides = array<i32>} : memref<640xf32, #tpu.memory_space<vmem>>, vector<16xf32>,
    %swap3A_177 = vector.shape_cast %swap3A_176 : vector<16xf32> to vector<16xf32>
    %swap3A_178 = vector.shape_cast %broadcast_in_dim3A_174 : vector<16xf32> to vector<16xf32>
    tpu.vector_store %arg6[%swap3A_175], %swap3A_178 {strides = array<i32>} : memref<640xf32, #tpu.memory_space<vmem>>, vector<16xf32>,
    %broadcast_in_dim3A_179 = arith.constant 0.000000e+00 : f32
    %broadcast_in_dim3A_180 = vector.broadcast %broadcast_in_dim3A_179 : f32 to vector<16xf32>
    %swap3A_181 = arith.constant 480 : index
    %swap3A_182 = tpu.vector_load %arg6[%swap3A_181] {strides = array<i32>} : memref<640xf32, #tpu.memory_space<vmem>>, vector<16xf32>,
    %swap3A_183 = vector.shape_cast %swap3A_182 : vector<16xf32> to vector<16xf32>
    %swap3A_184 = vector.shape_cast %broadcast_in_dim3A_180 : vector<16xf32> to vector<16xf32>
    tpu.vector_store %arg6[%swap3A_181], %swap3A_184 {strides = array<i32>} : memref<640xf32, #tpu.memory_space<vmem>>, vector<16xf32>,
    %broadcast_in_dim3A_185 = arith.constant 0.000000e+00 : f32
    %broadcast_in_dim3A_186 = vector.broadcast %broadcast_in_dim3A_185 : f32 to vector<16xf32>
    %swap3A_187 = arith.constant 496 : index
    %swap3A_188 = tpu.vector_load %arg6[%swap3A_187] {strides = array<i32>} : memref<640xf32, #tpu.memory_space<vmem>>, vector<16xf32>,
    %swap3A_189 = vector.shape_cast %swap3A_188 : vector<16xf32> to vector<16xf32>
    %swap3A_190 = vector.shape_cast %broadcast_in_dim3A_186 : vector<16xf32> to vector<16xf32>
    tpu.vector_store %arg6[%swap3A_187], %swap3A_190 {strides = array<i32>} : memref<640xf32, #tpu.memory_space<vmem>>, vector<16xf32>,
    %broadcast_in_dim3A_191 = arith.constant 0.000000e+00 : f32
    %broadcast_in_dim3A_192 = vector.broadcast %broadcast_in_dim3A_191 : f32 to vector<16xf32>
    %swap3A_193 = arith.constant 512 : index
    %swap3A_194 = tpu.vector_load %arg6[%swap3A_193] {strides = array<i32>} : memref<640xf32, #tpu.memory_space<vmem>>, vector<16xf32>,
    %swap3A_195 = vector.shape_cast %swap3A_194 : vector<16xf32> to vector<16xf32>
    %swap3A_196 = vector.shape_cast %broadcast_in_dim3A_192 : vector<16xf32> to vector<16xf32>
    tpu.vector_store %arg6[%swap3A_193], %swap3A_196 {strides = array<i32>} : memref<640xf32, #tpu.memory_space<vmem>>, vector<16xf32>,
    %broadcast_in_dim3A_197 = arith.constant 0.000000e+00 : f32
    %broadcast_in_dim3A_198 = vector.broadcast %broadcast_in_dim3A_197 : f32 to vector<16xf32>
    %swap3A_199 = arith.constant 528 : index
    %swap3A_200 = tpu.vector_load %arg6[%swap3A_199] {strides = array<i32>} : memref<640xf32, #tpu.memory_space<vmem>>, vector<16xf32>,
    %swap3A_201 = vector.shape_cast %swap3A_200 : vector<16xf32> to vector<16xf32>
    %swap3A_202 = vector.shape_cast %broadcast_in_dim3A_198 : vector<16xf32> to vector<16xf32>
    tpu.vector_store %arg6[%swap3A_199], %swap3A_202 {strides = array<i32>} : memref<640xf32, #tpu.memory_space<vmem>>, vector<16xf32>,
    %broadcast_in_dim3A_203 = arith.constant 0.000000e+00 : f32
    %broadcast_in_dim3A_204 = vector.broadcast %broadcast_in_dim3A_203 : f32 to vector<16xf32>
    %swap3A_205 = arith.constant 544 : index
    %swap3A_206 = tpu.vector_load %arg6[%swap3A_205] {strides = array<i32>} : memref<640xf32, #tpu.memory_space<vmem>>, vector<16xf32>,
    %swap3A_207 = vector.shape_cast %swap3A_206 : vector<16xf32> to vector<16xf32>
    %swap3A_208 = vector.shape_cast %broadcast_in_dim3A_204 : vector<16xf32> to vector<16xf32>
    tpu.vector_store %arg6[%swap3A_205], %swap3A_208 {strides = array<i32>} : memref<640xf32, #tpu.memory_space<vmem>>, vector<16xf32>,
    %broadcast_in_dim3A_209 = arith.constant 0.000000e+00 : f32
    %broadcast_in_dim3A_210 = vector.broadcast %broadcast_in_dim3A_209 : f32 to vector<16xf32>
    %swap3A_211 = arith.constant 560 : index
    %swap3A_212 = tpu.vector_load %arg6[%swap3A_211] {strides = array<i32>} : memref<640xf32, #tpu.memory_space<vmem>>, vector<16xf32>,
    %swap3A_213 = vector.shape_cast %swap3A_212 : vector<16xf32> to vector<16xf32>
    %swap3A_214 = vector.shape_cast %broadcast_in_dim3A_210 : vector<16xf32> to vector<16xf32>
    tpu.vector_store %arg6[%swap3A_211], %swap3A_214 {strides = array<i32>} : memref<640xf32, #tpu.memory_space<vmem>>, vector<16xf32>,
    %broadcast_in_dim3A_215 = arith.constant 0.000000e+00 : f32
    %broadcast_in_dim3A_216 = vector.broadcast %broadcast_in_dim3A_215 : f32 to vector<16xf32>
    %swap3A_217 = arith.constant 576 : index
    %swap3A_218 = tpu.vector_load %arg6[%swap3A_217] {strides = array<i32>} : memref<640xf32, #tpu.memory_space<vmem>>, vector<16xf32>,
    %swap3A_219 = vector.shape_cast %swap3A_218 : vector<16xf32> to vector<16xf32>
    %swap3A_220 = vector.shape_cast %broadcast_in_dim3A_216 : vector<16xf32> to vector<16xf32>
    tpu.vector_store %arg6[%swap3A_217], %swap3A_220 {strides = array<i32>} : memref<640xf32, #tpu.memory_space<vmem>>, vector<16xf32>,
    %broadcast_in_dim3A_221 = arith.constant 0.000000e+00 : f32
    %broadcast_in_dim3A_222 = vector.broadcast %broadcast_in_dim3A_221 : f32 to vector<16xf32>
    %swap3A_223 = arith.constant 592 : index
    %swap3A_224 = tpu.vector_load %arg6[%swap3A_223] {strides = array<i32>} : memref<640xf32, #tpu.memory_space<vmem>>, vector<16xf32>,
    %swap3A_225 = vector.shape_cast %swap3A_224 : vector<16xf32> to vector<16xf32>
    %swap3A_226 = vector.shape_cast %broadcast_in_dim3A_222 : vector<16xf32> to vector<16xf32>
    tpu.vector_store %arg6[%swap3A_223], %swap3A_226 {strides = array<i32>} : memref<640xf32, #tpu.memory_space<vmem>>, vector<16xf32>,
    %broadcast_in_dim3A_227 = arith.constant 0.000000e+00 : f32
    %broadcast_in_dim3A_228 = vector.broadcast %broadcast_in_dim3A_227 : f32 to vector<16xf32>
    %swap3A_229 = arith.constant 608 : index
    %swap3A_230 = tpu.vector_load %arg6[%swap3A_229] {strides = array<i32>} : memref<640xf32, #tpu.memory_space<vmem>>, vector<16xf32>,
    %swap3A_231 = vector.shape_cast %swap3A_230 : vector<16xf32> to vector<16xf32>
    %swap3A_232 = vector.shape_cast %broadcast_in_dim3A_228 : vector<16xf32> to vector<16xf32>
    tpu.vector_store %arg6[%swap3A_229], %swap3A_232 {strides = array<i32>} : memref<640xf32, #tpu.memory_space<vmem>>, vector<16xf32>,
    %broadcast_in_dim3A_233 = arith.constant 0.000000e+00 : f32
    %broadcast_in_dim3A_234 = vector.broadcast %broadcast_in_dim3A_233 : f32 to vector<16xf32>
    %swap3A_235 = arith.constant 624 : index
    %swap3A_236 = tpu.vector_load %arg6[%swap3A_235] {strides = array<i32>} : memref<640xf32, #tpu.memory_space<vmem>>, vector<16xf32>,
    %swap3A_237 = vector.shape_cast %swap3A_236 : vector<16xf32> to vector<16xf32>
    %swap3A_238 = vector.shape_cast %broadcast_in_dim3A_234 : vector<16xf32> to vector<16xf32>
    tpu.vector_store %arg6[%swap3A_235], %swap3A_238 {strides = array<i32>} : memref<640xf32, #tpu.memory_space<vmem>>, vector<16xf32>,
    %broadcast_in_dim3A_239 = arith.constant 1.000000e+00 : f32
    %broadcast_in_dim3A_240 = vector.broadcast %broadcast_in_dim3A_239 : f32 to vector<16xf32>
    %swap3A_241 = arith.constant 0 : index
    %swap3A_242 = tpu.vector_load %arg5[%swap3A_241] {strides = array<i32>} : memref<128xf32, #tpu.memory_space<vmem>>, vector<16xf32>,
    %swap3A_243 = vector.shape_cast %swap3A_242 : vector<16xf32> to vector<16xf32>
    %swap3A_244 = vector.shape_cast %broadcast_in_dim3A_240 : vector<16xf32> to vector<16xf32>
    tpu.vector_store %arg5[%swap3A_241], %swap3A_244 {strides = array<i32>} : memref<128xf32, #tpu.memory_space<vmem>>, vector<16xf32>,
    %broadcast_in_dim3A_245 = arith.constant 1.000000e+00 : f32
    %broadcast_in_dim3A_246 = vector.broadcast %broadcast_in_dim3A_245 : f32 to vector<16xf32>
    %swap3A_247 = arith.constant 16 : index
    %swap3A_248 = tpu.vector_load %arg5[%swap3A_247] {strides = array<i32>} : memref<128xf32, #tpu.memory_space<vmem>>, vector<16xf32>,
    %swap3A_249 = vector.shape_cast %swap3A_248 : vector<16xf32> to vector<16xf32>
    %swap3A_250 = vector.shape_cast %broadcast_in_dim3A_246 : vector<16xf32> to vector<16xf32>
    tpu.vector_store %arg5[%swap3A_247], %swap3A_250 {strides = array<i32>} : memref<128xf32, #tpu.memory_space<vmem>>, vector<16xf32>,
    %broadcast_in_dim3A_251 = arith.constant 1.000000e+00 : f32
    %broadcast_in_dim3A_252 = vector.broadcast %broadcast_in_dim3A_251 : f32 to vector<16xf32>
    %swap3A_253 = arith.constant 32 : index
    %swap3A_254 = tpu.vector_load %arg5[%swap3A_253] {strides = array<i32>} : memref<128xf32, #tpu.memory_space<vmem>>, vector<16xf32>,
    %swap3A_255 = vector.shape_cast %swap3A_254 : vector<16xf32> to vector<16xf32>
    %swap3A_256 = vector.shape_cast %broadcast_in_dim3A_252 : vector<16xf32> to vector<16xf32>
    tpu.vector_store %arg5[%swap3A_253], %swap3A_256 {strides = array<i32>} : memref<128xf32, #tpu.memory_space<vmem>>, vector<16xf32>,
    %broadcast_in_dim3A_257 = arith.constant 1.000000e+00 : f32
    %broadcast_in_dim3A_258 = vector.broadcast %broadcast_in_dim3A_257 : f32 to vector<16xf32>
    %swap3A_259 = arith.constant 48 : index
    %swap3A_260 = tpu.vector_load %arg5[%swap3A_259] {strides = array<i32>} : memref<128xf32, #tpu.memory_space<vmem>>, vector<16xf32>,
    %swap3A_261 = vector.shape_cast %swap3A_260 : vector<16xf32> to vector<16xf32>
    %swap3A_262 = vector.shape_cast %broadcast_in_dim3A_258 : vector<16xf32> to vector<16xf32>
    tpu.vector_store %arg5[%swap3A_259], %swap3A_262 {strides = array<i32>} : memref<128xf32, #tpu.memory_space<vmem>>, vector<16xf32>,
    %broadcast_in_dim3A_263 = arith.constant 1.000000e+00 : f32
    %broadcast_in_dim3A_264 = vector.broadcast %broadcast_in_dim3A_263 : f32 to vector<16xf32>
    %swap3A_265 = arith.constant 64 : index
    %swap3A_266 = tpu.vector_load %arg5[%swap3A_265] {strides = array<i32>} : memref<128xf32, #tpu.memory_space<vmem>>, vector<16xf32>,
    %swap3A_267 = vector.shape_cast %swap3A_266 : vector<16xf32> to vector<16xf32>
    %swap3A_268 = vector.shape_cast %broadcast_in_dim3A_264 : vector<16xf32> to vector<16xf32>
    tpu.vector_store %arg5[%swap3A_265], %swap3A_268 {strides = array<i32>} : memref<128xf32, #tpu.memory_space<vmem>>, vector<16xf32>,
    %broadcast_in_dim3A_269 = arith.constant 1.000000e+00 : f32
    %broadcast_in_dim3A_270 = vector.broadcast %broadcast_in_dim3A_269 : f32 to vector<16xf32>
    %swap3A_271 = arith.constant 80 : index
    %swap3A_272 = tpu.vector_load %arg5[%swap3A_271] {strides = array<i32>} : memref<128xf32, #tpu.memory_space<vmem>>, vector<16xf32>,
    %swap3A_273 = vector.shape_cast %swap3A_272 : vector<16xf32> to vector<16xf32>
    %swap3A_274 = vector.shape_cast %broadcast_in_dim3A_270 : vector<16xf32> to vector<16xf32>
    tpu.vector_store %arg5[%swap3A_271], %swap3A_274 {strides = array<i32>} : memref<128xf32, #tpu.memory_space<vmem>>, vector<16xf32>,
    %broadcast_in_dim3A_275 = arith.constant 1.000000e+00 : f32
    %broadcast_in_dim3A_276 = vector.broadcast %broadcast_in_dim3A_275 : f32 to vector<16xf32>
    %swap3A_277 = arith.constant 96 : index
    %swap3A_278 = tpu.vector_load %arg5[%swap3A_277] {strides = array<i32>} : memref<128xf32, #tpu.memory_space<vmem>>, vector<16xf32>,
    %swap3A_279 = vector.shape_cast %swap3A_278 : vector<16xf32> to vector<16xf32>
    %swap3A_280 = vector.shape_cast %broadcast_in_dim3A_276 : vector<16xf32> to vector<16xf32>
    tpu.vector_store %arg5[%swap3A_277], %swap3A_280 {strides = array<i32>} : memref<128xf32, #tpu.memory_space<vmem>>, vector<16xf32>,
    %broadcast_in_dim3A_281 = arith.constant 1.000000e+00 : f32
    %broadcast_in_dim3A_282 = vector.broadcast %broadcast_in_dim3A_281 : f32 to vector<16xf32>
    %swap3A_283 = arith.constant 112 : index
    %swap3A_284 = tpu.vector_load %arg5[%swap3A_283] {strides = array<i32>} : memref<128xf32, #tpu.memory_space<vmem>>, vector<16xf32>,
    %swap3A_285 = vector.shape_cast %swap3A_284 : vector<16xf32> to vector<16xf32>
    %swap3A_286 = vector.shape_cast %broadcast_in_dim3A_282 : vector<16xf32> to vector<16xf32>
    tpu.vector_store %arg5[%swap3A_283], %swap3A_286 {strides = array<i32>} : memref<128xf32, #tpu.memory_space<vmem>>, vector<16xf32>,
    %mul3A_287 = arith.constant 640 : i32
    %mul3A_288 = arith.muli %arg1, %mul3A_287 : i32
    "tpu.region"() ({
      %run_scoped3A = tpu.sem_alloc : memref<!tpu.dma_semaphore, #tpu.memory_space<semaphore_mem>>
      %dma_start3A = tpu.memref_slice %arg7[%mul3A_288] : memref<10240xf32, #tpu.memory_space<vmem_shared>> -> memref<640xf32, #tpu.memory_space<vmem_shared>>
      %dma_start3A_308 = tpu.memref_slice %arg7[%mul3A_288] : memref<10240xf32, #tpu.memory_space<vmem_shared>> -> memref<640xf32, #tpu.memory_space<vmem_shared>>
      tpu.enqueue_dma source(%arg6 : memref<640xf32, #tpu.memory_space<vmem>>) target(%dma_start3A_308 : memref<640xf32, #tpu.memory_space<vmem_shared>>) target_semaphore(%run_scoped3A : memref<!tpu.dma_semaphore, #tpu.memory_space<semaphore_mem>>)
      %dma_wait3A = tpu.memref_slice %arg7[%mul3A_288] : memref<10240xf32, #tpu.memory_space<vmem_shared>> -> memref<640xf32, #tpu.memory_space<vmem_shared>>
      %dma_wait3A_309 = tpu.memref_slice %arg7[%mul3A_288] : memref<10240xf32, #tpu.memory_space<vmem_shared>> -> memref<640xf32, #tpu.memory_space<vmem_shared>>
      tpu.wait_dma2 semaphore(%run_scoped3A : memref<!tpu.dma_semaphore, #tpu.memory_space<semaphore_mem>>) src(%arg6 : memref<640xf32, #tpu.memory_space<vmem>>) dst(%dma_wait3A_309 : memref<640xf32, #tpu.memory_space<vmem_shared>>)
      tpu.yield
    }) : () -> ()
    %barrier3A = arith.constant 0 : index
    tpu.barrier barrier_id(%barrier3A)
    %scan3A = arith.constant 0 : i32
    %scan3A_289 = arith.constant 0 : i32
    %scan3A_290 = arith.constant 80 : i32
    %scan3A_291 = arith.addi %scan3A_289, %scan3A_290 : i32
    %scan3A_292 = arith.constant 1 : i32
    scf.for %scan3A_308 = %scan3A_289 to %scan3A_291 step %scan3A_292  : i32 {
      %dma_start3A = arith.constant 0 : i32
      %dma_start3A_309 = tpu.memref_slice %arg4[%scan3A_308, %dma_start3A] : memref<80x128xi32, #tpu.memory_space<vmem>> -> memref<1x128xi32, #tpu.memory_space<vmem>>
      %dma_start3A_310 = tpu.memref_squeeze %dma_start3A_309 : memref<1x128xi32, #tpu.memory_space<vmem>> -> memref<128xi32, #tpu.memory_space<vmem>>
      %dma_start3A_311 = arith.constant 0 : i32
      %dma_start3A_312 = tpu.memref_slice %arg7[%dma_start3A_311] : memref<10240xf32, #tpu.memory_space<vmem_shared>> -> memref<10240xf32, #tpu.memory_space<vmem_shared>>
      tpu.enqueue_indirect_dma source(%arg5 : memref<128xf32, #tpu.memory_space<vmem>>) target(%dma_start3A_312 : memref<10240xf32, #tpu.memory_space<vmem_shared>>) offsets(%dma_start3A_310 : memref<128xi32, #tpu.memory_space<vmem>>) semaphore(%arg8 : memref<!tpu.dma_semaphore, #tpu.memory_space<semaphore_mem>>) {add = true}
    }
    %scan3A_293 = arith.constant 80 : i32
    %scan3A_294 = arith.constant 0 : i32
    %scan3A_295 = arith.constant 0 : i32
    %scan3A_296 = arith.constant 80 : i32
    %scan3A_297 = arith.addi %scan3A_295, %scan3A_296 : i32
    %scan3A_298 = arith.constant 1 : i32
    scf.for %scan3A_308 = %scan3A_295 to %scan3A_297 step %scan3A_298  : i32 {
      %dma_wait3A = arith.constant 0 : i32
      %dma_wait3A_309 = arith.constant 0 : i32
      %dma_wait3A_310 = tpu.memref_slice %arg4[%dma_wait3A, %dma_wait3A_309] : memref<80x128xi32, #tpu.memory_space<vmem>> -> memref<1x128xi32, #tpu.memory_space<vmem>>
      %dma_wait3A_311 = tpu.memref_squeeze %dma_wait3A_310 : memref<1x128xi32, #tpu.memory_space<vmem>> -> memref<128xi32, #tpu.memory_space<vmem>>
      %dma_wait3A_312 = arith.constant 0 : i32
      %dma_wait3A_313 = tpu.memref_slice %arg7[%dma_wait3A_312] : memref<10240xf32, #tpu.memory_space<vmem_shared>> -> memref<10240xf32, #tpu.memory_space<vmem_shared>>
      tpu.wait_indirect_dma semaphore(%arg8 : memref<!tpu.dma_semaphore, #tpu.memory_space<semaphore_mem>>) src(%arg5 : memref<128xf32, #tpu.memory_space<vmem>>) dst(%dma_wait3A_313 : memref<10240xf32, #tpu.memory_space<vmem_shared>>)
    }
    %scan3A_299 = arith.constant 80 : i32
    %barrier3A_300 = arith.constant 0 : index
    tpu.barrier barrier_id(%barrier3A_300)
    %mul3A_301 = arith.constant 640 : i32
    %mul3A_302 = arith.muli %arg1, %mul3A_301 : i32
    "tpu.region"() ({
      %run_scoped3A = tpu.sem_alloc : memref<!tpu.dma_semaphore, #tpu.memory_space<semaphore_mem>>
      %dma_start3A = tpu.memref_slice %arg7[%mul3A_302] : memref<10240xf32, #tpu.memory_space<vmem_shared>> -> memref<640xf32, #tpu.memory_space<vmem_shared>>
      %dma_start3A_308 = tpu.memref_slice %arg7[%mul3A_302] : memref<10240xf32, #tpu.memory_space<vmem_shared>> -> memref<640xf32, #tpu.memory_space<vmem_shared>>
      tpu.enqueue_dma source(%dma_start3A_308 : memref<640xf32, #tpu.memory_space<vmem_shared>>) target(%arg6 : memref<640xf32, #tpu.memory_space<vmem>>) target_semaphore(%run_scoped3A : memref<!tpu.dma_semaphore, #tpu.memory_space<semaphore_mem>>)
      %dma_wait3A = tpu.memref_slice %arg7[%mul3A_302] : memref<10240xf32, #tpu.memory_space<vmem_shared>> -> memref<640xf32, #tpu.memory_space<vmem_shared>>
      %dma_wait3A_309 = tpu.memref_slice %arg7[%mul3A_302] : memref<10240xf32, #tpu.memory_space<vmem_shared>> -> memref<640xf32, #tpu.memory_space<vmem_shared>>
      tpu.wait_dma2 semaphore(%run_scoped3A : memref<!tpu.dma_semaphore, #tpu.memory_space<semaphore_mem>>) src(%dma_wait3A_309 : memref<640xf32, #tpu.memory_space<vmem_shared>>) dst(%arg6 : memref<640xf32, #tpu.memory_space<vmem>>)
      tpu.yield
    }) : () -> ()
    %mul3A_303 = arith.constant 10240 : i32
    %mul3A_304 = arith.muli %arg0, %mul3A_303 : i32
    %mul3A_305 = arith.constant 640 : i32
    %mul3A_306 = arith.muli %arg1, %mul3A_305 : i32
    %add3A_307 = arith.addi %mul3A_304, %mul3A_306 : i32
    "tpu.region"() ({
      %run_scoped3A = tpu.sem_alloc : memref<!tpu.dma_semaphore, #tpu.memory_space<semaphore_mem>>
      %dma_start3A = tpu.memref_slice %arg3[%add3A_307] : memref<20480xf32, #tpu.memory_space<hbm>> -> memref<640xf32, #tpu.memory_space<hbm>>
      %dma_start3A_308 = tpu.memref_slice %arg3[%add3A_307] : memref<20480xf32, #tpu.memory_space<hbm>> -> memref<640xf32, #tpu.memory_space<hbm>>
      tpu.enqueue_dma source(%arg6 : memref<640xf32, #tpu.memory_space<vmem>>) target(%dma_start3A_308 : memref<640xf32, #tpu.memory_space<hbm>>) target_semaphore(%run_scoped3A : memref<!tpu.dma_semaphore, #tpu.memory_space<semaphore_mem>>)
      %dma_wait3A = tpu.memref_slice %arg3[%add3A_307] : memref<20480xf32, #tpu.memory_space<hbm>> -> memref<640xf32, #tpu.memory_space<hbm>>
      %dma_wait3A_309 = tpu.memref_slice %arg3[%add3A_307] : memref<20480xf32, #tpu.memory_space<hbm>> -> memref<640xf32, #tpu.memory_space<hbm>>
      tpu.wait_dma2 semaphore(%run_scoped3A : memref<!tpu.dma_semaphore, #tpu.memory_space<semaphore_mem>>) src(%arg6 : memref<640xf32, #tpu.memory_space<vmem>>) dst(%dma_wait3A_309 : memref<640xf32, #tpu.memory_space<hbm>>)
      tpu.yield
    }) : () -> ()
    return
  }
}

#map = affine_map<(d0, d1) -> (0, 0)>
#map1 = affine_map<(d0, d1) -> (0, 0, 0)>
module attributes {stable_mosaic.version = 14 : i64} {
  func.func @_sc_agg(%arg0: i32, %arg1: i32, %arg2: memref<10000x128xf32, #tpu.memory_space<hbm>>, %arg3: memref<32x80x128xi32, #tpu.memory_space<hbm>>, %arg4: memref<32x80x128xi32, #tpu.memory_space<hbm>>, %arg5: memref<128x128xf32, #tpu.memory_space<hbm>>, %arg6: memref<2x10240x128xf32, #tpu.memory_space<hbm>>, %arg7: memref<40x128xi32, #tpu.memory_space<vmem>>, %arg8: memref<40x128xi32, #tpu.memory_space<vmem>>, %arg9: memref<128x128xf32, #tpu.memory_space<vmem>>, %arg10: memref<128x128xf32, #tpu.memory_space<vmem>>, %arg11: memref<10240x128xf32, #tpu.memory_space<vmem_shared>>, %arg12: memref<!tpu.dma_semaphore, #tpu.memory_space<semaphore_mem>>, %arg13: memref<!tpu.dma_semaphore, #tpu.memory_space<semaphore_mem>>, %arg14: memref<!tpu.dma_semaphore, #tpu.memory_space<semaphore_mem>>, %arg15: memref<!tpu.dma_semaphore, #tpu.memory_space<semaphore_mem>>) attributes {dimension_semantics = [#tpu.dimension_semantics<core_parallel>, #tpu.dimension_semantics<subcore_parallel>], iteration_bounds = array<i64: 2, 16>, scalar_prefetch = 0 : i64, scratch_operands = 9 : i64, tpu.core_type = #tpu.core_type<sc_vector_subcore>, window_params = [{transform_indices = #map}, {transform_indices = #map1}, {transform_indices = #map1}, {transform_indices = #map}, {transform_indices = #map1}]} {
    %mul3A = arith.constant 16 : i32
    %mul3A_0 = arith.muli %arg0, %mul3A : i32
    %add3A = arith.addi %mul3A_0, %arg1 : i32
    "tpu.region"() ({
      %run_scoped3A = tpu.sem_alloc : memref<!tpu.dma_semaphore, #tpu.memory_space<semaphore_mem>>
      tpu.enqueue_dma source(%arg5 : memref<128x128xf32, #tpu.memory_space<hbm>>) target(%arg9 : memref<128x128xf32, #tpu.memory_space<vmem>>) target_semaphore(%run_scoped3A : memref<!tpu.dma_semaphore, #tpu.memory_space<semaphore_mem>>)
      tpu.wait_dma2 semaphore(%run_scoped3A : memref<!tpu.dma_semaphore, #tpu.memory_space<semaphore_mem>>) src(%arg5 : memref<128x128xf32, #tpu.memory_space<hbm>>) dst(%arg9 : memref<128x128xf32, #tpu.memory_space<vmem>>)
      tpu.yield
    }) : () -> ()
    %mul3A_1 = arith.constant 640 : i32
    %mul3A_2 = arith.muli %arg1, %mul3A_1 : i32
    %add3A_3 = arith.constant 0 : i32
    %add3A_4 = arith.addi %mul3A_2, %add3A_3 : i32
    %dma_start3A = arith.constant 0 : i32
    %dma_start3A_5 = tpu.memref_slice %arg11[%add3A_4, %dma_start3A] : memref<10240x128xf32, #tpu.memory_space<vmem_shared>> -> memref<128x128xf32, #tpu.memory_space<vmem_shared>>
    %dma_start3A_6 = arith.constant 0 : i32
    %dma_start3A_7 = tpu.memref_slice %arg11[%add3A_4, %dma_start3A_6] : memref<10240x128xf32, #tpu.memory_space<vmem_shared>> -> memref<128x128xf32, #tpu.memory_space<vmem_shared>>
    tpu.enqueue_dma source(%arg9 : memref<128x128xf32, #tpu.memory_space<vmem>>) target(%dma_start3A_7 : memref<128x128xf32, #tpu.memory_space<vmem_shared>>) target_semaphore(%arg14 : memref<!tpu.dma_semaphore, #tpu.memory_space<semaphore_mem>>)
    %mul3A_8 = arith.constant 640 : i32
    %mul3A_9 = arith.muli %arg1, %mul3A_8 : i32
    %add3A_10 = arith.constant 128 : i32
    %add3A_11 = arith.addi %mul3A_9, %add3A_10 : i32
    %dma_start3A_12 = arith.constant 0 : i32
    %dma_start3A_13 = tpu.memref_slice %arg11[%add3A_11, %dma_start3A_12] : memref<10240x128xf32, #tpu.memory_space<vmem_shared>> -> memref<128x128xf32, #tpu.memory_space<vmem_shared>>
    %dma_start3A_14 = arith.constant 0 : i32
    %dma_start3A_15 = tpu.memref_slice %arg11[%add3A_11, %dma_start3A_14] : memref<10240x128xf32, #tpu.memory_space<vmem_shared>> -> memref<128x128xf32, #tpu.memory_space<vmem_shared>>
    tpu.enqueue_dma source(%arg9 : memref<128x128xf32, #tpu.memory_space<vmem>>) target(%dma_start3A_15 : memref<128x128xf32, #tpu.memory_space<vmem_shared>>) target_semaphore(%arg14 : memref<!tpu.dma_semaphore, #tpu.memory_space<semaphore_mem>>)
    %mul3A_16 = arith.constant 640 : i32
    %mul3A_17 = arith.muli %arg1, %mul3A_16 : i32
    %add3A_18 = arith.constant 256 : i32
    %add3A_19 = arith.addi %mul3A_17, %add3A_18 : i32
    %dma_start3A_20 = arith.constant 0 : i32
    %dma_start3A_21 = tpu.memref_slice %arg11[%add3A_19, %dma_start3A_20] : memref<10240x128xf32, #tpu.memory_space<vmem_shared>> -> memref<128x128xf32, #tpu.memory_space<vmem_shared>>
    %dma_start3A_22 = arith.constant 0 : i32
    %dma_start3A_23 = tpu.memref_slice %arg11[%add3A_19, %dma_start3A_22] : memref<10240x128xf32, #tpu.memory_space<vmem_shared>> -> memref<128x128xf32, #tpu.memory_space<vmem_shared>>
    tpu.enqueue_dma source(%arg9 : memref<128x128xf32, #tpu.memory_space<vmem>>) target(%dma_start3A_23 : memref<128x128xf32, #tpu.memory_space<vmem_shared>>) target_semaphore(%arg14 : memref<!tpu.dma_semaphore, #tpu.memory_space<semaphore_mem>>)
    %mul3A_24 = arith.constant 640 : i32
    %mul3A_25 = arith.muli %arg1, %mul3A_24 : i32
    %add3A_26 = arith.constant 384 : i32
    %add3A_27 = arith.addi %mul3A_25, %add3A_26 : i32
    %dma_start3A_28 = arith.constant 0 : i32
    %dma_start3A_29 = tpu.memref_slice %arg11[%add3A_27, %dma_start3A_28] : memref<10240x128xf32, #tpu.memory_space<vmem_shared>> -> memref<128x128xf32, #tpu.memory_space<vmem_shared>>
    %dma_start3A_30 = arith.constant 0 : i32
    %dma_start3A_31 = tpu.memref_slice %arg11[%add3A_27, %dma_start3A_30] : memref<10240x128xf32, #tpu.memory_space<vmem_shared>> -> memref<128x128xf32, #tpu.memory_space<vmem_shared>>
    tpu.enqueue_dma source(%arg9 : memref<128x128xf32, #tpu.memory_space<vmem>>) target(%dma_start3A_31 : memref<128x128xf32, #tpu.memory_space<vmem_shared>>) target_semaphore(%arg14 : memref<!tpu.dma_semaphore, #tpu.memory_space<semaphore_mem>>)
    %mul3A_32 = arith.constant 640 : i32
    %mul3A_33 = arith.muli %arg1, %mul3A_32 : i32
    %add3A_34 = arith.constant 512 : i32
    %add3A_35 = arith.addi %mul3A_33, %add3A_34 : i32
    %dma_start3A_36 = arith.constant 0 : i32
    %dma_start3A_37 = tpu.memref_slice %arg11[%add3A_35, %dma_start3A_36] : memref<10240x128xf32, #tpu.memory_space<vmem_shared>> -> memref<128x128xf32, #tpu.memory_space<vmem_shared>>
    %dma_start3A_38 = arith.constant 0 : i32
    %dma_start3A_39 = tpu.memref_slice %arg11[%add3A_35, %dma_start3A_38] : memref<10240x128xf32, #tpu.memory_space<vmem_shared>> -> memref<128x128xf32, #tpu.memory_space<vmem_shared>>
    tpu.enqueue_dma source(%arg9 : memref<128x128xf32, #tpu.memory_space<vmem>>) target(%dma_start3A_39 : memref<128x128xf32, #tpu.memory_space<vmem_shared>>) target_semaphore(%arg14 : memref<!tpu.dma_semaphore, #tpu.memory_space<semaphore_mem>>)
    "tpu.region"() ({
      %run_scoped3A = tpu.sem_alloc : memref<!tpu.dma_semaphore, #tpu.memory_space<semaphore_mem>>
      %dma_start3A_305 = arith.constant 0 : i32
      %dma_start3A_306 = arith.constant 0 : i32
      %dma_start3A_307 = tpu.memref_slice %arg3[%add3A, %dma_start3A_305, %dma_start3A_306] : memref<32x80x128xi32, #tpu.memory_space<hbm>> -> memref<1x40x128xi32, #tpu.memory_space<hbm>>
      %dma_start3A_308 = tpu.memref_squeeze %dma_start3A_307 : memref<1x40x128xi32, #tpu.memory_space<hbm>> -> memref<40x128xi32, #tpu.memory_space<hbm>>
      %dma_start3A_309 = arith.constant 0 : i32
      %dma_start3A_310 = arith.constant 0 : i32
      %dma_start3A_311 = tpu.memref_slice %arg3[%add3A, %dma_start3A_309, %dma_start3A_310] : memref<32x80x128xi32, #tpu.memory_space<hbm>> -> memref<1x40x128xi32, #tpu.memory_space<hbm>>
      %dma_start3A_312 = tpu.memref_squeeze %dma_start3A_311 : memref<1x40x128xi32, #tpu.memory_space<hbm>> -> memref<40x128xi32, #tpu.memory_space<hbm>>
      tpu.enqueue_dma source(%dma_start3A_312 : memref<40x128xi32, #tpu.memory_space<hbm>>) target(%arg7 : memref<40x128xi32, #tpu.memory_space<vmem>>) target_semaphore(%run_scoped3A : memref<!tpu.dma_semaphore, #tpu.memory_space<semaphore_mem>>)
      %dma_wait3A_313 = arith.constant 0 : i32
      %dma_wait3A_314 = arith.constant 0 : i32
      %dma_wait3A_315 = tpu.memref_slice %arg3[%add3A, %dma_wait3A_313, %dma_wait3A_314] : memref<32x80x128xi32, #tpu.memory_space<hbm>> -> memref<1x40x128xi32, #tpu.memory_space<hbm>>
      %dma_wait3A_316 = tpu.memref_squeeze %dma_wait3A_315 : memref<1x40x128xi32, #tpu.memory_space<hbm>> -> memref<40x128xi32, #tpu.memory_space<hbm>>
      %dma_wait3A_317 = arith.constant 0 : i32
      %dma_wait3A_318 = arith.constant 0 : i32
      %dma_wait3A_319 = tpu.memref_slice %arg3[%add3A, %dma_wait3A_317, %dma_wait3A_318] : memref<32x80x128xi32, #tpu.memory_space<hbm>> -> memref<1x40x128xi32, #tpu.memory_space<hbm>>
      %dma_wait3A_320 = tpu.memref_squeeze %dma_wait3A_319 : memref<1x40x128xi32, #tpu.memory_space<hbm>> -> memref<40x128xi32, #tpu.memory_space<hbm>>
      tpu.wait_dma2 semaphore(%run_scoped3A : memref<!tpu.dma_semaphore, #tpu.memory_space<semaphore_mem>>) src(%dma_wait3A_320 : memref<40x128xi32, #tpu.memory_space<hbm>>) dst(%arg7 : memref<40x128xi32, #tpu.memory_space<vmem>>)
      tpu.yield
    }) : () -> ()
    "tpu.region"() ({
      %run_scoped3A = tpu.sem_alloc : memref<!tpu.dma_semaphore, #tpu.memory_space<semaphore_mem>>
      %dma_start3A_305 = arith.constant 0 : i32
      %dma_start3A_306 = arith.constant 0 : i32
      %dma_start3A_307 = tpu.memref_slice %arg4[%add3A, %dma_start3A_305, %dma_start3A_306] : memref<32x80x128xi32, #tpu.memory_space<hbm>> -> memref<1x40x128xi32, #tpu.memory_space<hbm>>
      %dma_start3A_308 = tpu.memref_squeeze %dma_start3A_307 : memref<1x40x128xi32, #tpu.memory_space<hbm>> -> memref<40x128xi32, #tpu.memory_space<hbm>>
      %dma_start3A_309 = arith.constant 0 : i32
      %dma_start3A_310 = arith.constant 0 : i32
      %dma_start3A_311 = tpu.memref_slice %arg4[%add3A, %dma_start3A_309, %dma_start3A_310] : memref<32x80x128xi32, #tpu.memory_space<hbm>> -> memref<1x40x128xi32, #tpu.memory_space<hbm>>
      %dma_start3A_312 = tpu.memref_squeeze %dma_start3A_311 : memref<1x40x128xi32, #tpu.memory_space<hbm>> -> memref<40x128xi32, #tpu.memory_space<hbm>>
      tpu.enqueue_dma source(%dma_start3A_312 : memref<40x128xi32, #tpu.memory_space<hbm>>) target(%arg8 : memref<40x128xi32, #tpu.memory_space<vmem>>) target_semaphore(%run_scoped3A : memref<!tpu.dma_semaphore, #tpu.memory_space<semaphore_mem>>)
      %dma_wait3A_313 = arith.constant 0 : i32
      %dma_wait3A_314 = arith.constant 0 : i32
      %dma_wait3A_315 = tpu.memref_slice %arg4[%add3A, %dma_wait3A_313, %dma_wait3A_314] : memref<32x80x128xi32, #tpu.memory_space<hbm>> -> memref<1x40x128xi32, #tpu.memory_space<hbm>>
      %dma_wait3A_316 = tpu.memref_squeeze %dma_wait3A_315 : memref<1x40x128xi32, #tpu.memory_space<hbm>> -> memref<40x128xi32, #tpu.memory_space<hbm>>
      %dma_wait3A_317 = arith.constant 0 : i32
      %dma_wait3A_318 = arith.constant 0 : i32
      %dma_wait3A_319 = tpu.memref_slice %arg4[%add3A, %dma_wait3A_317, %dma_wait3A_318] : memref<32x80x128xi32, #tpu.memory_space<hbm>> -> memref<1x40x128xi32, #tpu.memory_space<hbm>>
      %dma_wait3A_320 = tpu.memref_squeeze %dma_wait3A_319 : memref<1x40x128xi32, #tpu.memory_space<hbm>> -> memref<40x128xi32, #tpu.memory_space<hbm>>
      tpu.wait_dma2 semaphore(%run_scoped3A : memref<!tpu.dma_semaphore, #tpu.memory_space<semaphore_mem>>) src(%dma_wait3A_320 : memref<40x128xi32, #tpu.memory_space<hbm>>) dst(%arg8 : memref<40x128xi32, #tpu.memory_space<vmem>>)
      tpu.yield
    }) : () -> ()
    %mul3A_40 = arith.constant 640 : i32
    %mul3A_41 = arith.muli %arg1, %mul3A_40 : i32
    %add3A_42 = arith.constant 0 : i32
    %add3A_43 = arith.addi %mul3A_41, %add3A_42 : i32
    %dma_wait3A = arith.constant 0 : i32
    %dma_wait3A_44 = tpu.memref_slice %arg11[%add3A_43, %dma_wait3A] : memref<10240x128xf32, #tpu.memory_space<vmem_shared>> -> memref<128x128xf32, #tpu.memory_space<vmem_shared>>
    %dma_wait3A_45 = arith.constant 0 : i32
    %dma_wait3A_46 = tpu.memref_slice %arg11[%add3A_43, %dma_wait3A_45] : memref<10240x128xf32, #tpu.memory_space<vmem_shared>> -> memref<128x128xf32, #tpu.memory_space<vmem_shared>>
    tpu.wait_dma2 semaphore(%arg14 : memref<!tpu.dma_semaphore, #tpu.memory_space<semaphore_mem>>) src(%arg9 : memref<128x128xf32, #tpu.memory_space<vmem>>) dst(%dma_wait3A_46 : memref<128x128xf32, #tpu.memory_space<vmem_shared>>)
    %mul3A_47 = arith.constant 640 : i32
    %mul3A_48 = arith.muli %arg1, %mul3A_47 : i32
    %add3A_49 = arith.constant 128 : i32
    %add3A_50 = arith.addi %mul3A_48, %add3A_49 : i32
    %dma_wait3A_51 = arith.constant 0 : i32
    %dma_wait3A_52 = tpu.memref_slice %arg11[%add3A_50, %dma_wait3A_51] : memref<10240x128xf32, #tpu.memory_space<vmem_shared>> -> memref<128x128xf32, #tpu.memory_space<vmem_shared>>
    %dma_wait3A_53 = arith.constant 0 : i32
    %dma_wait3A_54 = tpu.memref_slice %arg11[%add3A_50, %dma_wait3A_53] : memref<10240x128xf32, #tpu.memory_space<vmem_shared>> -> memref<128x128xf32, #tpu.memory_space<vmem_shared>>
    tpu.wait_dma2 semaphore(%arg14 : memref<!tpu.dma_semaphore, #tpu.memory_space<semaphore_mem>>) src(%arg9 : memref<128x128xf32, #tpu.memory_space<vmem>>) dst(%dma_wait3A_54 : memref<128x128xf32, #tpu.memory_space<vmem_shared>>)
    %mul3A_55 = arith.constant 640 : i32
    %mul3A_56 = arith.muli %arg1, %mul3A_55 : i32
    %add3A_57 = arith.constant 256 : i32
    %add3A_58 = arith.addi %mul3A_56, %add3A_57 : i32
    %dma_wait3A_59 = arith.constant 0 : i32
    %dma_wait3A_60 = tpu.memref_slice %arg11[%add3A_58, %dma_wait3A_59] : memref<10240x128xf32, #tpu.memory_space<vmem_shared>> -> memref<128x128xf32, #tpu.memory_space<vmem_shared>>
    %dma_wait3A_61 = arith.constant 0 : i32
    %dma_wait3A_62 = tpu.memref_slice %arg11[%add3A_58, %dma_wait3A_61] : memref<10240x128xf32, #tpu.memory_space<vmem_shared>> -> memref<128x128xf32, #tpu.memory_space<vmem_shared>>
    tpu.wait_dma2 semaphore(%arg14 : memref<!tpu.dma_semaphore, #tpu.memory_space<semaphore_mem>>) src(%arg9 : memref<128x128xf32, #tpu.memory_space<vmem>>) dst(%dma_wait3A_62 : memref<128x128xf32, #tpu.memory_space<vmem_shared>>)
    %mul3A_63 = arith.constant 640 : i32
    %mul3A_64 = arith.muli %arg1, %mul3A_63 : i32
    %add3A_65 = arith.constant 384 : i32
    %add3A_66 = arith.addi %mul3A_64, %add3A_65 : i32
    %dma_wait3A_67 = arith.constant 0 : i32
    %dma_wait3A_68 = tpu.memref_slice %arg11[%add3A_66, %dma_wait3A_67] : memref<10240x128xf32, #tpu.memory_space<vmem_shared>> -> memref<128x128xf32, #tpu.memory_space<vmem_shared>>
    %dma_wait3A_69 = arith.constant 0 : i32
    %dma_wait3A_70 = tpu.memref_slice %arg11[%add3A_66, %dma_wait3A_69] : memref<10240x128xf32, #tpu.memory_space<vmem_shared>> -> memref<128x128xf32, #tpu.memory_space<vmem_shared>>
    tpu.wait_dma2 semaphore(%arg14 : memref<!tpu.dma_semaphore, #tpu.memory_space<semaphore_mem>>) src(%arg9 : memref<128x128xf32, #tpu.memory_space<vmem>>) dst(%dma_wait3A_70 : memref<128x128xf32, #tpu.memory_space<vmem_shared>>)
    %mul3A_71 = arith.constant 640 : i32
    %mul3A_72 = arith.muli %arg1, %mul3A_71 : i32
    %add3A_73 = arith.constant 512 : i32
    %add3A_74 = arith.addi %mul3A_72, %add3A_73 : i32
    %dma_wait3A_75 = arith.constant 0 : i32
    %dma_wait3A_76 = tpu.memref_slice %arg11[%add3A_74, %dma_wait3A_75] : memref<10240x128xf32, #tpu.memory_space<vmem_shared>> -> memref<128x128xf32, #tpu.memory_space<vmem_shared>>
    %dma_wait3A_77 = arith.constant 0 : i32
    %dma_wait3A_78 = tpu.memref_slice %arg11[%add3A_74, %dma_wait3A_77] : memref<10240x128xf32, #tpu.memory_space<vmem_shared>> -> memref<128x128xf32, #tpu.memory_space<vmem_shared>>
    tpu.wait_dma2 semaphore(%arg14 : memref<!tpu.dma_semaphore, #tpu.memory_space<semaphore_mem>>) src(%arg9 : memref<128x128xf32, #tpu.memory_space<vmem>>) dst(%dma_wait3A_78 : memref<128x128xf32, #tpu.memory_space<vmem_shared>>)
    %barrier3A = arith.constant 0 : index
    tpu.barrier barrier_id(%barrier3A)
    %dma_start3A_79 = arith.constant 0 : i32
    %dma_start3A_80 = arith.constant 0 : i32
    %dma_start3A_81 = tpu.memref_slice %arg7[%dma_start3A_79, %dma_start3A_80] : memref<40x128xi32, #tpu.memory_space<vmem>> -> memref<1x128xi32, #tpu.memory_space<vmem>>
    %dma_start3A_82 = tpu.memref_squeeze %dma_start3A_81 : memref<1x128xi32, #tpu.memory_space<vmem>> -> memref<128xi32, #tpu.memory_space<vmem>>
    %dma_start3A_83 = arith.constant 0 : i32
    %dma_start3A_84 = arith.constant 0 : i32
    %dma_start3A_85 = tpu.memref_slice %arg2[%dma_start3A_83, %dma_start3A_84] : memref<10000x128xf32, #tpu.memory_space<hbm>> -> memref<10000x128xf32, #tpu.memory_space<hbm>>
    tpu.enqueue_indirect_dma source(%dma_start3A_85 : memref<10000x128xf32, #tpu.memory_space<hbm>>) target(%arg9 : memref<128x128xf32, #tpu.memory_space<vmem>>) offsets(%dma_start3A_82 : memref<128xi32, #tpu.memory_space<vmem>>) semaphore(%arg12 : memref<!tpu.dma_semaphore, #tpu.memory_space<semaphore_mem>>)
    %dma_start3A_86 = arith.constant 1 : i32
    %dma_start3A_87 = arith.constant 0 : i32
    %dma_start3A_88 = tpu.memref_slice %arg7[%dma_start3A_86, %dma_start3A_87] : memref<40x128xi32, #tpu.memory_space<vmem>> -> memref<1x128xi32, #tpu.memory_space<vmem>>
    %dma_start3A_89 = tpu.memref_squeeze %dma_start3A_88 : memref<1x128xi32, #tpu.memory_space<vmem>> -> memref<128xi32, #tpu.memory_space<vmem>>
    %dma_start3A_90 = arith.constant 0 : i32
    %dma_start3A_91 = arith.constant 0 : i32
    %dma_start3A_92 = tpu.memref_slice %arg2[%dma_start3A_90, %dma_start3A_91] : memref<10000x128xf32, #tpu.memory_space<hbm>> -> memref<10000x128xf32, #tpu.memory_space<hbm>>
    tpu.enqueue_indirect_dma source(%dma_start3A_92 : memref<10000x128xf32, #tpu.memory_space<hbm>>) target(%arg10 : memref<128x128xf32, #tpu.memory_space<vmem>>) offsets(%dma_start3A_89 : memref<128xi32, #tpu.memory_space<vmem>>) semaphore(%arg13 : memref<!tpu.dma_semaphore, #tpu.memory_space<semaphore_mem>>)
    %scan3A = arith.constant 0 : i32
    %scan3A_93 = arith.constant 0 : i32
    %scan3A_94 = arith.constant 20 : i32
    %scan3A_95 = arith.addi %scan3A_93, %scan3A_94 : i32
    %scan3A_96 = arith.constant 1 : i32
    scf.for %scan3A_305 = %scan3A_93 to %scan3A_95 step %scan3A_96  : i32 {
      %mul3A_306 = arith.constant 2 : i32
      %mul3A_307 = arith.muli %scan3A_305, %mul3A_306 : i32
      %dma_wait3A_308 = arith.constant 0 : i32
      %dma_wait3A_309 = arith.constant 0 : i32
      %dma_wait3A_310 = tpu.memref_slice %arg7[%dma_wait3A_308, %dma_wait3A_309] : memref<40x128xi32, #tpu.memory_space<vmem>> -> memref<1x128xi32, #tpu.memory_space<vmem>>
      %dma_wait3A_311 = tpu.memref_squeeze %dma_wait3A_310 : memref<1x128xi32, #tpu.memory_space<vmem>> -> memref<128xi32, #tpu.memory_space<vmem>>
      %dma_wait3A_312 = arith.constant 0 : i32
      %dma_wait3A_313 = arith.constant 0 : i32
      %dma_wait3A_314 = tpu.memref_slice %arg2[%dma_wait3A_312, %dma_wait3A_313] : memref<10000x128xf32, #tpu.memory_space<hbm>> -> memref<10000x128xf32, #tpu.memory_space<hbm>>
      tpu.wait_indirect_dma semaphore(%arg12 : memref<!tpu.dma_semaphore, #tpu.memory_space<semaphore_mem>>) src(%dma_wait3A_314 : memref<10000x128xf32, #tpu.memory_space<hbm>>) dst(%arg9 : memref<128x128xf32, #tpu.memory_space<vmem>>)
      %dma_start3A_315 = arith.constant 0 : i32
      %dma_start3A_316 = tpu.memref_slice %arg8[%mul3A_307, %dma_start3A_315] : memref<40x128xi32, #tpu.memory_space<vmem>> -> memref<1x128xi32, #tpu.memory_space<vmem>>
      %dma_start3A_317 = tpu.memref_squeeze %dma_start3A_316 : memref<1x128xi32, #tpu.memory_space<vmem>> -> memref<128xi32, #tpu.memory_space<vmem>>
      %dma_start3A_318 = arith.constant 0 : i32
      %dma_start3A_319 = arith.constant 0 : i32
      %dma_start3A_320 = tpu.memref_slice %arg11[%dma_start3A_318, %dma_start3A_319] : memref<10240x128xf32, #tpu.memory_space<vmem_shared>> -> memref<10240x128xf32, #tpu.memory_space<vmem_shared>>
      tpu.enqueue_indirect_dma source(%arg9 : memref<128x128xf32, #tpu.memory_space<vmem>>) target(%dma_start3A_320 : memref<10240x128xf32, #tpu.memory_space<vmem_shared>>) offsets(%dma_start3A_317 : memref<128xi32, #tpu.memory_space<vmem>>) semaphore(%arg14 : memref<!tpu.dma_semaphore, #tpu.memory_space<semaphore_mem>>) {add = true}
      %lt3A = arith.constant 19 : i32
      %lt3A_321 = arith.cmpi slt, %scan3A_305, %lt3A : i32
      %convert_element_type3A = arith.extui %lt3A_321 : i1 to i32
      %cond3A = arith.constant 0 : i32
      %cond3A_322 = arith.cmpi ne, %convert_element_type3A, %cond3A : i32
      scf.if %cond3A_322 {
        %dma_wait3A_343 = arith.constant 0 : i32
        %dma_wait3A_344 = arith.constant 0 : i32
        %dma_wait3A_345 = tpu.memref_slice %arg8[%dma_wait3A_343, %dma_wait3A_344] : memref<40x128xi32, #tpu.memory_space<vmem>> -> memref<1x128xi32, #tpu.memory_space<vmem>>
        %dma_wait3A_346 = tpu.memref_squeeze %dma_wait3A_345 : memref<1x128xi32, #tpu.memory_space<vmem>> -> memref<128xi32, #tpu.memory_space<vmem>>
        %dma_wait3A_347 = arith.constant 0 : i32
        %dma_wait3A_348 = arith.constant 0 : i32
        %dma_wait3A_349 = tpu.memref_slice %arg11[%dma_wait3A_347, %dma_wait3A_348] : memref<10240x128xf32, #tpu.memory_space<vmem_shared>> -> memref<10240x128xf32, #tpu.memory_space<vmem_shared>>
        tpu.wait_indirect_dma semaphore(%arg14 : memref<!tpu.dma_semaphore, #tpu.memory_space<semaphore_mem>>) src(%arg9 : memref<128x128xf32, #tpu.memory_space<vmem>>) dst(%dma_wait3A_349 : memref<10240x128xf32, #tpu.memory_space<vmem_shared>>)
        %add3A_350 = arith.constant 2 : i32
        %add3A_351 = arith.addi %mul3A_307, %add3A_350 : i32
        %dma_start3A_352 = arith.constant 0 : i32
        %dma_start3A_353 = tpu.memref_slice %arg7[%add3A_351, %dma_start3A_352] : memref<40x128xi32, #tpu.memory_space<vmem>> -> memref<1x128xi32, #tpu.memory_space<vmem>>
        %dma_start3A_354 = tpu.memref_squeeze %dma_start3A_353 : memref<1x128xi32, #tpu.memory_space<vmem>> -> memref<128xi32, #tpu.memory_space<vmem>>
        %dma_start3A_355 = arith.constant 0 : i32
        %dma_start3A_356 = arith.constant 0 : i32
        %dma_start3A_357 = tpu.memref_slice %arg2[%dma_start3A_355, %dma_start3A_356] : memref<10000x128xf32, #tpu.memory_space<hbm>> -> memref<10000x128xf32, #tpu.memory_space<hbm>>
        tpu.enqueue_indirect_dma source(%dma_start3A_357 : memref<10000x128xf32, #tpu.memory_space<hbm>>) target(%arg9 : memref<128x128xf32, #tpu.memory_space<vmem>>) offsets(%dma_start3A_354 : memref<128xi32, #tpu.memory_space<vmem>>) semaphore(%arg12 : memref<!tpu.dma_semaphore, #tpu.memory_space<semaphore_mem>>)
      } else {
      }
      %dma_wait3A_323 = arith.constant 0 : i32
      %dma_wait3A_324 = arith.constant 0 : i32
      %dma_wait3A_325 = tpu.memref_slice %arg7[%dma_wait3A_323, %dma_wait3A_324] : memref<40x128xi32, #tpu.memory_space<vmem>> -> memref<1x128xi32, #tpu.memory_space<vmem>>
      %dma_wait3A_326 = tpu.memref_squeeze %dma_wait3A_325 : memref<1x128xi32, #tpu.memory_space<vmem>> -> memref<128xi32, #tpu.memory_space<vmem>>
      %dma_wait3A_327 = arith.constant 0 : i32
      %dma_wait3A_328 = arith.constant 0 : i32
      %dma_wait3A_329 = tpu.memref_slice %arg2[%dma_wait3A_327, %dma_wait3A_328] : memref<10000x128xf32, #tpu.memory_space<hbm>> -> memref<10000x128xf32, #tpu.memory_space<hbm>>
      tpu.wait_indirect_dma semaphore(%arg13 : memref<!tpu.dma_semaphore, #tpu.memory_space<semaphore_mem>>) src(%dma_wait3A_329 : memref<10000x128xf32, #tpu.memory_space<hbm>>) dst(%arg10 : memref<128x128xf32, #tpu.memory_space<vmem>>)
      %add3A_330 = arith.constant 1 : i32
      %add3A_331 = arith.addi %mul3A_307, %add3A_330 : i32
      %dma_start3A_332 = arith.constant 0 : i32
      %dma_start3A_333 = tpu.memref_slice %arg8[%add3A_331, %dma_start3A_332] : memref<40x128xi32, #tpu.memory_space<vmem>> -> memref<1x128xi32, #tpu.memory_space<vmem>>
      %dma_start3A_334 = tpu.memref_squeeze %dma_start3A_333 : memref<1x128xi32, #tpu.memory_space<vmem>> -> memref<128xi32, #tpu.memory_space<vmem>>
      %dma_start3A_335 = arith.constant 0 : i32
      %dma_start3A_336 = arith.constant 0 : i32
      %dma_start3A_337 = tpu.memref_slice %arg11[%dma_start3A_335, %dma_start3A_336] : memref<10240x128xf32, #tpu.memory_space<vmem_shared>> -> memref<10240x128xf32, #tpu.memory_space<vmem_shared>>
      tpu.enqueue_indirect_dma source(%arg10 : memref<128x128xf32, #tpu.memory_space<vmem>>) target(%dma_start3A_337 : memref<10240x128xf32, #tpu.memory_space<vmem_shared>>) offsets(%dma_start3A_334 : memref<128xi32, #tpu.memory_space<vmem>>) semaphore(%arg15 : memref<!tpu.dma_semaphore, #tpu.memory_space<semaphore_mem>>) {add = true}
      %lt3A_338 = arith.constant 19 : i32
      %lt3A_339 = arith.cmpi slt, %scan3A_305, %lt3A_338 : i32
      %convert_element_type3A_340 = arith.extui %lt3A_339 : i1 to i32
      %cond3A_341 = arith.constant 0 : i32
      %cond3A_342 = arith.cmpi ne, %convert_element_type3A_340, %cond3A_341 : i32
      scf.if %cond3A_342 {
        %dma_wait3A_343 = arith.constant 0 : i32
        %dma_wait3A_344 = arith.constant 0 : i32
        %dma_wait3A_345 = tpu.memref_slice %arg8[%dma_wait3A_343, %dma_wait3A_344] : memref<40x128xi32, #tpu.memory_space<vmem>> -> memref<1x128xi32, #tpu.memory_space<vmem>>
        %dma_wait3A_346 = tpu.memref_squeeze %dma_wait3A_345 : memref<1x128xi32, #tpu.memory_space<vmem>> -> memref<128xi32, #tpu.memory_space<vmem>>
        %dma_wait3A_347 = arith.constant 0 : i32
        %dma_wait3A_348 = arith.constant 0 : i32
        %dma_wait3A_349 = tpu.memref_slice %arg11[%dma_wait3A_347, %dma_wait3A_348] : memref<10240x128xf32, #tpu.memory_space<vmem_shared>> -> memref<10240x128xf32, #tpu.memory_space<vmem_shared>>
        tpu.wait_indirect_dma semaphore(%arg15 : memref<!tpu.dma_semaphore, #tpu.memory_space<semaphore_mem>>) src(%arg10 : memref<128x128xf32, #tpu.memory_space<vmem>>) dst(%dma_wait3A_349 : memref<10240x128xf32, #tpu.memory_space<vmem_shared>>)
        %add3A_350 = arith.constant 3 : i32
        %add3A_351 = arith.addi %mul3A_307, %add3A_350 : i32
        %dma_start3A_352 = arith.constant 0 : i32
        %dma_start3A_353 = tpu.memref_slice %arg7[%add3A_351, %dma_start3A_352] : memref<40x128xi32, #tpu.memory_space<vmem>> -> memref<1x128xi32, #tpu.memory_space<vmem>>
        %dma_start3A_354 = tpu.memref_squeeze %dma_start3A_353 : memref<1x128xi32, #tpu.memory_space<vmem>> -> memref<128xi32, #tpu.memory_space<vmem>>
        %dma_start3A_355 = arith.constant 0 : i32
        %dma_start3A_356 = arith.constant 0 : i32
        %dma_start3A_357 = tpu.memref_slice %arg2[%dma_start3A_355, %dma_start3A_356] : memref<10000x128xf32, #tpu.memory_space<hbm>> -> memref<10000x128xf32, #tpu.memory_space<hbm>>
        tpu.enqueue_indirect_dma source(%dma_start3A_357 : memref<10000x128xf32, #tpu.memory_space<hbm>>) target(%arg10 : memref<128x128xf32, #tpu.memory_space<vmem>>) offsets(%dma_start3A_354 : memref<128xi32, #tpu.memory_space<vmem>>) semaphore(%arg13 : memref<!tpu.dma_semaphore, #tpu.memory_space<semaphore_mem>>)
      } else {
      }
    }
    %scan3A_97 = arith.constant 20 : i32
    %dma_wait3A_98 = arith.constant 0 : i32
    %dma_wait3A_99 = arith.constant 0 : i32
    %dma_wait3A_100 = tpu.memref_slice %arg8[%dma_wait3A_98, %dma_wait3A_99] : memref<40x128xi32, #tpu.memory_space<vmem>> -> memref<1x128xi32, #tpu.memory_space<vmem>>
    %dma_wait3A_101 = tpu.memref_squeeze %dma_wait3A_100 : memref<1x128xi32, #tpu.memory_space<vmem>> -> memref<128xi32, #tpu.memory_space<vmem>>
    %dma_wait3A_102 = arith.constant 0 : i32
    %dma_wait3A_103 = arith.constant 0 : i32
    %dma_wait3A_104 = tpu.memref_slice %arg11[%dma_wait3A_102, %dma_wait3A_103] : memref<10240x128xf32, #tpu.memory_space<vmem_shared>> -> memref<10240x128xf32, #tpu.memory_space<vmem_shared>>
    tpu.wait_indirect_dma semaphore(%arg14 : memref<!tpu.dma_semaphore, #tpu.memory_space<semaphore_mem>>) src(%arg9 : memref<128x128xf32, #tpu.memory_space<vmem>>) dst(%dma_wait3A_104 : memref<10240x128xf32, #tpu.memory_space<vmem_shared>>)
    %dma_wait3A_105 = arith.constant 0 : i32
    %dma_wait3A_106 = arith.constant 0 : i32
    %dma_wait3A_107 = tpu.memref_slice %arg8[%dma_wait3A_105, %dma_wait3A_106] : memref<40x128xi32, #tpu.memory_space<vmem>> -> memref<1x128xi32, #tpu.memory_space<vmem>>
    %dma_wait3A_108 = tpu.memref_squeeze %dma_wait3A_107 : memref<1x128xi32, #tpu.memory_space<vmem>> -> memref<128xi32, #tpu.memory_space<vmem>>
    %dma_wait3A_109 = arith.constant 0 : i32
    %dma_wait3A_110 = arith.constant 0 : i32
    %dma_wait3A_111 = tpu.memref_slice %arg11[%dma_wait3A_109, %dma_wait3A_110] : memref<10240x128xf32, #tpu.memory_space<vmem_shared>> -> memref<10240x128xf32, #tpu.memory_space<vmem_shared>>
    tpu.wait_indirect_dma semaphore(%arg15 : memref<!tpu.dma_semaphore, #tpu.memory_space<semaphore_mem>>) src(%arg10 : memref<128x128xf32, #tpu.memory_space<vmem>>) dst(%dma_wait3A_111 : memref<10240x128xf32, #tpu.memory_space<vmem_shared>>)
    "tpu.region"() ({
      %run_scoped3A = tpu.sem_alloc : memref<!tpu.dma_semaphore, #tpu.memory_space<semaphore_mem>>
      %dma_start3A_305 = arith.constant 40 : i32
      %dma_start3A_306 = arith.constant 0 : i32
      %dma_start3A_307 = tpu.memref_slice %arg3[%add3A, %dma_start3A_305, %dma_start3A_306] : memref<32x80x128xi32, #tpu.memory_space<hbm>> -> memref<1x40x128xi32, #tpu.memory_space<hbm>>
      %dma_start3A_308 = tpu.memref_squeeze %dma_start3A_307 : memref<1x40x128xi32, #tpu.memory_space<hbm>> -> memref<40x128xi32, #tpu.memory_space<hbm>>
      %dma_start3A_309 = arith.constant 40 : i32
      %dma_start3A_310 = arith.constant 0 : i32
      %dma_start3A_311 = tpu.memref_slice %arg3[%add3A, %dma_start3A_309, %dma_start3A_310] : memref<32x80x128xi32, #tpu.memory_space<hbm>> -> memref<1x40x128xi32, #tpu.memory_space<hbm>>
      %dma_start3A_312 = tpu.memref_squeeze %dma_start3A_311 : memref<1x40x128xi32, #tpu.memory_space<hbm>> -> memref<40x128xi32, #tpu.memory_space<hbm>>
      tpu.enqueue_dma source(%dma_start3A_312 : memref<40x128xi32, #tpu.memory_space<hbm>>) target(%arg7 : memref<40x128xi32, #tpu.memory_space<vmem>>) target_semaphore(%run_scoped3A : memref<!tpu.dma_semaphore, #tpu.memory_space<semaphore_mem>>)
      %dma_wait3A_313 = arith.constant 40 : i32
      %dma_wait3A_314 = arith.constant 0 : i32
      %dma_wait3A_315 = tpu.memref_slice %arg3[%add3A, %dma_wait3A_313, %dma_wait3A_314] : memref<32x80x128xi32, #tpu.memory_space<hbm>> -> memref<1x40x128xi32, #tpu.memory_space<hbm>>
      %dma_wait3A_316 = tpu.memref_squeeze %dma_wait3A_315 : memref<1x40x128xi32, #tpu.memory_space<hbm>> -> memref<40x128xi32, #tpu.memory_space<hbm>>
      %dma_wait3A_317 = arith.constant 40 : i32
      %dma_wait3A_318 = arith.constant 0 : i32
      %dma_wait3A_319 = tpu.memref_slice %arg3[%add3A, %dma_wait3A_317, %dma_wait3A_318] : memref<32x80x128xi32, #tpu.memory_space<hbm>> -> memref<1x40x128xi32, #tpu.memory_space<hbm>>
      %dma_wait3A_320 = tpu.memref_squeeze %dma_wait3A_319 : memref<1x40x128xi32, #tpu.memory_space<hbm>> -> memref<40x128xi32, #tpu.memory_space<hbm>>
      tpu.wait_dma2 semaphore(%run_scoped3A : memref<!tpu.dma_semaphore, #tpu.memory_space<semaphore_mem>>) src(%dma_wait3A_320 : memref<40x128xi32, #tpu.memory_space<hbm>>) dst(%arg7 : memref<40x128xi32, #tpu.memory_space<vmem>>)
      tpu.yield
    }) : () -> ()
    "tpu.region"() ({
      %run_scoped3A = tpu.sem_alloc : memref<!tpu.dma_semaphore, #tpu.memory_space<semaphore_mem>>
      %dma_start3A_305 = arith.constant 40 : i32
      %dma_start3A_306 = arith.constant 0 : i32
      %dma_start3A_307 = tpu.memref_slice %arg4[%add3A, %dma_start3A_305, %dma_start3A_306] : memref<32x80x128xi32, #tpu.memory_space<hbm>> -> memref<1x40x128xi32, #tpu.memory_space<hbm>>
      %dma_start3A_308 = tpu.memref_squeeze %dma_start3A_307 : memref<1x40x128xi32, #tpu.memory_space<hbm>> -> memref<40x128xi32, #tpu.memory_space<hbm>>
      %dma_start3A_309 = arith.constant 40 : i32
      %dma_start3A_310 = arith.constant 0 : i32
      %dma_start3A_311 = tpu.memref_slice %arg4[%add3A, %dma_start3A_309, %dma_start3A_310] : memref<32x80x128xi32, #tpu.memory_space<hbm>> -> memref<1x40x128xi32, #tpu.memory_space<hbm>>
      %dma_start3A_312 = tpu.memref_squeeze %dma_start3A_311 : memref<1x40x128xi32, #tpu.memory_space<hbm>> -> memref<40x128xi32, #tpu.memory_space<hbm>>
      tpu.enqueue_dma source(%dma_start3A_312 : memref<40x128xi32, #tpu.memory_space<hbm>>) target(%arg8 : memref<40x128xi32, #tpu.memory_space<vmem>>) target_semaphore(%run_scoped3A : memref<!tpu.dma_semaphore, #tpu.memory_space<semaphore_mem>>)
      %dma_wait3A_313 = arith.constant 40 : i32
      %dma_wait3A_314 = arith.constant 0 : i32
      %dma_wait3A_315 = tpu.memref_slice %arg4[%add3A, %dma_wait3A_313, %dma_wait3A_314] : memref<32x80x128xi32, #tpu.memory_space<hbm>> -> memref<1x40x128xi32, #tpu.memory_space<hbm>>
      %dma_wait3A_316 = tpu.memref_squeeze %dma_wait3A_315 : memref<1x40x128xi32, #tpu.memory_space<hbm>> -> memref<40x128xi32, #tpu.memory_space<hbm>>
      %dma_wait3A_317 = arith.constant 40 : i32
      %dma_wait3A_318 = arith.constant 0 : i32
      %dma_wait3A_319 = tpu.memref_slice %arg4[%add3A, %dma_wait3A_317, %dma_wait3A_318] : memref<32x80x128xi32, #tpu.memory_space<hbm>> -> memref<1x40x128xi32, #tpu.memory_space<hbm>>
      %dma_wait3A_320 = tpu.memref_squeeze %dma_wait3A_319 : memref<1x40x128xi32, #tpu.memory_space<hbm>> -> memref<40x128xi32, #tpu.memory_space<hbm>>
      tpu.wait_dma2 semaphore(%run_scoped3A : memref<!tpu.dma_semaphore, #tpu.memory_space<semaphore_mem>>) src(%dma_wait3A_320 : memref<40x128xi32, #tpu.memory_space<hbm>>) dst(%arg8 : memref<40x128xi32, #tpu.memory_space<vmem>>)
      tpu.yield
    }) : () -> ()
    %dma_start3A_112 = arith.constant 0 : i32
    %dma_start3A_113 = arith.constant 0 : i32
    %dma_start3A_114 = tpu.memref_slice %arg7[%dma_start3A_112, %dma_start3A_113] : memref<40x128xi32, #tpu.memory_space<vmem>> -> memref<1x128xi32, #tpu.memory_space<vmem>>
    %dma_start3A_115 = tpu.memref_squeeze %dma_start3A_114 : memref<1x128xi32, #tpu.memory_space<vmem>> -> memref<128xi32, #tpu.memory_space<vmem>>
    %dma_start3A_116 = arith.constant 0 : i32
    %dma_start3A_117 = arith.constant 0 : i32
    %dma_start3A_118 = tpu.memref_slice %arg2[%dma_start3A_116, %dma_start3A_117] : memref<10000x128xf32, #tpu.memory_space<hbm>> -> memref<10000x128xf32, #tpu.memory_space<hbm>>
    tpu.enqueue_indirect_dma source(%dma_start3A_118 : memref<10000x128xf32, #tpu.memory_space<hbm>>) target(%arg9 : memref<128x128xf32, #tpu.memory_space<vmem>>) offsets(%dma_start3A_115 : memref<128xi32, #tpu.memory_space<vmem>>) semaphore(%arg12 : memref<!tpu.dma_semaphore, #tpu.memory_space<semaphore_mem>>)
    %dma_start3A_119 = arith.constant 1 : i32
    %dma_start3A_120 = arith.constant 0 : i32
    %dma_start3A_121 = tpu.memref_slice %arg7[%dma_start3A_119, %dma_start3A_120] : memref<40x128xi32, #tpu.memory_space<vmem>> -> memref<1x128xi32, #tpu.memory_space<vmem>>
    %dma_start3A_122 = tpu.memref_squeeze %dma_start3A_121 : memref<1x128xi32, #tpu.memory_space<vmem>> -> memref<128xi32, #tpu.memory_space<vmem>>
    %dma_start3A_123 = arith.constant 0 : i32
    %dma_start3A_124 = arith.constant 0 : i32
    %dma_start3A_125 = tpu.memref_slice %arg2[%dma_start3A_123, %dma_start3A_124] : memref<10000x128xf32, #tpu.memory_space<hbm>> -> memref<10000x128xf32, #tpu.memory_space<hbm>>
    tpu.enqueue_indirect_dma source(%dma_start3A_125 : memref<10000x128xf32, #tpu.memory_space<hbm>>) target(%arg10 : memref<128x128xf32, #tpu.memory_space<vmem>>) offsets(%dma_start3A_122 : memref<128xi32, #tpu.memory_space<vmem>>) semaphore(%arg13 : memref<!tpu.dma_semaphore, #tpu.memory_space<semaphore_mem>>)
    %scan3A_126 = arith.constant 0 : i32
    %scan3A_127 = arith.constant 0 : i32
    %scan3A_128 = arith.constant 20 : i32
    %scan3A_129 = arith.addi %scan3A_127, %scan3A_128 : i32
    %scan3A_130 = arith.constant 1 : i32
    scf.for %scan3A_305 = %scan3A_127 to %scan3A_129 step %scan3A_130  : i32 {
      %mul3A_306 = arith.constant 2 : i32
      %mul3A_307 = arith.muli %scan3A_305, %mul3A_306 : i32
      %dma_wait3A_308 = arith.constant 0 : i32
      %dma_wait3A_309 = arith.constant 0 : i32
      %dma_wait3A_310 = tpu.memref_slice %arg7[%dma_wait3A_308, %dma_wait3A_309] : memref<40x128xi32, #tpu.memory_space<vmem>> -> memref<1x128xi32, #tpu.memory_space<vmem>>
      %dma_wait3A_311 = tpu.memref_squeeze %dma_wait3A_310 : memref<1x128xi32, #tpu.memory_space<vmem>> -> memref<128xi32, #tpu.memory_space<vmem>>
      %dma_wait3A_312 = arith.constant 0 : i32
      %dma_wait3A_313 = arith.constant 0 : i32
      %dma_wait3A_314 = tpu.memref_slice %arg2[%dma_wait3A_312, %dma_wait3A_313] : memref<10000x128xf32, #tpu.memory_space<hbm>> -> memref<10000x128xf32, #tpu.memory_space<hbm>>
      tpu.wait_indirect_dma semaphore(%arg12 : memref<!tpu.dma_semaphore, #tpu.memory_space<semaphore_mem>>) src(%dma_wait3A_314 : memref<10000x128xf32, #tpu.memory_space<hbm>>) dst(%arg9 : memref<128x128xf32, #tpu.memory_space<vmem>>)
      %dma_start3A_315 = arith.constant 0 : i32
      %dma_start3A_316 = tpu.memref_slice %arg8[%mul3A_307, %dma_start3A_315] : memref<40x128xi32, #tpu.memory_space<vmem>> -> memref<1x128xi32, #tpu.memory_space<vmem>>
      %dma_start3A_317 = tpu.memref_squeeze %dma_start3A_316 : memref<1x128xi32, #tpu.memory_space<vmem>> -> memref<128xi32, #tpu.memory_space<vmem>>
      %dma_start3A_318 = arith.constant 0 : i32
      %dma_start3A_319 = arith.constant 0 : i32
      %dma_start3A_320 = tpu.memref_slice %arg11[%dma_start3A_318, %dma_start3A_319] : memref<10240x128xf32, #tpu.memory_space<vmem_shared>> -> memref<10240x128xf32, #tpu.memory_space<vmem_shared>>
      tpu.enqueue_indirect_dma source(%arg9 : memref<128x128xf32, #tpu.memory_space<vmem>>) target(%dma_start3A_320 : memref<10240x128xf32, #tpu.memory_space<vmem_shared>>) offsets(%dma_start3A_317 : memref<128xi32, #tpu.memory_space<vmem>>) semaphore(%arg14 : memref<!tpu.dma_semaphore, #tpu.memory_space<semaphore_mem>>) {add = true}
      %lt3A = arith.constant 19 : i32
      %lt3A_321 = arith.cmpi slt, %scan3A_305, %lt3A : i32
      %convert_element_type3A = arith.extui %lt3A_321 : i1 to i32
      %cond3A = arith.constant 0 : i32
      %cond3A_322 = arith.cmpi ne, %convert_element_type3A, %cond3A : i32
      scf.if %cond3A_322 {
        %dma_wait3A_343 = arith.constant 0 : i32
        %dma_wait3A_344 = arith.constant 0 : i32
        %dma_wait3A_345 = tpu.memref_slice %arg8[%dma_wait3A_343, %dma_wait3A_344] : memref<40x128xi32, #tpu.memory_space<vmem>> -> memref<1x128xi32, #tpu.memory_space<vmem>>
        %dma_wait3A_346 = tpu.memref_squeeze %dma_wait3A_345 : memref<1x128xi32, #tpu.memory_space<vmem>> -> memref<128xi32, #tpu.memory_space<vmem>>
        %dma_wait3A_347 = arith.constant 0 : i32
        %dma_wait3A_348 = arith.constant 0 : i32
        %dma_wait3A_349 = tpu.memref_slice %arg11[%dma_wait3A_347, %dma_wait3A_348] : memref<10240x128xf32, #tpu.memory_space<vmem_shared>> -> memref<10240x128xf32, #tpu.memory_space<vmem_shared>>
        tpu.wait_indirect_dma semaphore(%arg14 : memref<!tpu.dma_semaphore, #tpu.memory_space<semaphore_mem>>) src(%arg9 : memref<128x128xf32, #tpu.memory_space<vmem>>) dst(%dma_wait3A_349 : memref<10240x128xf32, #tpu.memory_space<vmem_shared>>)
        %add3A_350 = arith.constant 2 : i32
        %add3A_351 = arith.addi %mul3A_307, %add3A_350 : i32
        %dma_start3A_352 = arith.constant 0 : i32
        %dma_start3A_353 = tpu.memref_slice %arg7[%add3A_351, %dma_start3A_352] : memref<40x128xi32, #tpu.memory_space<vmem>> -> memref<1x128xi32, #tpu.memory_space<vmem>>
        %dma_start3A_354 = tpu.memref_squeeze %dma_start3A_353 : memref<1x128xi32, #tpu.memory_space<vmem>> -> memref<128xi32, #tpu.memory_space<vmem>>
        %dma_start3A_355 = arith.constant 0 : i32
        %dma_start3A_356 = arith.constant 0 : i32
        %dma_start3A_357 = tpu.memref_slice %arg2[%dma_start3A_355, %dma_start3A_356] : memref<10000x128xf32, #tpu.memory_space<hbm>> -> memref<10000x128xf32, #tpu.memory_space<hbm>>
        tpu.enqueue_indirect_dma source(%dma_start3A_357 : memref<10000x128xf32, #tpu.memory_space<hbm>>) target(%arg9 : memref<128x128xf32, #tpu.memory_space<vmem>>) offsets(%dma_start3A_354 : memref<128xi32, #tpu.memory_space<vmem>>) semaphore(%arg12 : memref<!tpu.dma_semaphore, #tpu.memory_space<semaphore_mem>>)
      } else {
      }
      %dma_wait3A_323 = arith.constant 0 : i32
      %dma_wait3A_324 = arith.constant 0 : i32
      %dma_wait3A_325 = tpu.memref_slice %arg7[%dma_wait3A_323, %dma_wait3A_324] : memref<40x128xi32, #tpu.memory_space<vmem>> -> memref<1x128xi32, #tpu.memory_space<vmem>>
      %dma_wait3A_326 = tpu.memref_squeeze %dma_wait3A_325 : memref<1x128xi32, #tpu.memory_space<vmem>> -> memref<128xi32, #tpu.memory_space<vmem>>
      %dma_wait3A_327 = arith.constant 0 : i32
      %dma_wait3A_328 = arith.constant 0 : i32
      %dma_wait3A_329 = tpu.memref_slice %arg2[%dma_wait3A_327, %dma_wait3A_328] : memref<10000x128xf32, #tpu.memory_space<hbm>> -> memref<10000x128xf32, #tpu.memory_space<hbm>>
      tpu.wait_indirect_dma semaphore(%arg13 : memref<!tpu.dma_semaphore, #tpu.memory_space<semaphore_mem>>) src(%dma_wait3A_329 : memref<10000x128xf32, #tpu.memory_space<hbm>>) dst(%arg10 : memref<128x128xf32, #tpu.memory_space<vmem>>)
      %add3A_330 = arith.constant 1 : i32
      %add3A_331 = arith.addi %mul3A_307, %add3A_330 : i32
      %dma_start3A_332 = arith.constant 0 : i32
      %dma_start3A_333 = tpu.memref_slice %arg8[%add3A_331, %dma_start3A_332] : memref<40x128xi32, #tpu.memory_space<vmem>> -> memref<1x128xi32, #tpu.memory_space<vmem>>
      %dma_start3A_334 = tpu.memref_squeeze %dma_start3A_333 : memref<1x128xi32, #tpu.memory_space<vmem>> -> memref<128xi32, #tpu.memory_space<vmem>>
      %dma_start3A_335 = arith.constant 0 : i32
      %dma_start3A_336 = arith.constant 0 : i32
      %dma_start3A_337 = tpu.memref_slice %arg11[%dma_start3A_335, %dma_start3A_336] : memref<10240x128xf32, #tpu.memory_space<vmem_shared>> -> memref<10240x128xf32, #tpu.memory_space<vmem_shared>>
      tpu.enqueue_indirect_dma source(%arg10 : memref<128x128xf32, #tpu.memory_space<vmem>>) target(%dma_start3A_337 : memref<10240x128xf32, #tpu.memory_space<vmem_shared>>) offsets(%dma_start3A_334 : memref<128xi32, #tpu.memory_space<vmem>>) semaphore(%arg15 : memref<!tpu.dma_semaphore, #tpu.memory_space<semaphore_mem>>) {add = true}
      %lt3A_338 = arith.constant 19 : i32
      %lt3A_339 = arith.cmpi slt, %scan3A_305, %lt3A_338 : i32
      %convert_element_type3A_340 = arith.extui %lt3A_339 : i1 to i32
      %cond3A_341 = arith.constant 0 : i32
      %cond3A_342 = arith.cmpi ne, %convert_element_type3A_340, %cond3A_341 : i32
      scf.if %cond3A_342 {
        %dma_wait3A_343 = arith.constant 0 : i32
        %dma_wait3A_344 = arith.constant 0 : i32
        %dma_wait3A_345 = tpu.memref_slice %arg8[%dma_wait3A_343, %dma_wait3A_344] : memref<40x128xi32, #tpu.memory_space<vmem>> -> memref<1x128xi32, #tpu.memory_space<vmem>>
        %dma_wait3A_346 = tpu.memref_squeeze %dma_wait3A_345 : memref<1x128xi32, #tpu.memory_space<vmem>> -> memref<128xi32, #tpu.memory_space<vmem>>
        %dma_wait3A_347 = arith.constant 0 : i32
        %dma_wait3A_348 = arith.constant 0 : i32
        %dma_wait3A_349 = tpu.memref_slice %arg11[%dma_wait3A_347, %dma_wait3A_348] : memref<10240x128xf32, #tpu.memory_space<vmem_shared>> -> memref<10240x128xf32, #tpu.memory_space<vmem_shared>>
        tpu.wait_indirect_dma semaphore(%arg15 : memref<!tpu.dma_semaphore, #tpu.memory_space<semaphore_mem>>) src(%arg10 : memref<128x128xf32, #tpu.memory_space<vmem>>) dst(%dma_wait3A_349 : memref<10240x128xf32, #tpu.memory_space<vmem_shared>>)
        %add3A_350 = arith.constant 3 : i32
        %add3A_351 = arith.addi %mul3A_307, %add3A_350 : i32
        %dma_start3A_352 = arith.constant 0 : i32
        %dma_start3A_353 = tpu.memref_slice %arg7[%add3A_351, %dma_start3A_352] : memref<40x128xi32, #tpu.memory_space<vmem>> -> memref<1x128xi32, #tpu.memory_space<vmem>>
        %dma_start3A_354 = tpu.memref_squeeze %dma_start3A_353 : memref<1x128xi32, #tpu.memory_space<vmem>> -> memref<128xi32, #tpu.memory_space<vmem>>
        %dma_start3A_355 = arith.constant 0 : i32
        %dma_start3A_356 = arith.constant 0 : i32
        %dma_start3A_357 = tpu.memref_slice %arg2[%dma_start3A_355, %dma_start3A_356] : memref<10000x128xf32, #tpu.memory_space<hbm>> -> memref<10000x128xf32, #tpu.memory_space<hbm>>
        tpu.enqueue_indirect_dma source(%dma_start3A_357 : memref<10000x128xf32, #tpu.memory_space<hbm>>) target(%arg10 : memref<128x128xf32, #tpu.memory_space<vmem>>) offsets(%dma_start3A_354 : memref<128xi32, #tpu.memory_space<vmem>>) semaphore(%arg13 : memref<!tpu.dma_semaphore, #tpu.memory_space<semaphore_mem>>)
      } else {
      }
    }
    %scan3A_131 = arith.constant 20 : i32
    %dma_wait3A_132 = arith.constant 0 : i32
    %dma_wait3A_133 = arith.constant 0 : i32
    %dma_wait3A_134 = tpu.memref_slice %arg8[%dma_wait3A_132, %dma_wait3A_133] : memref<40x128xi32, #tpu.memory_space<vmem>> -> memref<1x128xi32, #tpu.memory_space<vmem>>
    %dma_wait3A_135 = tpu.memref_squeeze %dma_wait3A_134 : memref<1x128xi32, #tpu.memory_space<vmem>> -> memref<128xi32, #tpu.memory_space<vmem>>
    %dma_wait3A_136 = arith.constant 0 : i32
    %dma_wait3A_137 = arith.constant 0 : i32
    %dma_wait3A_138 = tpu.memref_slice %arg11[%dma_wait3A_136, %dma_wait3A_137] : memref<10240x128xf32, #tpu.memory_space<vmem_shared>> -> memref<10240x128xf32, #tpu.memory_space<vmem_shared>>
    tpu.wait_indirect_dma semaphore(%arg14 : memref<!tpu.dma_semaphore, #tpu.memory_space<semaphore_mem>>) src(%arg9 : memref<128x128xf32, #tpu.memory_space<vmem>>) dst(%dma_wait3A_138 : memref<10240x128xf32, #tpu.memory_space<vmem_shared>>)
    %dma_wait3A_139 = arith.constant 0 : i32
    %dma_wait3A_140 = arith.constant 0 : i32
    %dma_wait3A_141 = tpu.memref_slice %arg8[%dma_wait3A_139, %dma_wait3A_140] : memref<40x128xi32, #tpu.memory_space<vmem>> -> memref<1x128xi32, #tpu.memory_space<vmem>>
    %dma_wait3A_142 = tpu.memref_squeeze %dma_wait3A_141 : memref<1x128xi32, #tpu.memory_space<vmem>> -> memref<128xi32, #tpu.memory_space<vmem>>
    %dma_wait3A_143 = arith.constant 0 : i32
    %dma_wait3A_144 = arith.constant 0 : i32
    %dma_wait3A_145 = tpu.memref_slice %arg11[%dma_wait3A_143, %dma_wait3A_144] : memref<10240x128xf32, #tpu.memory_space<vmem_shared>> -> memref<10240x128xf32, #tpu.memory_space<vmem_shared>>
    tpu.wait_indirect_dma semaphore(%arg15 : memref<!tpu.dma_semaphore, #tpu.memory_space<semaphore_mem>>) src(%arg10 : memref<128x128xf32, #tpu.memory_space<vmem>>) dst(%dma_wait3A_145 : memref<10240x128xf32, #tpu.memory_space<vmem_shared>>)
    %barrier3A_146 = arith.constant 0 : index
    tpu.barrier barrier_id(%barrier3A_146)
    %mul3A_147 = arith.constant 640 : i32
    %mul3A_148 = arith.muli %arg1, %mul3A_147 : i32
    %dma_start3A_149 = arith.constant 0 : i32
    %dma_start3A_150 = tpu.memref_slice %arg11[%mul3A_148, %dma_start3A_149] : memref<10240x128xf32, #tpu.memory_space<vmem_shared>> -> memref<128x128xf32, #tpu.memory_space<vmem_shared>>
    %dma_start3A_151 = arith.constant 0 : i32
    %dma_start3A_152 = tpu.memref_slice %arg11[%mul3A_148, %dma_start3A_151] : memref<10240x128xf32, #tpu.memory_space<vmem_shared>> -> memref<128x128xf32, #tpu.memory_space<vmem_shared>>
    tpu.enqueue_dma source(%dma_start3A_152 : memref<128x128xf32, #tpu.memory_space<vmem_shared>>) target(%arg9 : memref<128x128xf32, #tpu.memory_space<vmem>>) target_semaphore(%arg12 : memref<!tpu.dma_semaphore, #tpu.memory_space<semaphore_mem>>)
    %mul3A_153 = arith.constant 640 : i32
    %mul3A_154 = arith.muli %arg1, %mul3A_153 : i32
    %dma_wait3A_155 = arith.constant 0 : i32
    %dma_wait3A_156 = tpu.memref_slice %arg11[%mul3A_154, %dma_wait3A_155] : memref<10240x128xf32, #tpu.memory_space<vmem_shared>> -> memref<128x128xf32, #tpu.memory_space<vmem_shared>>
    %dma_wait3A_157 = arith.constant 0 : i32
    %dma_wait3A_158 = tpu.memref_slice %arg11[%mul3A_154, %dma_wait3A_157] : memref<10240x128xf32, #tpu.memory_space<vmem_shared>> -> memref<128x128xf32, #tpu.memory_space<vmem_shared>>
    tpu.wait_dma2 semaphore(%arg12 : memref<!tpu.dma_semaphore, #tpu.memory_space<semaphore_mem>>) src(%dma_wait3A_158 : memref<128x128xf32, #tpu.memory_space<vmem_shared>>) dst(%arg9 : memref<128x128xf32, #tpu.memory_space<vmem>>)
    %mul3A_159 = arith.constant 640 : i32
    %mul3A_160 = arith.muli %arg1, %mul3A_159 : i32
    %add3A_161 = arith.constant 128 : i32
    %add3A_162 = arith.addi %mul3A_160, %add3A_161 : i32
    %dma_start3A_163 = arith.constant 0 : i32
    %dma_start3A_164 = tpu.memref_slice %arg11[%add3A_162, %dma_start3A_163] : memref<10240x128xf32, #tpu.memory_space<vmem_shared>> -> memref<128x128xf32, #tpu.memory_space<vmem_shared>>
    %dma_start3A_165 = arith.constant 0 : i32
    %dma_start3A_166 = tpu.memref_slice %arg11[%add3A_162, %dma_start3A_165] : memref<10240x128xf32, #tpu.memory_space<vmem_shared>> -> memref<128x128xf32, #tpu.memory_space<vmem_shared>>
    tpu.enqueue_dma source(%dma_start3A_166 : memref<128x128xf32, #tpu.memory_space<vmem_shared>>) target(%arg10 : memref<128x128xf32, #tpu.memory_space<vmem>>) target_semaphore(%arg13 : memref<!tpu.dma_semaphore, #tpu.memory_space<semaphore_mem>>)
    %mul3A_167 = arith.constant 640 : i32
    %mul3A_168 = arith.muli %arg1, %mul3A_167 : i32
    %add3A_169 = arith.constant 0 : i32
    %add3A_170 = arith.addi %mul3A_168, %add3A_169 : i32
    %dma_start3A_171 = arith.constant 0 : i32
    %dma_start3A_172 = tpu.memref_slice %arg6[%arg0, %add3A_170, %dma_start3A_171] : memref<2x10240x128xf32, #tpu.memory_space<hbm>> -> memref<1x128x128xf32, #tpu.memory_space<hbm>>
    %dma_start3A_173 = tpu.memref_squeeze %dma_start3A_172 : memref<1x128x128xf32, #tpu.memory_space<hbm>> -> memref<128x128xf32, #tpu.memory_space<hbm>>
    %dma_start3A_174 = arith.constant 0 : i32
    %dma_start3A_175 = tpu.memref_slice %arg6[%arg0, %add3A_170, %dma_start3A_174] : memref<2x10240x128xf32, #tpu.memory_space<hbm>> -> memref<1x128x128xf32, #tpu.memory_space<hbm>>
    %dma_start3A_176 = tpu.memref_squeeze %dma_start3A_175 : memref<1x128x128xf32, #tpu.memory_space<hbm>> -> memref<128x128xf32, #tpu.memory_space<hbm>>
    tpu.enqueue_dma source(%arg9 : memref<128x128xf32, #tpu.memory_space<vmem>>) target(%dma_start3A_176 : memref<128x128xf32, #tpu.memory_space<hbm>>) target_semaphore(%arg14 : memref<!tpu.dma_semaphore, #tpu.memory_space<semaphore_mem>>)
    %mul3A_177 = arith.constant 640 : i32
    %mul3A_178 = arith.muli %arg1, %mul3A_177 : i32
    %dma_wait3A_179 = arith.constant 0 : i32
    %dma_wait3A_180 = tpu.memref_slice %arg11[%mul3A_178, %dma_wait3A_179] : memref<10240x128xf32, #tpu.memory_space<vmem_shared>> -> memref<128x128xf32, #tpu.memory_space<vmem_shared>>
    %dma_wait3A_181 = arith.constant 0 : i32
    %dma_wait3A_182 = tpu.memref_slice %arg11[%mul3A_178, %dma_wait3A_181] : memref<10240x128xf32, #tpu.memory_space<vmem_shared>> -> memref<128x128xf32, #tpu.memory_space<vmem_shared>>
    tpu.wait_dma2 semaphore(%arg13 : memref<!tpu.dma_semaphore, #tpu.memory_space<semaphore_mem>>) src(%dma_wait3A_182 : memref<128x128xf32, #tpu.memory_space<vmem_shared>>) dst(%arg10 : memref<128x128xf32, #tpu.memory_space<vmem>>)
    %mul3A_183 = arith.constant 640 : i32
    %mul3A_184 = arith.muli %arg1, %mul3A_183 : i32
    %dma_wait3A_185 = arith.constant 0 : i32
    %dma_wait3A_186 = tpu.memref_slice %arg6[%arg0, %mul3A_184, %dma_wait3A_185] : memref<2x10240x128xf32, #tpu.memory_space<hbm>> -> memref<1x128x128xf32, #tpu.memory_space<hbm>>
    %dma_wait3A_187 = tpu.memref_squeeze %dma_wait3A_186 : memref<1x128x128xf32, #tpu.memory_space<hbm>> -> memref<128x128xf32, #tpu.memory_space<hbm>>
    %dma_wait3A_188 = arith.constant 0 : i32
    %dma_wait3A_189 = tpu.memref_slice %arg6[%arg0, %mul3A_184, %dma_wait3A_188] : memref<2x10240x128xf32, #tpu.memory_space<hbm>> -> memref<1x128x128xf32, #tpu.memory_space<hbm>>
    %dma_wait3A_190 = tpu.memref_squeeze %dma_wait3A_189 : memref<1x128x128xf32, #tpu.memory_space<hbm>> -> memref<128x128xf32, #tpu.memory_space<hbm>>
    tpu.wait_dma2 semaphore(%arg14 : memref<!tpu.dma_semaphore, #tpu.memory_space<semaphore_mem>>) src(%arg9 : memref<128x128xf32, #tpu.memory_space<vmem>>) dst(%dma_wait3A_190 : memref<128x128xf32, #tpu.memory_space<hbm>>)
    %mul3A_191 = arith.constant 640 : i32
    %mul3A_192 = arith.muli %arg1, %mul3A_191 : i32
    %add3A_193 = arith.constant 256 : i32
    %add3A_194 = arith.addi %mul3A_192, %add3A_193 : i32
    %dma_start3A_195 = arith.constant 0 : i32
    %dma_start3A_196 = tpu.memref_slice %arg11[%add3A_194, %dma_start3A_195] : memref<10240x128xf32, #tpu.memory_space<vmem_shared>> -> memref<128x128xf32, #tpu.memory_space<vmem_shared>>
    %dma_start3A_197 = arith.constant 0 : i32
    %dma_start3A_198 = tpu.memref_slice %arg11[%add3A_194, %dma_start3A_197] : memref<10240x128xf32, #tpu.memory_space<vmem_shared>> -> memref<128x128xf32, #tpu.memory_space<vmem_shared>>
    tpu.enqueue_dma source(%dma_start3A_198 : memref<128x128xf32, #tpu.memory_space<vmem_shared>>) target(%arg9 : memref<128x128xf32, #tpu.memory_space<vmem>>) target_semaphore(%arg12 : memref<!tpu.dma_semaphore, #tpu.memory_space<semaphore_mem>>)
    %mul3A_199 = arith.constant 640 : i32
    %mul3A_200 = arith.muli %arg1, %mul3A_199 : i32
    %add3A_201 = arith.constant 128 : i32
    %add3A_202 = arith.addi %mul3A_200, %add3A_201 : i32
    %dma_start3A_203 = arith.constant 0 : i32
    %dma_start3A_204 = tpu.memref_slice %arg6[%arg0, %add3A_202, %dma_start3A_203] : memref<2x10240x128xf32, #tpu.memory_space<hbm>> -> memref<1x128x128xf32, #tpu.memory_space<hbm>>
    %dma_start3A_205 = tpu.memref_squeeze %dma_start3A_204 : memref<1x128x128xf32, #tpu.memory_space<hbm>> -> memref<128x128xf32, #tpu.memory_space<hbm>>
    %dma_start3A_206 = arith.constant 0 : i32
    %dma_start3A_207 = tpu.memref_slice %arg6[%arg0, %add3A_202, %dma_start3A_206] : memref<2x10240x128xf32, #tpu.memory_space<hbm>> -> memref<1x128x128xf32, #tpu.memory_space<hbm>>
    %dma_start3A_208 = tpu.memref_squeeze %dma_start3A_207 : memref<1x128x128xf32, #tpu.memory_space<hbm>> -> memref<128x128xf32, #tpu.memory_space<hbm>>
    tpu.enqueue_dma source(%arg10 : memref<128x128xf32, #tpu.memory_space<vmem>>) target(%dma_start3A_208 : memref<128x128xf32, #tpu.memory_space<hbm>>) target_semaphore(%arg15 : memref<!tpu.dma_semaphore, #tpu.memory_space<semaphore_mem>>)
    %mul3A_209 = arith.constant 640 : i32
    %mul3A_210 = arith.muli %arg1, %mul3A_209 : i32
    %dma_wait3A_211 = arith.constant 0 : i32
    %dma_wait3A_212 = tpu.memref_slice %arg11[%mul3A_210, %dma_wait3A_211] : memref<10240x128xf32, #tpu.memory_space<vmem_shared>> -> memref<128x128xf32, #tpu.memory_space<vmem_shared>>
    %dma_wait3A_213 = arith.constant 0 : i32
    %dma_wait3A_214 = tpu.memref_slice %arg11[%mul3A_210, %dma_wait3A_213] : memref<10240x128xf32, #tpu.memory_space<vmem_shared>> -> memref<128x128xf32, #tpu.memory_space<vmem_shared>>
    tpu.wait_dma2 semaphore(%arg12 : memref<!tpu.dma_semaphore, #tpu.memory_space<semaphore_mem>>) src(%dma_wait3A_214 : memref<128x128xf32, #tpu.memory_space<vmem_shared>>) dst(%arg9 : memref<128x128xf32, #tpu.memory_space<vmem>>)
    %mul3A_215 = arith.constant 640 : i32
    %mul3A_216 = arith.muli %arg1, %mul3A_215 : i32
    %dma_wait3A_217 = arith.constant 0 : i32
    %dma_wait3A_218 = tpu.memref_slice %arg6[%arg0, %mul3A_216, %dma_wait3A_217] : memref<2x10240x128xf32, #tpu.memory_space<hbm>> -> memref<1x128x128xf32, #tpu.memory_space<hbm>>
    %dma_wait3A_219 = tpu.memref_squeeze %dma_wait3A_218 : memref<1x128x128xf32, #tpu.memory_space<hbm>> -> memref<128x128xf32, #tpu.memory_space<hbm>>
    %dma_wait3A_220 = arith.constant 0 : i32
    %dma_wait3A_221 = tpu.memref_slice %arg6[%arg0, %mul3A_216, %dma_wait3A_220] : memref<2x10240x128xf32, #tpu.memory_space<hbm>> -> memref<1x128x128xf32, #tpu.memory_space<hbm>>
    %dma_wait3A_222 = tpu.memref_squeeze %dma_wait3A_221 : memref<1x128x128xf32, #tpu.memory_space<hbm>> -> memref<128x128xf32, #tpu.memory_space<hbm>>
    tpu.wait_dma2 semaphore(%arg15 : memref<!tpu.dma_semaphore, #tpu.memory_space<semaphore_mem>>) src(%arg10 : memref<128x128xf32, #tpu.memory_space<vmem>>) dst(%dma_wait3A_222 : memref<128x128xf32, #tpu.memory_space<hbm>>)
    %mul3A_223 = arith.constant 640 : i32
    %mul3A_224 = arith.muli %arg1, %mul3A_223 : i32
    %add3A_225 = arith.constant 384 : i32
    %add3A_226 = arith.addi %mul3A_224, %add3A_225 : i32
    %dma_start3A_227 = arith.constant 0 : i32
    %dma_start3A_228 = tpu.memref_slice %arg11[%add3A_226, %dma_start3A_227] : memref<10240x128xf32, #tpu.memory_space<vmem_shared>> -> memref<128x128xf32, #tpu.memory_space<vmem_shared>>
    %dma_start3A_229 = arith.constant 0 : i32
    %dma_start3A_230 = tpu.memref_slice %arg11[%add3A_226, %dma_start3A_229] : memref<10240x128xf32, #tpu.memory_space<vmem_shared>> -> memref<128x128xf32, #tpu.memory_space<vmem_shared>>
    tpu.enqueue_dma source(%dma_start3A_230 : memref<128x128xf32, #tpu.memory_space<vmem_shared>>) target(%arg10 : memref<128x128xf32, #tpu.memory_space<vmem>>) target_semaphore(%arg13 : memref<!tpu.dma_semaphore, #tpu.memory_space<semaphore_mem>>)
    %mul3A_231 = arith.constant 640 : i32
    %mul3A_232 = arith.muli %arg1, %mul3A_231 : i32
    %add3A_233 = arith.constant 256 : i32
    %add3A_234 = arith.addi %mul3A_232, %add3A_233 : i32
    %dma_start3A_235 = arith.constant 0 : i32
    %dma_start3A_236 = tpu.memref_slice %arg6[%arg0, %add3A_234, %dma_start3A_235] : memref<2x10240x128xf32, #tpu.memory_space<hbm>> -> memref<1x128x128xf32, #tpu.memory_space<hbm>>
    %dma_start3A_237 = tpu.memref_squeeze %dma_start3A_236 : memref<1x128x128xf32, #tpu.memory_space<hbm>> -> memref<128x128xf32, #tpu.memory_space<hbm>>
    %dma_start3A_238 = arith.constant 0 : i32
    %dma_start3A_239 = tpu.memref_slice %arg6[%arg0, %add3A_234, %dma_start3A_238] : memref<2x10240x128xf32, #tpu.memory_space<hbm>> -> memref<1x128x128xf32, #tpu.memory_space<hbm>>
    %dma_start3A_240 = tpu.memref_squeeze %dma_start3A_239 : memref<1x128x128xf32, #tpu.memory_space<hbm>> -> memref<128x128xf32, #tpu.memory_space<hbm>>
    tpu.enqueue_dma source(%arg9 : memref<128x128xf32, #tpu.memory_space<vmem>>) target(%dma_start3A_240 : memref<128x128xf32, #tpu.memory_space<hbm>>) target_semaphore(%arg14 : memref<!tpu.dma_semaphore, #tpu.memory_space<semaphore_mem>>)
    %mul3A_241 = arith.constant 640 : i32
    %mul3A_242 = arith.muli %arg1, %mul3A_241 : i32
    %dma_wait3A_243 = arith.constant 0 : i32
    %dma_wait3A_244 = tpu.memref_slice %arg11[%mul3A_242, %dma_wait3A_243] : memref<10240x128xf32, #tpu.memory_space<vmem_shared>> -> memref<128x128xf32, #tpu.memory_space<vmem_shared>>
    %dma_wait3A_245 = arith.constant 0 : i32
    %dma_wait3A_246 = tpu.memref_slice %arg11[%mul3A_242, %dma_wait3A_245] : memref<10240x128xf32, #tpu.memory_space<vmem_shared>> -> memref<128x128xf32, #tpu.memory_space<vmem_shared>>
    tpu.wait_dma2 semaphore(%arg13 : memref<!tpu.dma_semaphore, #tpu.memory_space<semaphore_mem>>) src(%dma_wait3A_246 : memref<128x128xf32, #tpu.memory_space<vmem_shared>>) dst(%arg10 : memref<128x128xf32, #tpu.memory_space<vmem>>)
    %mul3A_247 = arith.constant 640 : i32
    %mul3A_248 = arith.muli %arg1, %mul3A_247 : i32
    %dma_wait3A_249 = arith.constant 0 : i32
    %dma_wait3A_250 = tpu.memref_slice %arg6[%arg0, %mul3A_248, %dma_wait3A_249] : memref<2x10240x128xf32, #tpu.memory_space<hbm>> -> memref<1x128x128xf32, #tpu.memory_space<hbm>>
    %dma_wait3A_251 = tpu.memref_squeeze %dma_wait3A_250 : memref<1x128x128xf32, #tpu.memory_space<hbm>> -> memref<128x128xf32, #tpu.memory_space<hbm>>
    %dma_wait3A_252 = arith.constant 0 : i32
    %dma_wait3A_253 = tpu.memref_slice %arg6[%arg0, %mul3A_248, %dma_wait3A_252] : memref<2x10240x128xf32, #tpu.memory_space<hbm>> -> memref<1x128x128xf32, #tpu.memory_space<hbm>>
    %dma_wait3A_254 = tpu.memref_squeeze %dma_wait3A_253 : memref<1x128x128xf32, #tpu.memory_space<hbm>> -> memref<128x128xf32, #tpu.memory_space<hbm>>
    tpu.wait_dma2 semaphore(%arg14 : memref<!tpu.dma_semaphore, #tpu.memory_space<semaphore_mem>>) src(%arg9 : memref<128x128xf32, #tpu.memory_space<vmem>>) dst(%dma_wait3A_254 : memref<128x128xf32, #tpu.memory_space<hbm>>)
    %mul3A_255 = arith.constant 640 : i32
    %mul3A_256 = arith.muli %arg1, %mul3A_255 : i32
    %add3A_257 = arith.constant 512 : i32
    %add3A_258 = arith.addi %mul3A_256, %add3A_257 : i32
    %dma_start3A_259 = arith.constant 0 : i32
    %dma_start3A_260 = tpu.memref_slice %arg11[%add3A_258, %dma_start3A_259] : memref<10240x128xf32, #tpu.memory_space<vmem_shared>> -> memref<128x128xf32, #tpu.memory_space<vmem_shared>>
    %dma_start3A_261 = arith.constant 0 : i32
    %dma_start3A_262 = tpu.memref_slice %arg11[%add3A_258, %dma_start3A_261] : memref<10240x128xf32, #tpu.memory_space<vmem_shared>> -> memref<128x128xf32, #tpu.memory_space<vmem_shared>>
    tpu.enqueue_dma source(%dma_start3A_262 : memref<128x128xf32, #tpu.memory_space<vmem_shared>>) target(%arg9 : memref<128x128xf32, #tpu.memory_space<vmem>>) target_semaphore(%arg12 : memref<!tpu.dma_semaphore, #tpu.memory_space<semaphore_mem>>)
    %mul3A_263 = arith.constant 640 : i32
    %mul3A_264 = arith.muli %arg1, %mul3A_263 : i32
    %add3A_265 = arith.constant 384 : i32
    %add3A_266 = arith.addi %mul3A_264, %add3A_265 : i32
    %dma_start3A_267 = arith.constant 0 : i32
    %dma_start3A_268 = tpu.memref_slice %arg6[%arg0, %add3A_266, %dma_start3A_267] : memref<2x10240x128xf32, #tpu.memory_space<hbm>> -> memref<1x128x128xf32, #tpu.memory_space<hbm>>
    %dma_start3A_269 = tpu.memref_squeeze %dma_start3A_268 : memref<1x128x128xf32, #tpu.memory_space<hbm>> -> memref<128x128xf32, #tpu.memory_space<hbm>>
    %dma_start3A_270 = arith.constant 0 : i32
    %dma_start3A_271 = tpu.memref_slice %arg6[%arg0, %add3A_266, %dma_start3A_270] : memref<2x10240x128xf32, #tpu.memory_space<hbm>> -> memref<1x128x128xf32, #tpu.memory_space<hbm>>
    %dma_start3A_272 = tpu.memref_squeeze %dma_start3A_271 : memref<1x128x128xf32, #tpu.memory_space<hbm>> -> memref<128x128xf32, #tpu.memory_space<hbm>>
    tpu.enqueue_dma source(%arg10 : memref<128x128xf32, #tpu.memory_space<vmem>>) target(%dma_start3A_272 : memref<128x128xf32, #tpu.memory_space<hbm>>) target_semaphore(%arg15 : memref<!tpu.dma_semaphore, #tpu.memory_space<semaphore_mem>>)
    %mul3A_273 = arith.constant 640 : i32
    %mul3A_274 = arith.muli %arg1, %mul3A_273 : i32
    %dma_wait3A_275 = arith.constant 0 : i32
    %dma_wait3A_276 = tpu.memref_slice %arg11[%mul3A_274, %dma_wait3A_275] : memref<10240x128xf32, #tpu.memory_space<vmem_shared>> -> memref<128x128xf32, #tpu.memory_space<vmem_shared>>
    %dma_wait3A_277 = arith.constant 0 : i32
    %dma_wait3A_278 = tpu.memref_slice %arg11[%mul3A_274, %dma_wait3A_277] : memref<10240x128xf32, #tpu.memory_space<vmem_shared>> -> memref<128x128xf32, #tpu.memory_space<vmem_shared>>
    tpu.wait_dma2 semaphore(%arg12 : memref<!tpu.dma_semaphore, #tpu.memory_space<semaphore_mem>>) src(%dma_wait3A_278 : memref<128x128xf32, #tpu.memory_space<vmem_shared>>) dst(%arg9 : memref<128x128xf32, #tpu.memory_space<vmem>>)
    %mul3A_279 = arith.constant 640 : i32
    %mul3A_280 = arith.muli %arg1, %mul3A_279 : i32
    %add3A_281 = arith.constant 512 : i32
    %add3A_282 = arith.addi %mul3A_280, %add3A_281 : i32
    %dma_start3A_283 = arith.constant 0 : i32
    %dma_start3A_284 = tpu.memref_slice %arg6[%arg0, %add3A_282, %dma_start3A_283] : memref<2x10240x128xf32, #tpu.memory_space<hbm>> -> memref<1x128x128xf32, #tpu.memory_space<hbm>>
    %dma_start3A_285 = tpu.memref_squeeze %dma_start3A_284 : memref<1x128x128xf32, #tpu.memory_space<hbm>> -> memref<128x128xf32, #tpu.memory_space<hbm>>
    %dma_start3A_286 = arith.constant 0 : i32
    %dma_start3A_287 = tpu.memref_slice %arg6[%arg0, %add3A_282, %dma_start3A_286] : memref<2x10240x128xf32, #tpu.memory_space<hbm>> -> memref<1x128x128xf32, #tpu.memory_space<hbm>>
    %dma_start3A_288 = tpu.memref_squeeze %dma_start3A_287 : memref<1x128x128xf32, #tpu.memory_space<hbm>> -> memref<128x128xf32, #tpu.memory_space<hbm>>
    tpu.enqueue_dma source(%arg9 : memref<128x128xf32, #tpu.memory_space<vmem>>) target(%dma_start3A_288 : memref<128x128xf32, #tpu.memory_space<hbm>>) target_semaphore(%arg14 : memref<!tpu.dma_semaphore, #tpu.memory_space<semaphore_mem>>)
    %mul3A_289 = arith.constant 640 : i32
    %mul3A_290 = arith.muli %arg1, %mul3A_289 : i32
    %dma_wait3A_291 = arith.constant 0 : i32
    %dma_wait3A_292 = tpu.memref_slice %arg6[%arg0, %mul3A_290, %dma_wait3A_291] : memref<2x10240x128xf32, #tpu.memory_space<hbm>> -> memref<1x128x128xf32, #tpu.memory_space<hbm>>
    %dma_wait3A_293 = tpu.memref_squeeze %dma_wait3A_292 : memref<1x128x128xf32, #tpu.memory_space<hbm>> -> memref<128x128xf32, #tpu.memory_space<hbm>>
    %dma_wait3A_294 = arith.constant 0 : i32
    %dma_wait3A_295 = tpu.memref_slice %arg6[%arg0, %mul3A_290, %dma_wait3A_294] : memref<2x10240x128xf32, #tpu.memory_space<hbm>> -> memref<1x128x128xf32, #tpu.memory_space<hbm>>
    %dma_wait3A_296 = tpu.memref_squeeze %dma_wait3A_295 : memref<1x128x128xf32, #tpu.memory_space<hbm>> -> memref<128x128xf32, #tpu.memory_space<hbm>>
    tpu.wait_dma2 semaphore(%arg14 : memref<!tpu.dma_semaphore, #tpu.memory_space<semaphore_mem>>) src(%arg9 : memref<128x128xf32, #tpu.memory_space<vmem>>) dst(%dma_wait3A_296 : memref<128x128xf32, #tpu.memory_space<hbm>>)
    %mul3A_297 = arith.constant 640 : i32
    %mul3A_298 = arith.muli %arg1, %mul3A_297 : i32
    %dma_wait3A_299 = arith.constant 0 : i32
    %dma_wait3A_300 = tpu.memref_slice %arg6[%arg0, %mul3A_298, %dma_wait3A_299] : memref<2x10240x128xf32, #tpu.memory_space<hbm>> -> memref<1x128x128xf32, #tpu.memory_space<hbm>>
    %dma_wait3A_301 = tpu.memref_squeeze %dma_wait3A_300 : memref<1x128x128xf32, #tpu.memory_space<hbm>> -> memref<128x128xf32, #tpu.memory_space<hbm>>
    %dma_wait3A_302 = arith.constant 0 : i32
    %dma_wait3A_303 = tpu.memref_slice %arg6[%arg0, %mul3A_298, %dma_wait3A_302] : memref<2x10240x128xf32, #tpu.memory_space<hbm>> -> memref<1x128x128xf32, #tpu.memory_space<hbm>>
    %dma_wait3A_304 = tpu.memref_squeeze %dma_wait3A_303 : memref<1x128x128xf32, #tpu.memory_space<hbm>> -> memref<128x128xf32, #tpu.memory_space<hbm>>
    tpu.wait_dma2 semaphore(%arg15 : memref<!tpu.dma_semaphore, #tpu.memory_space<semaphore_mem>>) src(%arg10 : memref<128x128xf32, #tpu.memory_space<vmem>>) dst(%dma_wait3A_304 : memref<128x128xf32, #tpu.memory_space<hbm>>)
    return
  }
}

module attributes {stable_mosaic.version = 14 : i64} {
  func.func @_mm_scale_body(%arg0: i32, %arg1: memref<2000x128xf32, #tpu.memory_space<vmem>>, %arg2: memref<128x128xf32, #tpu.memory_space<vmem>>, %arg3: memref<2000x2xf32, #tpu.memory_space<vmem>>, %arg4: memref<2000x128xf32, #tpu.memory_space<vmem>>, %arg5: memref<2000x1xf32, #tpu.memory_space<vmem>>) attributes {dimension_semantics = [#tpu.dimension_semantics<arbitrary>], iteration_bounds = array<i64: 5>, scalar_prefetch = 0 : i64, scratch_operands = 0 : i64, tpu.core_type = #tpu.core_type<tc>, window_params = [{transform_indices = @transform_0, window_bounds = array<i64: 2000, 128>}, {pipeline_mode = #tpu.pipeline_mode<synchronous>, transform_indices = @transform_1, window_bounds = array<i64: 128, 128>}, {transform_indices = @transform_2, window_bounds = array<i64: 2000, 2>}, {transform_indices = @transform_3, window_bounds = array<i64: 2000, 128>}, {transform_indices = @transform_4, window_bounds = array<i64: 2000, 1>}]} {
    %get3A = arith.constant 0 : index
    %get3A_0 = arith.constant 0 : index
    %get3A_1 = vector.load %arg1[%get3A, %get3A_0] : memref<2000x128xf32, #tpu.memory_space<vmem>>, vector<2000x128xf32>
    %get3A_2 = arith.constant 0 : index
    %get3A_3 = arith.constant 0 : index
    %get3A_4 = vector.load %arg2[%get3A_2, %get3A_3] : memref<128x128xf32, #tpu.memory_space<vmem>>, vector<128x128xf32>
    %dot_general3A = arith.constant dense<0.000000e+00> : vector<2000x128xf32>
    %dot_general3A_5 = tpu.matmul %get3A_1, %get3A_4, %dot_general3A {dimension_numbers = #tpu.dot_dimension_numbers<[1], [0], [0], [1], [0, 0, 1, 1], [], []>, transpose_lhs_hint = false} : vector<2000x128xf32>, vector<128x128xf32>, vector<2000x128xf32> -> vector<2000x128xf32>
    %get3A_6 = arith.constant 0 : index
    %get3A_7 = arith.constant 0 : index
    %get3A_8 = vector.load %arg3[%get3A_6, %get3A_7] : memref<2000x2xf32, #tpu.memory_space<vmem>>, vector<2000x2xf32>
    %slice3A = vector.extract_strided_slice %get3A_8 {offsets = [0, 0], sizes = [2000, 1], strides = [1, 1]} : vector<2000x2xf32> to vector<2000x1xf32>
    %squeeze3A = vector.shape_cast %slice3A : vector<2000x1xf32> to vector<2000xf32>
    %slice3A_9 = vector.extract_strided_slice %get3A_8 {offsets = [0, 1], sizes = [2000, 1], strides = [1, 1]} : vector<2000x2xf32> to vector<2000x1xf32>
    %squeeze3A_10 = vector.shape_cast %slice3A_9 : vector<2000x1xf32> to vector<2000xf32>
    %add3A = arith.addf %squeeze3A, %squeeze3A_10 : vector<2000xf32>
    %add3A_11 = arith.constant 1.000000e+00 : f32
    %add3A_12 = vector.broadcast %add3A_11 : f32 to vector<2000xf32>
    %add3A_13 = arith.addf %add3A, %add3A_12 : vector<2000xf32>
    %rsqrt3A = math.rsqrt %add3A_13 : vector<2000xf32>
    %broadcast_in_dim3A = vector.shape_cast %rsqrt3A : vector<2000xf32> to vector<2000x1xf32>
    %mul3A = vector.broadcast %broadcast_in_dim3A : vector<2000x1xf32> to vector<2000x128xf32>
    %mul3A_14 = arith.mulf %dot_general3A_5, %mul3A : vector<2000x128xf32>
    %swap3A = arith.constant 0 : index
    %swap3A_15 = arith.constant 0 : index
    %swap3A_16 = vector.load %arg4[%swap3A, %swap3A_15] : memref<2000x128xf32, #tpu.memory_space<vmem>>, vector<2000x128xf32>
    tpu.vector_store %arg4[%swap3A, %swap3A_15], %mul3A_14 {strides = array<i32>} : memref<2000x128xf32, #tpu.memory_space<vmem>>, vector<2000x128xf32>,
    %broadcast_in_dim3A_17 = vector.shape_cast %rsqrt3A : vector<2000xf32> to vector<2000x1xf32>
    %swap3A_18 = arith.constant 0 : index
    %swap3A_19 = arith.constant 0 : index
    %swap3A_20 = vector.load %arg5[%swap3A_18, %swap3A_19] : memref<2000x1xf32, #tpu.memory_space<vmem>>, vector<2000x1xf32>
    tpu.vector_store %arg5[%swap3A_18, %swap3A_19], %broadcast_in_dim3A_17 {strides = array<i32>} : memref<2000x1xf32, #tpu.memory_space<vmem>>, vector<2000x1xf32>,
    return
  }
  func.func @transform_0(%arg0: i32) -> (i32, i32) {
    %c0_i32 = arith.constant 0 : i32
    %c0_i32_0 = arith.constant 0 : i32
    return %arg0, %c0_i32 : i32, i32
  }
  func.func @transform_1(%arg0: i32) -> (i32, i32) {
    %c0_i32 = arith.constant 0 : i32
    %c0_i32_0 = arith.constant 0 : i32
    %c0_i32_1 = arith.constant 0 : i32
    return %c0_i32, %c0_i32_0 : i32, i32
  }
  func.func @transform_2(%arg0: i32) -> (i32, i32) {
    %c0_i32 = arith.constant 0 : i32
    %c0_i32_0 = arith.constant 0 : i32
    return %arg0, %c0_i32 : i32, i32
  }
  func.func @transform_3(%arg0: i32) -> (i32, i32) {
    %c0_i32 = arith.constant 0 : i32
    %c0_i32_0 = arith.constant 0 : i32
    return %arg0, %c0_i32 : i32, i32
  }
  func.func @transform_4(%arg0: i32) -> (i32, i32) {
    %c0_i32 = arith.constant 0 : i32
    %c0_i32_0 = arith.constant 0 : i32
    return %arg0, %c0_i32 : i32, i32
  }
}

module attributes {stable_mosaic.version = 14 : i64} {
  func.func @_fuse1_body(%arg0: i32, %arg1: memref<2x2000x128xf32, #tpu.memory_space<vmem>>, %arg2: memref<2000x128xf32, #tpu.memory_space<vmem>>, %arg3: memref<2000x1xf32, #tpu.memory_space<vmem>>, %arg4: memref<128xf32, #tpu.memory_space<vmem>>, %arg5: memref<128x128xf32, #tpu.memory_space<vmem>>, %arg6: memref<2000x128xf32, #tpu.memory_space<vmem>>) attributes {dimension_semantics = [#tpu.dimension_semantics<arbitrary>], iteration_bounds = array<i64: 5>, scalar_prefetch = 0 : i64, scratch_operands = 0 : i64, tpu.core_type = #tpu.core_type<tc>, window_params = [{transform_indices = @transform_0, window_bounds = array<i64: 2, 2000, 128>}, {transform_indices = @transform_1, window_bounds = array<i64: 2000, 128>}, {transform_indices = @transform_2, window_bounds = array<i64: 2000, 1>}, {pipeline_mode = #tpu.pipeline_mode<synchronous>, transform_indices = @transform_3, window_bounds = array<i64: 128>}, {pipeline_mode = #tpu.pipeline_mode<synchronous>, transform_indices = @transform_4, window_bounds = array<i64: 128, 128>}, {transform_indices = @transform_5, window_bounds = array<i64: 2000, 128>}]} {
    %get3A = arith.constant 0 : index
    %get3A_0 = arith.constant 0 : index
    %get3A_1 = vector.load %arg3[%get3A, %get3A_0] : memref<2000x1xf32, #tpu.memory_space<vmem>>, vector<2000x1xf32>
    %get3A_2 = arith.constant 0 : index
    %get3A_3 = arith.constant 0 : index
    %get3A_4 = arith.constant 0 : index
    %get3A_5 = vector.load %arg1[%get3A_2, %get3A_3, %get3A_4] : memref<2x2000x128xf32, #tpu.memory_space<vmem>>, vector<1x2000x128xf32>
    %get3A_6 = vector.shape_cast %get3A_5 : vector<1x2000x128xf32> to vector<2000x128xf32>
    %get3A_7 = arith.constant 1 : index
    %get3A_8 = arith.constant 0 : index
    %get3A_9 = arith.constant 0 : index
    %get3A_10 = vector.load %arg1[%get3A_7, %get3A_8, %get3A_9] : memref<2x2000x128xf32, #tpu.memory_space<vmem>>, vector<1x2000x128xf32>
    %get3A_11 = vector.shape_cast %get3A_10 : vector<1x2000x128xf32> to vector<2000x128xf32>
    %add3A = arith.addf %get3A_6, %get3A_11 : vector<2000x128xf32>
    %get3A_12 = arith.constant 0 : index
    %get3A_13 = arith.constant 0 : index
    %get3A_14 = vector.load %arg2[%get3A_12, %get3A_13] : memref<2000x128xf32, #tpu.memory_space<vmem>>, vector<2000x128xf32>
    %add3A_15 = arith.addf %add3A, %get3A_14 : vector<2000x128xf32>
    %mul3A = vector.broadcast %get3A_1 : vector<2000x1xf32> to vector<2000x128xf32>
    %mul3A_16 = arith.mulf %add3A_15, %mul3A : vector<2000x128xf32>
    %get3A_17 = arith.constant 0 : index
    %get3A_18 = vector.load %arg4[%get3A_17] : memref<128xf32, #tpu.memory_space<vmem>>, vector<128xf32>
    %broadcast_in_dim3A = vector.shape_cast %get3A_18 : vector<128xf32> to vector<1x128xf32>
    %add3A_19 = vector.broadcast %broadcast_in_dim3A : vector<1x128xf32> to vector<2000x128xf32>
    %add3A_20 = arith.addf %mul3A_16, %add3A_19 : vector<2000x128xf32>
    %max3A = arith.constant 0.000000e+00 : f32
    %max3A_21 = vector.broadcast %max3A : f32 to vector<2000x128xf32>
    %max3A_22 = arith.maximumf %add3A_20, %max3A_21 : vector<2000x128xf32>
    %get3A_23 = arith.constant 0 : index
    %get3A_24 = arith.constant 0 : index
    %get3A_25 = vector.load %arg5[%get3A_23, %get3A_24] : memref<128x128xf32, #tpu.memory_space<vmem>>, vector<128x128xf32>
    %dot_general3A = arith.constant dense<0.000000e+00> : vector<2000x128xf32>
    %dot_general3A_26 = tpu.matmul %max3A_22, %get3A_25, %dot_general3A {dimension_numbers = #tpu.dot_dimension_numbers<[1], [0], [0], [1], [0, 0, 1, 1], [], []>, transpose_lhs_hint = false} : vector<2000x128xf32>, vector<128x128xf32>, vector<2000x128xf32> -> vector<2000x128xf32>
    %mul3A_27 = vector.broadcast %get3A_1 : vector<2000x1xf32> to vector<2000x128xf32>
    %mul3A_28 = arith.mulf %dot_general3A_26, %mul3A_27 : vector<2000x128xf32>
    %swap3A = arith.constant 0 : index
    %swap3A_29 = arith.constant 0 : index
    %swap3A_30 = vector.load %arg6[%swap3A, %swap3A_29] : memref<2000x128xf32, #tpu.memory_space<vmem>>, vector<2000x128xf32>
    tpu.vector_store %arg6[%swap3A, %swap3A_29], %mul3A_28 {strides = array<i32>} : memref<2000x128xf32, #tpu.memory_space<vmem>>, vector<2000x128xf32>,
    return
  }
  func.func @transform_0(%arg0: i32) -> (i32, i32, i32) {
    %c0_i32 = arith.constant 0 : i32
    %c0_i32_0 = arith.constant 0 : i32
    %c0_i32_1 = arith.constant 0 : i32
    return %c0_i32, %arg0, %c0_i32_0 : i32, i32, i32
  }
  func.func @transform_1(%arg0: i32) -> (i32, i32) {
    %c0_i32 = arith.constant 0 : i32
    %c0_i32_0 = arith.constant 0 : i32
    return %arg0, %c0_i32 : i32, i32
  }
  func.func @transform_2(%arg0: i32) -> (i32, i32) {
    %c0_i32 = arith.constant 0 : i32
    %c0_i32_0 = arith.constant 0 : i32
    return %arg0, %c0_i32 : i32, i32
  }
  func.func @transform_3(%arg0: i32) -> i32 {
    %c0_i32 = arith.constant 0 : i32
    %c0_i32_0 = arith.constant 0 : i32
    return %c0_i32 : i32
  }
  func.func @transform_4(%arg0: i32) -> (i32, i32) {
    %c0_i32 = arith.constant 0 : i32
    %c0_i32_0 = arith.constant 0 : i32
    %c0_i32_1 = arith.constant 0 : i32
    return %c0_i32, %c0_i32_0 : i32, i32
  }
  func.func @transform_5(%arg0: i32) -> (i32, i32) {
    %c0_i32 = arith.constant 0 : i32
    %c0_i32_0 = arith.constant 0 : i32
    return %arg0, %c0_i32 : i32, i32
  }
}

module attributes {stable_mosaic.version = 14 : i64} {
  func.func @_fuse2_body(%arg0: i32, %arg1: memref<2x2000x128xf32, #tpu.memory_space<vmem>>, %arg2: memref<2000x128xf32, #tpu.memory_space<vmem>>, %arg3: memref<2000x1xf32, #tpu.memory_space<vmem>>, %arg4: memref<128xf32, #tpu.memory_space<vmem>>, %arg5: memref<128x128xf32, #tpu.memory_space<vmem>>, %arg6: memref<128xf32, #tpu.memory_space<vmem>>, %arg7: memref<2000x128xf32, #tpu.memory_space<vmem>>) attributes {dimension_semantics = [#tpu.dimension_semantics<arbitrary>], iteration_bounds = array<i64: 5>, scalar_prefetch = 0 : i64, scratch_operands = 0 : i64, tpu.core_type = #tpu.core_type<tc>, window_params = [{transform_indices = @transform_0, window_bounds = array<i64: 2, 2000, 128>}, {transform_indices = @transform_1, window_bounds = array<i64: 2000, 128>}, {transform_indices = @transform_2, window_bounds = array<i64: 2000, 1>}, {pipeline_mode = #tpu.pipeline_mode<synchronous>, transform_indices = @transform_3, window_bounds = array<i64: 128>}, {pipeline_mode = #tpu.pipeline_mode<synchronous>, transform_indices = @transform_4, window_bounds = array<i64: 128, 128>}, {pipeline_mode = #tpu.pipeline_mode<synchronous>, transform_indices = @transform_5, window_bounds = array<i64: 128>}, {transform_indices = @transform_6, window_bounds = array<i64: 2000, 128>}]} {
    %get3A = arith.constant 0 : index
    %get3A_0 = arith.constant 0 : index
    %get3A_1 = vector.load %arg3[%get3A, %get3A_0] : memref<2000x1xf32, #tpu.memory_space<vmem>>, vector<2000x1xf32>
    %get3A_2 = arith.constant 0 : index
    %get3A_3 = arith.constant 0 : index
    %get3A_4 = arith.constant 0 : index
    %get3A_5 = vector.load %arg1[%get3A_2, %get3A_3, %get3A_4] : memref<2x2000x128xf32, #tpu.memory_space<vmem>>, vector<1x2000x128xf32>
    %get3A_6 = vector.shape_cast %get3A_5 : vector<1x2000x128xf32> to vector<2000x128xf32>
    %get3A_7 = arith.constant 1 : index
    %get3A_8 = arith.constant 0 : index
    %get3A_9 = arith.constant 0 : index
    %get3A_10 = vector.load %arg1[%get3A_7, %get3A_8, %get3A_9] : memref<2x2000x128xf32, #tpu.memory_space<vmem>>, vector<1x2000x128xf32>
    %get3A_11 = vector.shape_cast %get3A_10 : vector<1x2000x128xf32> to vector<2000x128xf32>
    %add3A = arith.addf %get3A_6, %get3A_11 : vector<2000x128xf32>
    %get3A_12 = arith.constant 0 : index
    %get3A_13 = arith.constant 0 : index
    %get3A_14 = vector.load %arg2[%get3A_12, %get3A_13] : memref<2000x128xf32, #tpu.memory_space<vmem>>, vector<2000x128xf32>
    %add3A_15 = arith.addf %add3A, %get3A_14 : vector<2000x128xf32>
    %mul3A = vector.broadcast %get3A_1 : vector<2000x1xf32> to vector<2000x128xf32>
    %mul3A_16 = arith.mulf %add3A_15, %mul3A : vector<2000x128xf32>
    %get3A_17 = arith.constant 0 : index
    %get3A_18 = vector.load %arg4[%get3A_17] : memref<128xf32, #tpu.memory_space<vmem>>, vector<128xf32>
    %broadcast_in_dim3A = vector.shape_cast %get3A_18 : vector<128xf32> to vector<1x128xf32>
    %add3A_19 = vector.broadcast %broadcast_in_dim3A : vector<1x128xf32> to vector<2000x128xf32>
    %add3A_20 = arith.addf %mul3A_16, %add3A_19 : vector<2000x128xf32>
    %max3A = arith.constant 0.000000e+00 : f32
    %max3A_21 = vector.broadcast %max3A : f32 to vector<2000x128xf32>
    %max3A_22 = arith.maximumf %add3A_20, %max3A_21 : vector<2000x128xf32>
    %get3A_23 = arith.constant 0 : index
    %get3A_24 = arith.constant 0 : index
    %get3A_25 = vector.load %arg5[%get3A_23, %get3A_24] : memref<128x128xf32, #tpu.memory_space<vmem>>, vector<128x128xf32>
    %dot_general3A = arith.constant dense<0.000000e+00> : vector<2000x128xf32>
    %dot_general3A_26 = tpu.matmul %max3A_22, %get3A_25, %dot_general3A {dimension_numbers = #tpu.dot_dimension_numbers<[1], [0], [0], [1], [0, 0, 1, 1], [], []>, transpose_lhs_hint = false} : vector<2000x128xf32>, vector<128x128xf32>, vector<2000x128xf32> -> vector<2000x128xf32>
    %get3A_27 = arith.constant 0 : index
    %get3A_28 = vector.load %arg6[%get3A_27] : memref<128xf32, #tpu.memory_space<vmem>>, vector<128xf32>
    %broadcast_in_dim3A_29 = vector.shape_cast %get3A_28 : vector<128xf32> to vector<1x128xf32>
    %add3A_30 = vector.broadcast %broadcast_in_dim3A_29 : vector<1x128xf32> to vector<2000x128xf32>
    %add3A_31 = arith.addf %dot_general3A_26, %add3A_30 : vector<2000x128xf32>
    %reduce_max3A = arith.constant dense<0xFF800000> : vector<2000xf32>
    %reduce_max3A_32 = vector.multi_reduction <maximumf>, %add3A_31, %reduce_max3A [1] : vector<2000x128xf32> to vector<2000xf32>
    %broadcast_in_dim3A_33 = vector.shape_cast %reduce_max3A_32 : vector<2000xf32> to vector<2000x1xf32>
    %sub3A = vector.broadcast %broadcast_in_dim3A_33 : vector<2000x1xf32> to vector<2000x128xf32>
    %sub3A_34 = arith.subf %add3A_31, %sub3A : vector<2000x128xf32>
    %exp3A = math.exp %sub3A_34 : vector<2000x128xf32>
    %reduce_sum3A = arith.constant dense<0.000000e+00> : vector<2000xf32>
    %reduce_sum3A_35 = vector.multi_reduction <add>, %exp3A, %reduce_sum3A [1] : vector<2000x128xf32> to vector<2000xf32>
    %broadcast_in_dim3A_36 = vector.shape_cast %reduce_sum3A_35 : vector<2000xf32> to vector<2000x1xf32>
    %log3A = math.log %broadcast_in_dim3A_36 : vector<2000x1xf32>
    %add3A_37 = arith.addf %log3A, %broadcast_in_dim3A_33 : vector<2000x1xf32>
    %sub3A_38 = vector.broadcast %add3A_37 : vector<2000x1xf32> to vector<2000x128xf32>
    %sub3A_39 = arith.subf %add3A_31, %sub3A_38 : vector<2000x128xf32>
    %swap3A = arith.constant 0 : index
    %swap3A_40 = arith.constant 0 : index
    %swap3A_41 = vector.load %arg7[%swap3A, %swap3A_40] : memref<2000x128xf32, #tpu.memory_space<vmem>>, vector<2000x128xf32>
    tpu.vector_store %arg7[%swap3A, %swap3A_40], %sub3A_39 {strides = array<i32>} : memref<2000x128xf32, #tpu.memory_space<vmem>>, vector<2000x128xf32>,
    return
  }
  func.func @transform_0(%arg0: i32) -> (i32, i32, i32) {
    %c0_i32 = arith.constant 0 : i32
    %c0_i32_0 = arith.constant 0 : i32
    %c0_i32_1 = arith.constant 0 : i32
    return %c0_i32, %arg0, %c0_i32_0 : i32, i32, i32
  }
  func.func @transform_1(%arg0: i32) -> (i32, i32) {
    %c0_i32 = arith.constant 0 : i32
    %c0_i32_0 = arith.constant 0 : i32
    return %arg0, %c0_i32 : i32, i32
  }
  func.func @transform_2(%arg0: i32) -> (i32, i32) {
    %c0_i32 = arith.constant 0 : i32
    %c0_i32_0 = arith.constant 0 : i32
    return %arg0, %c0_i32 : i32, i32
  }
  func.func @transform_3(%arg0: i32) -> i32 {
    %c0_i32 = arith.constant 0 : i32
    %c0_i32_0 = arith.constant 0 : i32
    return %c0_i32 : i32
  }
  func.func @transform_4(%arg0: i32) -> (i32, i32) {
    %c0_i32 = arith.constant 0 : i32
    %c0_i32_0 = arith.constant 0 : i32
    %c0_i32_1 = arith.constant 0 : i32
    return %c0_i32, %c0_i32_0 : i32, i32
  }
  func.func @transform_5(%arg0: i32) -> i32 {
    %c0_i32 = arith.constant 0 : i32
    %c0_i32_0 = arith.constant 0 : i32
    return %c0_i32 : i32
  }
  func.func @transform_6(%arg0: i32) -> (i32, i32) {
    %c0_i32 = arith.constant 0 : i32
    %c0_i32_0 = arith.constant 0 : i32
    return %arg0, %c0_i32 : i32, i32
  }
}

</mosaic_0001>

<sc_bundles>
// kernel: _run.11.cloned.1.call-start
scs
__scs_entry_jumppad:
0x0: {  	(pc) =	sbr.rel $0x88, $3  }
0x1: {  	(tag) =	ssettag $0x0;
	lr =	simm.s32 $0x1  }
0x2: {  	[smem:$0x3F99] =	sst lr;
	_ =	strace $0xD0000000  }
0x3: {  	_ = 	snop  }
0x4: {  	_ = 	snop  }
0x5: {  	_ = 	snop  }
0x6: {  	_ = 	snop  }
0x7: {  	_ = 	snop  }
__scs_overlays_trampoline_lowered:
0x8: {  	[smem:$0x3FA8] =	sst s0  }
0x9: {  	[smem:$0x3FA9] =	sst s1  }
0xa: {  	[smem:$0x3FAA] =	sst s2  }
0xb: {  	[smem:$0x3FAB] =	sst s3  }
0xc: {  	[smem:$0x3FAC] =	sst s4  }
0xd: {  	[smem:$0x3FAD] =	sst s5  }
0xe: {  	[smem:$0x3FAE] =	sst s6  }
0xf: {  	[smem:$0x3FAF] =	sst s7  }
0x10: {  	[smem:$0x3FB0] =	sst s8  }
0x11: {  	[smem:$0x3FB1] =	sst s9;
	s0 =	simm.s32 @!p0 $0x0  }
0x12: {  	s1 =	sld [smem:$0x3F97];
	s0 =	simm.s32 @p0 $0x1  }
0x13: {  	[smem:$0x3FB2] =	sst s0;
	s0 =	simm.s32 @!p1 $0x0  }
0x14: {  	s2 =	sld [smem:$0x3F96];
	s0 =	simm.s32 @p1 $0x1  }
0x15: {  	[smem:$0x3FB3] =	sst s0;
	s0 =	simm.s32 @!p2 $0x0  }
0x16: {  	s3 =	sld [smem:$0x3FDB];
	s0 =	simm.s32 @p2 $0x1  }
0x17: {  	s4 =	simm.s32 $0x1BF5;
	[smem:$0x3FB5] =	sst s0  }
0x18: {  	s0 =	sld [smem:$0x3F98];
	_ =	swait.ge [sflag:s4], $0x0  }
0x19: {  	s7 =	sld [smem:$0x3F99]  }
0x1a: {  	s8 =	sadd.s32 $0xFFFFE003, lr  }
0x1b: {  	s9 =	sadd.s32 $0xFFFFFEF7, lr;
	s5 =	simm.s32 $0xFFFFFFFF;
	p2 =	slt.u32 s8, $0xFFFFF086  }
0x1c: {  	p1 =	slt.u32 s9, $0xF7A;
	s5 =	simm.s32 @!p2 $0x0  }
0x1d: {  	s5 =	simm.s32 @p1 $0x1;
	p0 =	seq.s32 s7, s2  }
0x1e: {  	s7 =	smul.u32 @!p0 $0xF7A, s2;
	p2 =	seq.s32 @!p0 s5, $0x0  }
0x1f: {  	s9 =	smul.u32 $0xF7A, s1;
	s8 =	simm.s32 @!p0 $0x1BF5;
	p2 =	por !p2, p0  }
0x20: {  	[sflag:s8] =	ssyncset.s32 @!p0 $0xFFFFF086;
	s6 =	sadd.s32 @!p0 s3, s7;
	s7 =	simm.s32 @!p0 $0x108  }
0x21: {  	s3 =	sadd.s32 s3, s9;
	s6 =	sadd.s32 @!p0 $0x88, s6;
	s7 =	simm.s32 @p2 $0x1082  }
0x22: {  	[simem:s7], [sflag:s8] =	dma.local @!p0 [hbm:s6], $0xF7A  }
0x23: {  	s9 =	sor.u32 $0xD0000000, s2;
	s6 =	simm.s32 $0x108;
	_ =	swait.ge @!p0 [sflag:s8], $0x0  }
0x24: {  	s3 =	sadd.s32 $0x88, s3;
	s6 =	simm.s32 @!p1 $0x1082;
	[sflag:s4] =	ssyncset.s32 $0xFFFFF086  }
0x25: {  	[simem:s6], [sflag:s4] =	dma.local [hbm:s3], $0xF7A  }
0x26: {  	[smem:$0x3F99] =	sst s1;
	(tag) =	ssettag s2;
	_ =	strace s9  }
0x27: {  	s1 =	sld [smem:$0x3FA9]  }
0x28: {  	s2 =	sld [smem:$0x3FAA]  }
0x29: {  	s4 =	sld [smem:$0x3FAC]  }
0x2a: {  	p0 =	seq.s32 s5, $0x0;
	s5 =	sld [smem:$0x3FAD]  }
0x2b: {  	s6 =	sld [smem:$0x3FAE]  }
0x2c: {  	s7 =	sld [smem:$0x3FAF]  }
0x2d: {  	s3 =	simm.s32 $0x108;
	s8 =	sld [smem:$0x3FB0]  }
0x2e: {  	s3 =	simm.s32 @!p0 $0x1082;
	s9 =	sld [smem:$0x3FB1]  }
0x2f: {  	lr =	sadd.s32 s0, s3;
	s0 =	sld [smem:$0x3FA8]  }
0x30: {  	s3 =	sld [smem:$0x3FAB]  }
0x31: {  	[smem:$0x3FB4] =	sst s10  }
0x32: {  	s10 =	sld [smem:$0x3FB2];
	_ =	sdelay $0x3  }
0x33: {  	p0 =	seq.s32 s10, $0x1;
	s10 =	sld [smem:$0x3FB4];
	_ =	sdelay $0x3  }
0x34: {  	[smem:$0x3FB4] =	sst s10  }
0x35: {  	s10 =	sld [smem:$0x3FB3];
	_ =	sdelay $0x3  }
0x36: {  	p1 =	seq.s32 s10, $0x1;
	s10 =	sld [smem:$0x3FB4];
	_ =	sdelay $0x3  }
0x37: {  	[smem:$0x3FB4] =	sst s10  }
0x38: {  	s10 =	sld [smem:$0x3FB5]  }
0x39: {  	_ = 	snop;
	(pc) =	sbr.ind lr, $3  }
0x3a: {  	_ = 	snop  }
0x3b: {  	_ = 	snop  }
0x3c: {  	p2 =	seq.s32 s10, $0x1;
	s10 =	sld [smem:$0x3FB4]  }
0x3d: {  	_ =	shalt  }
0x3e: {  	_ =	shalt  }
0x3f: {  	_ =	shalt  }
0x40: {  	_ =	shalt  }
0x41: {  	_ =	shalt  }
0x42: {  	_ =	shalt  }
0x43: {  	_ =	shalt  }
0x44: {  	_ =	shalt  }
0x45: {  	_ =	shalt  }
0x46: {  	_ =	shalt  }
0x47: {  	_ =	shalt  }
0x48: {  	_ =	shalt  }
0x49: {  	_ =	shalt  }
0x4a: {  	_ =	shalt  }
0x4b: {  	_ =	shalt  }
0x4c: {  	_ =	shalt  }
0x4d: {  	_ =	shalt  }
0x4e: {  	_ =	shalt  }
0x4f: {  	_ =	shalt  }
0x50: {  	_ =	shalt  }
0x51: {  	_ =	shalt  }
0x52: {  	_ =	shalt  }
0x53: {  	_ =	shalt  }
0x54: {  	_ =	shalt  }
0x55: {  	_ =	shalt  }
0x56: {  	_ =	shalt  }
0x57: {  	_ =	shalt  }
0x58: {  	_ =	shalt  }
0x59: {  	_ =	shalt  }
0x5a: {  	_ =	shalt  }
0x5b: {  	_ =	shalt  }
0x5c: {  	_ =	shalt  }
0x5d: {  	_ =	shalt  }
0x5e: {  	_ =	shalt  }
0x5f: {  	_ =	shalt  }
0x60: {  	_ =	shalt  }
0x61: {  	_ =	shalt  }
0x62: {  	_ =	shalt  }
0x63: {  	_ =	shalt  }
0x64: {  	_ =	shalt  }
0x65: {  	_ =	shalt  }
0x66: {  	_ =	shalt  }
0x67: {  	_ =	shalt  }
0x68: {  	_ =	shalt  }
0x69: {  	_ =	shalt  }
0x6a: {  	_ =	shalt  }
0x6b: {  	_ =	shalt  }
0x6c: {  	_ =	shalt  }
0x6d: {  	_ =	shalt  }
0x6e: {  	_ =	shalt  }
0x6f: {  	_ =	shalt  }
0x70: {  	_ =	shalt  }
0x71: {  	_ =	shalt  }
0x72: {  	_ =	shalt  }
0x73: {  	_ =	shalt  }
0x74: {  	_ =	shalt  }
0x75: {  	_ =	shalt  }
0x76: {  	_ =	shalt  }
0x77: {  	_ =	shalt  }
0x78: {  	_ =	shalt  }
0x79: {  	_ =	shalt  }
0x7a: {  	_ =	shalt  }
0x7b: {  	_ =	shalt  }
0x7c: {  	_ =	shalt  }
0x7d: {  	_ =	shalt  }
0x7e: {  	_ =	shalt  }
0x7f: {  	_ =	shalt  }
0x80: {  	_ =	shalt  }
0x81: {  	_ =	shalt  }
0x82: {  	_ =	shalt  }
0x83: {  	_ =	shalt  }
0x84: {  	_ =	shalt  }
0x85: {  	_ =	shalt  }
0x86: {  	_ =	shalt  }
0x87: {  	_ =	shalt  }
.Lfunc_end0:
.L_simem_size_0:
called_computation.1_lowered:
.L_overlay_start_0:
0x88: {  	s2 =	sld [smem:$0x3FD9]  }
0x89: {  	s3 =	sld [smem:$0x3FFE];
	_ =	sdelay $0x1  }
0x8a: {  	s1 =	srdreg.scid  }
0x8b: {  	s0 =	sand.u32 $0x1, s1  }
0x8c: {  	s17 =	sshll.u32 s0, $0xA;
	s2 =	sadd.s32 s3, s2  }
0x8d: {  	s2 =	sadd.s32 s2, s17  }
0x8e: {  	[smem:$0x3FC0] =	sst s2  }
0x8f: {  	_ = 	snop  }
0x90: {  	s2 =	sld [smem:$0x3FD0];
	(tm) =	ssettm $0x1  }
0x91: {  	s18 =	sld [smem:$0x3FFB];
	_ =	sdelay $0x3  }
0x92: {  	_ =	strace s18  }
0x93: {  	s3 =	sld [smem:$0x3FFC];
	_ =	sdelay $0x3  }
0x94: {  	_ =	strace s3  }
0x95: {  	s3 =	sld [smem:$0x3FFD];
	_ =	sdelay $0x3  }
0x96: {  	_ =	strace s3  }
0x97: {  	_ =	strace $0x8FFFFFFF  }
0x98: {  	s19 =	sld [smem:$0x3FDB];
	_ =	sdelay $0x1  }
0x99: {  	s4 =	simm.s32 $_scs_section_size  }
0x9a: {  	s5 =	simm.s32 $_size__tile_overlayer_lowered;
	s6 =	simm.s32 $_tile_overlayer_lowered  }
0x9b: {  	s22 =	simm.s32 $0x1BFF;
	s21 =	sshll.u32 s6, $0x1;
	s3 =	sadd.s32 s4, s19  }
0x9c: {  	s7 =	simm.s32 $0x0;
	s20 =	sshll.u32 s5, $0x1;
	s5 =	sadd.s32 s21, s3  }
0x9d: {  	[timem:s7], [sflag:s22] =	dma.local [hbm:s5], s20  }
0x9e: {  	_ =	swait.ge [sflag:s22], s20  }
0x9f: {  	s4 =	ssub.s32 $0x0, s20;
	[sflag:s22] =	ssyncset.done $0x0  }
0xa0: {  	[sflag:s22] =	ssyncadd.s32 s4;
	_ =	sdelay $0x1  }
0xa1: {  	s23 =	simm.s32 $0x1B8B  }
0xa2: {  	_ =	swait.ge [sflag:s23], $0x1  }
0xa3: {  	[sflag:s23] =	ssyncset.done $0x0  }
0xa4: {  	s25 =	simm.s32 $0x1B8E;
	s24 =	sld [smem:$0x3FFE];
	[sflag:s23] =	ssyncadd.s32 $0xFFFFFFFF  }
0xa5: {  	s26 =	simm.s32 $execute0_lowered;
	[smem:$0x3FD2] =	sst s25  }
0xa6: {  	s5 =	sshll.u32 s26, $0x1;
	_ =	strace $0x80000049;
	[dreg:$0x1] =	wrdreg $0xFFFFFFFF  }
0xa7: {  	s28 =	simm.s32 $_size_execute0_lowered;
	s3 =	sadd.s32 s3, s5;
	[dreg:$0x0] =	wrdreg $0x0  }
0xa8: {  	s5 =	sshll.u32 s28, $0x1;
	[dreg:$0x2] =	wrdreg s3  }
0xa9: {  	[dreg:$0x3] =	wrdreg s5  }
0xaa: {  	[dreg:$0x4] =	wrdreg $0xC0  }
0xab: {  	_ =	task [dreg:s7], $0x5FFFF  }
0xac: {  	[dreg:$0x1] =	wrdreg $0xFFFFFFFF  }
0xad: {  	[dreg:$0x0] =	wrdreg $0x60  }
0xae: {  	[dreg:$0x2] =	wrdreg s2  }
0xaf: {  	[dreg:$0x3] =	wrdreg s24  }
0xb0: {  	[dreg:$0x4] =	wrdreg $0xA8000  }
0xb1: {  	[dreg:$0x5] =	wrdreg $0x9  }
0xb2: {  	_ =	task.clear_ibuf [dreg:s7], $0x6FFFF;
	_ =	strace $0x90000049  }
0xb3: {  	s29 =	simm.s32 $0x9;
	_ =	strace $0x8000004B  }
0xb4: {  	_ =	swait.ge [sflag:s29], $0x1  }
0xb5: {  	[sflag:s29] =	ssyncadd.s32 $0xFFFFFFFF  }
0xb6: {  	_ =	strace $0x9000004B  }
0xb7: {  	_ =	sfence  }
0xb8: {  	s30 =	sld [smem:$0x0];
	_ =	sdelay $0x2  }
0xb9: {  	s31 =	sshll.u32 s1, $0xD;
	s1 =	sshrl.u32 s1, $0x2  }
0xba: {  	s3 =	sand.u32 $0x4000, s31;
	s1 =	sadd.s32 s1, s30  }
0xbb: {  	s0 =	sor.u32 s3, s0;
	s1 =	sshll.u32 s1, $0x11  }
0xbc: {  	s0 =	sor.u32 s1, s0  }
0xbd: {  	s0 =	sadd.s32 $0x8F2B, s0  }
0xbe: {  	[sflag:s0] =	ssyncadd.remote.s32 $0x1  }
0xbf: {  	_ =	sfence.sel $0xFFFF  }
0xc0: {  	[dreg:$0x0] =	wrdreg $0xFFFFFFFF;
	(pc) =	sbr.abs _section_cstart, $3  }
0xc1: {  	[dreg:$0x1] =	wrdreg $0xFFFFFFFF  }
0xc2: {  	_ =	task.clear_ibuf [dreg:s7], $0x2FFFF;
	_ =	strace $0x9FFFFFFF  }
0xc3: {  	(tm) =	ssettm $0x7FFFFFFF  }
tec
execute0_lowered:
.L_overlay_start_1:
0x0: {  	(tag) =	ssettag $0x1  }
0x1: {  	s1 =	rddreg [dreg:$0x0]  }
0x2: {  	s0 =	rddreg [dreg:$0x1]  }
0x3: {  	s2 =	rddreg [dreg:$0x2]  }
0x4: {  	s4 =	simm.s32 $0x0;
	s3 =	srdreg.scid;
	s9 =	stileid.u32  }
0x5: {  	s28 =	simm.s32 $0x1;
	s29 =	simm.s32 $0x2;
	s30 =	simm.s32 $0x4  }
0x6: {  	s31 =	simm.s32 $0x2700;
	[smem:$0x7FF] =	sst s4;
	s3 =	sand.u32 $0x1, s3  }
0x7: {  	s5 =	sadd.s32 $0xCC00, s0;
	s7 =	smul.u32 $0x50000, s9;
	s11 =	sadd.s32 $0x2C00, s0  }
0x8: {  	s14 =	smul.u32 $0x14000, s9;
	s10 =	sadd.s32 $0x16C00, s0;
	s0 =	sadd.s32 $0x17400, s0  }
0x9: {  	_ =	strace $0x8000004A;
	s6 =	ssub.s32 $0x2, s3;
	[dreg:$0x4] =	wrdreg s10  }
0xa: {  	s18 =	sshll.u32 s3, $0x4;
	s3 =	smul.u32 $0x140000, s3;
	s8 =	sshrl.u32 s6, $0x1  }
0xb: {  	s7 =	sshrl.u32 s7, $0x2;
	s15 =	sadd.s32 $0x4000, s14;
	s19 =	sor.u32 s9, s18  }
0xc: {  	s17 =	sadd.s32 $0x8000, s14;
	s18 =	sadd.s32 $0xC000, s14;
	s20 =	ssub.s32 s6, s8  }
0xd: {  	s6 =	sadd.s32 s7, s2;
	s7 =	sadd.s32 s15, s2;
	s12 =	smul.u32 $0x2800, s19  }
0xe: {  	s8 =	sadd.s32 s17, s2;
	s9 =	sadd.s32 s18, s2;
	s19 =	sadd.s32 $0x10000, s14  }
0xf: {  	s22 =	sadd.s32 s14, s3;
	s15 =	sadd.s32 s3, s15;
	s24 =	sadd.s32 s3, s17  }
0x10: {  	s25 =	sadd.s32 s3, s18;
	s10 =	sadd.s32 s19, s2;
	s23 =	sshrl.u32 s15, $0x3  }
0x11: {  	s3 =	sadd.s32 s3, s19;
	s26 =	sshrl.u32 s25, $0x3;
	s20 =	smax.u32 s20, $0x1  }
0x12: {  	s25 =	simm.s32 $0x80;
	s13 =	sshrl.u32 s12, $0x3;
	s3 =	sshrl.u32 s3, $0x3  }
0x13: {  	s18 =	sadd.s32 s0, s26;
	s26 =	simm.s32 $0x6800;
	s12 =	sadd.s32 s5, s13  }
0x14: {  	s21 =	sadd.s32 s11, s13;
	s16 =	sadd.s32 $0x280, s13;
	[dreg:$0x5] =	wrdreg s12  }
0x15: {  	s19 =	sadd.s32 s0, s3;
	s3 =	simm.s32 $0x0;
	[dreg:$0x6] =	wrdreg s21  }
0x16: {  	s13 =	sadd.s32 s5, s16;
	s14 =	sadd.s32 s11, s16;
	s5 =	sshrl.u32 s22, $0x3  }
0x17: {  	s16 =	sadd.s32 s0, s23;
	s21 =	simm.s32 $0x2800;
	s22 =	simm.s32 $0x5  }
0x18: {  	s23 =	simm.s32 $0x1400;
	s15 =	sadd.s32 s0, s5;
	s5 =	sshrl.u32 s24, $0x3  }
0x19: {  	s24 =	simm.s32 $0x3;
	s17 =	sadd.s32 s0, s5;
	s0 =	simm.s32 $0x2780  }
.LBB2_1:
0x1a: {  	s5 =	rddreg [dreg:$0x4]  }
0x1b: {  	[tilespmem:s21], [sflag:$0x5] =	stream.linear.gather [hbm4b:s5+s4], $0x4000, $0x38;
	[tilespmem:$0x1E800] =	vst v63  }
0x1c: {  	_ =	swait.ge [sflag:s22], $0x4000  }
0x1d: {  	[sflag:s22] =	ssyncset.done $0x0  }
0x1e: {  	[sflag:s22] =	ssyncadd.s32 $0xFFFFC000  }
0x1f: {  	[spmem:s6] =	stream.linear.scatter [tilespmem:s21], [sflag:$0x3], $0x4000, $0x38;
	[tilespmem:$0x1E800] =	vst v63  }
0x20: {  	_ = 	snop  }
0x21: {  	[spmem:s7] =	stream.linear.scatter [tilespmem:s21], [sflag:$0x3], $0x4000, $0x38;
	[tilespmem:$0x1E800] =	vst v63  }
0x22: {  	_ = 	snop  }
0x23: {  	[spmem:s8] =	stream.linear.scatter [tilespmem:s21], [sflag:$0x3], $0x4000, $0x38;
	[tilespmem:$0x1E800] =	vst v63  }
0x24: {  	_ = 	snop  }
0x25: {  	[spmem:s9] =	stream.linear.scatter [tilespmem:s21], [sflag:$0x3], $0x4000, $0x38;
	[tilespmem:$0x1E800] =	vst v63  }
0x26: {  	_ = 	snop  }
0x27: {  	[spmem:s10] =	stream.linear.scatter [tilespmem:s21], [sflag:$0x3], $0x4000, $0x38;
	[tilespmem:$0x1E800] =	vst v63  }
0x28: {  	s12 =	rddreg [dreg:$0x5]  }
0x29: {  	[tilespmem:s4], [sflag:$0x5] =	stream.linear.gather [hbm4b:s12+s4], $0x1400, $0x38;
	[tilespmem:$0x1E800] =	vst v63  }
0x2a: {  	_ =	swait.ge [sflag:s22], $0x1400  }
0x2b: {  	[sflag:s22] =	ssyncset.done $0x0  }
0x2c: {  	s11 =	rddreg [dreg:$0x6];
	[sflag:s22] =	ssyncadd.s32 $0xFFFFEC00  }
0x2d: {  	[tilespmem:s23], [sflag:$0x5] =	stream.linear.gather [hbm4b:s11+s4], $0x1400, $0x38;
	[tilespmem:$0x1E800] =	vst v63  }
0x2e: {  	_ =	swait.ge [sflag:s22], $0x1400  }
0x2f: {  	[sflag:s22] =	ssyncset.done $0x0  }
0x30: {  	[sflag:s22] =	ssyncadd.s32 $0xFFFFEC00  }
0x31: {  	_ =	swait.ge [sflag:s24], $0x4000  }
0x32: {  	[sflag:s24] =	ssyncset.done $0x0  }
0x33: {  	[sflag:s24] =	ssyncadd.s32 $0xFFFFC000  }
0x34: {  	_ =	swait.ge [sflag:s24], $0x4000  }
0x35: {  	[sflag:s24] =	ssyncset.done $0x0  }
0x36: {  	[sflag:s24] =	ssyncadd.s32 $0xFFFFC000  }
0x37: {  	_ =	swait.ge [sflag:s24], $0x4000  }
0x38: {  	[sflag:s24] =	ssyncset.done $0x0  }
0x39: {  	[sflag:s24] =	ssyncadd.s32 $0xFFFFC000  }
0x3a: {  	_ =	swait.ge [sflag:s24], $0x4000  }
0x3b: {  	[sflag:s24] =	ssyncset.done $0x0  }
0x3c: {  	[sflag:s24] =	ssyncadd.s32 $0xFFFFC000  }
0x3d: {  	_ =	swait.ge [sflag:s24], $0x4000  }
0x3e: {  	[sflag:s24] =	ssyncset.done $0x0  }
0x3f: {  	[sflag:s24] =	ssyncadd.s32 $0xFFFFC000  }
0x40: {  	[bflag:$0x0] =	sbarrier.arrive $0xFFFF  }
0x41: {  	[tilespmem:s21], [sflag:$0x1] =	stream.indirect.gather [hbm4b:s1+s25], $0x80, s4, s25, $0xb8;
	[tilespmem:$0x1E800] =	vst v63  }
0x42: {  	_ = 	snop  }
0x43: {  	[tilespmem:s26], [sflag:$0x2] =	stream.indirect.gather [hbm4b:s1+s25], $0x80, s25, s25, $0xb8;
	[tilespmem:$0x1E800] =	vst v63  }
0x44: {  	_ =	swait.ge [sflag:s28], $0x4000  }
0x45: {  	[sflag:s28] =	ssyncset.done $0x0  }
0x46: {  	s12 =	simm.s32 $0x1400;
	[sflag:s28] =	ssyncadd.s32 $0xFFFFC000  }
0x47: {  	[spmem:s2] =	stream.indirect.scatter.add.f32 [tilespmem:s21], [sflag:$0x3], $0x80, s12, s25, $0xb8;
	[tilespmem:$0x1E800] =	vst v63  }
0x48: {  	_ =	swait.ge [sflag:s24], $0x4000  }
0x49: {  	[sflag:s24] =	ssyncset.done $0x0  }
0x4a: {  	s11 =	simm.s32 $0x100;
	[sflag:s24] =	ssyncadd.s32 $0xFFFFC000  }
0x4b: {  	[tilespmem:s21], [sflag:$0x1] =	stream.indirect.gather [hbm4b:s1+s25], $0x80, s11, s25, $0xb8;
	[tilespmem:$0x1E800] =	vst v63  }
0x4c: {  	_ =	swait.ge [sflag:s29], $0x4000  }
0x4d: {  	[sflag:s29] =	ssyncset.done $0x0  }
0x4e: {  	s12 =	simm.s32 $0x1480;
	[sflag:s29] =	ssyncadd.s32 $0xFFFFC000  }
0x4f: {  	[spmem:s2] =	stream.indirect.scatter.add.f32 [tilespmem:s26], [sflag:$0x4], $0x80, s12, s25, $0xb8;
	[tilespmem:$0x1E800] =	vst v63  }
0x50: {  	_ =	swait.ge [sflag:s30], $0x4000  }
0x51: {  	[sflag:s30] =	ssyncset.done $0x0  }
0x52: {  	s5 =	simm.s32 $0x400;
	s11 =	simm.s32 $0x180;
	[sflag:s30] =	ssyncadd.s32 $0xFFFFC000  }
.LBB2_2:
0x53: {  	[tilespmem:s26], [sflag:$0x2] =	stream.indirect.gather [hbm4b:s1+s25], $0x80, s11, s25, $0xb8;
	[tilespmem:$0x1E800] =	vst v63  }
0x54: {  	s11 =	smov.u32 s5  }
0x55: {  	p0 =	sne.s32 s5, $0x4800;
	s5 =	sadd.s32 $0x400, s5;
	_ =	swait.ge [sflag:s28], $0x4000  }
0x56: {  	s11 =	sshra.s32 s11, $0x2;
	[sflag:s28] =	ssyncset.done $0x0  }
0x57: {  	s12 =	sadd.s32 $0x1400, s11;
	[sflag:s28] =	ssyncadd.s32 $0xFFFFC000  }
0x58: {  	[spmem:s2] =	stream.indirect.scatter.add.f32 [tilespmem:s21], [sflag:$0x3], $0x80, s12, s25, $0xb8;
	[tilespmem:$0x1E800] =	vst v63  }
0x59: {  	_ =	swait.ge [sflag:s24], $0x4000  }
0x5a: {  	[sflag:s24] =	ssyncset.done $0x0  }
0x5b: {  	s12 =	sadd.s32 $0x100, s11;
	[sflag:s24] =	ssyncadd.s32 $0xFFFFC000  }
0x5c: {  	[tilespmem:s21], [sflag:$0x1] =	stream.indirect.gather [hbm4b:s1+s25], $0x80, s12, s25, $0xb8;
	[tilespmem:$0x1E800] =	vst v63  }
0x5d: {  	_ =	swait.ge [sflag:s29], $0x4000  }
0x5e: {  	[sflag:s29] =	ssyncset.done $0x0  }
.Ltmp0:
0x5f: {  	s12 =	sadd.s32 $0x1480, s11;
	[sflag:s29] =	ssyncadd.s32 $0xFFFFC000;
	(pc) =	sbr.rel @p0 .LBB2_2-.Ltmp0, $4  }
0x60: {  	[spmem:s2] =	stream.indirect.scatter.add.f32 [tilespmem:s26], [sflag:$0x4], $0x80, s12, s25, $0xb8;
	[tilespmem:$0x1E800] =	vst v63  }
0x61: {  	_ =	swait.ge [sflag:s30], $0x4000  }
0x62: {  	[sflag:s30] =	ssyncset.done $0x0  }
0x63: {  	s11 =	sadd.s32 $0x180, s11;
	[sflag:s30] =	ssyncadd.s32 $0xFFFFC000  }
0x64: {  	[tilespmem:s26], [sflag:$0x2] =	stream.indirect.gather [hbm4b:s1+s25], $0x80, s11, s25, $0xb8;
	[tilespmem:$0x1E800] =	vst v63  }
0x65: {  	_ =	swait.ge [sflag:s28], $0x4000  }
0x66: {  	[sflag:s28] =	ssyncset.done $0x0  }
0x67: {  	[sflag:s28] =	ssyncadd.s32 $0xFFFFC000  }
0x68: {  	[spmem:s2] =	stream.indirect.scatter.add.f32 [tilespmem:s21], [sflag:$0x3], $0x80, s31, s25, $0xb8;
	[tilespmem:$0x1E800] =	vst v63  }
0x69: {  	_ =	swait.ge [sflag:s29], $0x4000  }
0x6a: {  	[sflag:s29] =	ssyncset.done $0x0  }
0x6b: {  	[sflag:s29] =	ssyncadd.s32 $0xFFFFC000  }
0x6c: {  	[spmem:s2] =	stream.indirect.scatter.add.f32 [tilespmem:s26], [sflag:$0x4], $0x80, s0, s25, $0xb8;
	[tilespmem:$0x1E800] =	vst v63  }
0x6d: {  	_ =	swait.ge [sflag:s24], $0x4000  }
0x6e: {  	[sflag:s24] =	ssyncset.done $0x0  }
0x6f: {  	[sflag:s24] =	ssyncadd.s32 $0xFFFFC000  }
0x70: {  	_ =	swait.ge [sflag:s30], $0x4000  }
0x71: {  	[sflag:s30] =	ssyncset.done $0x0  }
0x72: {  	s5 =	simm.s32 $0x0;
	[sflag:s30] =	ssyncadd.s32 $0xFFFFC000  }
0x73: {  	[tilespmem:s5], [sflag:$0x5] =	stream.linear.gather [hbm4b:s13+s5], $0x1400, $0x38;
	[tilespmem:$0x1E800] =	vst v63  }
0x74: {  	_ =	swait.ge [sflag:s22], $0x1400  }
0x75: {  	[sflag:s22] =	ssyncset.done $0x0  }
0x76: {  	[sflag:s22] =	ssyncadd.s32 $0xFFFFEC00  }
0x77: {  	[tilespmem:s23], [sflag:$0x5] =	stream.linear.gather [hbm4b:s14+s5], $0x1400, $0x38;
	[tilespmem:$0x1E800] =	vst v63  }
0x78: {  	_ =	swait.ge [sflag:s22], $0x1400  }
0x79: {  	[sflag:s22] =	ssyncset.done $0x0  }
0x7a: {  	[sflag:s22] =	ssyncadd.s32 $0xFFFFEC00  }
0x7b: {  	[tilespmem:s21], [sflag:$0x1] =	stream.indirect.gather [hbm4b:s1+s25], $0x80, s5, s25, $0xb8;
	[tilespmem:$0x1E800] =	vst v63  }
0x7c: {  	_ = 	snop  }
0x7d: {  	[tilespmem:s26], [sflag:$0x2] =	stream.indirect.gather [hbm4b:s1+s25], $0x80, s25, s25, $0xb8;
	[tilespmem:$0x1E800] =	vst v63  }
0x7e: {  	_ =	swait.ge [sflag:s28], $0x4000  }
0x7f: {  	[sflag:s28] =	ssyncset.done $0x0  }
0x80: {  	s12 =	simm.s32 $0x1400;
	[sflag:s28] =	ssyncadd.s32 $0xFFFFC000  }
0x81: {  	[spmem:s2] =	stream.indirect.scatter.add.f32 [tilespmem:s21], [sflag:$0x3], $0x80, s12, s25, $0xb8;
	[tilespmem:$0x1E800] =	vst v63  }
0x82: {  	_ =	swait.ge [sflag:s24], $0x4000  }
0x83: {  	[sflag:s24] =	ssyncset.done $0x0  }
0x84: {  	s11 =	simm.s32 $0x100;
	[sflag:s24] =	ssyncadd.s32 $0xFFFFC000  }
0x85: {  	[tilespmem:s21], [sflag:$0x1] =	stream.indirect.gather [hbm4b:s1+s25], $0x80, s11, s25, $0xb8;
	[tilespmem:$0x1E800] =	vst v63  }
0x86: {  	_ =	swait.ge [sflag:s29], $0x4000  }
0x87: {  	[sflag:s29] =	ssyncset.done $0x0  }
0x88: {  	s12 =	simm.s32 $0x1480;
	[sflag:s29] =	ssyncadd.s32 $0xFFFFC000  }
0x89: {  	[spmem:s2] =	stream.indirect.scatter.add.f32 [tilespmem:s26], [sflag:$0x4], $0x80, s12, s25, $0xb8;
	[tilespmem:$0x1E800] =	vst v63  }
0x8a: {  	_ =	swait.ge [sflag:s30], $0x4000  }
0x8b: {  	[sflag:s30] =	ssyncset.done $0x0  }
0x8c: {  	s5 =	simm.s32 $0x400;
	s11 =	simm.s32 $0x180;
	[sflag:s30] =	ssyncadd.s32 $0xFFFFC000  }
.LBB2_4:
0x8d: {  	[tilespmem:s26], [sflag:$0x2] =	stream.indirect.gather [hbm4b:s1+s25], $0x80, s11, s25, $0xb8;
	[tilespmem:$0x1E800] =	vst v63  }
0x8e: {  	s11 =	smov.u32 s5  }
0x8f: {  	p0 =	sne.s32 s5, $0x4800;
	s5 =	sadd.s32 $0x400, s5;
	_ =	swait.ge [sflag:s28], $0x4000  }
0x90: {  	s11 =	sshra.s32 s11, $0x2;
	[sflag:s28] =	ssyncset.done $0x0  }
0x91: {  	s12 =	sadd.s32 $0x1400, s11;
	[sflag:s28] =	ssyncadd.s32 $0xFFFFC000  }
0x92: {  	[spmem:s2] =	stream.indirect.scatter.add.f32 [tilespmem:s21], [sflag:$0x3], $0x80, s12, s25, $0xb8;
	[tilespmem:$0x1E800] =	vst v63  }
0x93: {  	_ =	swait.ge [sflag:s24], $0x4000  }
0x94: {  	[sflag:s24] =	ssyncset.done $0x0  }
0x95: {  	s12 =	sadd.s32 $0x100, s11;
	[sflag:s24] =	ssyncadd.s32 $0xFFFFC000  }
0x96: {  	[tilespmem:s21], [sflag:$0x1] =	stream.indirect.gather [hbm4b:s1+s25], $0x80, s12, s25, $0xb8;
	[tilespmem:$0x1E800] =	vst v63  }
0x97: {  	_ =	swait.ge [sflag:s29], $0x4000  }
0x98: {  	[sflag:s29] =	ssyncset.done $0x0  }
.Ltmp1:
0x99: {  	s12 =	sadd.s32 $0x1480, s11;
	[sflag:s29] =	ssyncadd.s32 $0xFFFFC000;
	(pc) =	sbr.rel @p0 .LBB2_4-.Ltmp1, $4  }
0x9a: {  	[spmem:s2] =	stream.indirect.scatter.add.f32 [tilespmem:s26], [sflag:$0x4], $0x80, s12, s25, $0xb8;
	[tilespmem:$0x1E800] =	vst v63  }
0x9b: {  	_ =	swait.ge [sflag:s30], $0x4000  }
0x9c: {  	[sflag:s30] =	ssyncset.done $0x0  }
0x9d: {  	s11 =	sadd.s32 $0x180, s11;
	[sflag:s30] =	ssyncadd.s32 $0xFFFFC000  }
0x9e: {  	[tilespmem:s26], [sflag:$0x2] =	stream.indirect.gather [hbm4b:s1+s25], $0x80, s11, s25, $0xb8;
	[tilespmem:$0x1E800] =	vst v63  }
0x9f: {  	_ =	swait.ge [sflag:s28], $0x4000  }
0xa0: {  	[sflag:s28] =	ssyncset.done $0x0  }
0xa1: {  	[sflag:s28] =	ssyncadd.s32 $0xFFFFC000  }
0xa2: {  	[spmem:s2] =	stream.indirect.scatter.add.f32 [tilespmem:s21], [sflag:$0x3], $0x80, s31, s25, $0xb8;
	[tilespmem:$0x1E800] =	vst v63  }
0xa3: {  	_ =	swait.ge [sflag:s29], $0x4000  }
0xa4: {  	[sflag:s29] =	ssyncset.done $0x0  }
0xa5: {  	[sflag:s29] =	ssyncadd.s32 $0xFFFFC000  }
0xa6: {  	[spmem:s2] =	stream.indirect.scatter.add.f32 [tilespmem:s26], [sflag:$0x4], $0x80, s0, s25, $0xb8;
	[tilespmem:$0x1E800] =	vst v63  }
0xa7: {  	_ =	swait.ge [sflag:s24], $0x4000  }
0xa8: {  	[sflag:s24] =	ssyncset.done $0x0  }
0xa9: {  	[sflag:s24] =	ssyncadd.s32 $0xFFFFC000  }
0xaa: {  	_ =	swait.ge [sflag:s30], $0x4000  }
0xab: {  	[sflag:s30] =	ssyncset.done $0x0  }
0xac: {  	[sflag:s30] =	ssyncadd.s32 $0xFFFFC000  }
0xad: {  	[bflag:$0x0] =	sbarrier.arrive $0xFFFF  }
0xae: {  	[tilespmem:s21], [sflag:$0x1] =	stream.linear.gather [spmem:s6], $0x4000, $0x38;
	[tilespmem:$0x1E800] =	vst v63  }
0xaf: {  	_ =	swait.ge [sflag:s28], $0x4000  }
0xb0: {  	[sflag:s28] =	ssyncset.done $0x0  }
0xb1: {  	[sflag:s28] =	ssyncadd.s32 $0xFFFFC000  }
0xb2: {  	[tilespmem:s26], [sflag:$0x2] =	stream.linear.gather [spmem:s7], $0x4000, $0x38;
	[tilespmem:$0x1E800] =	vst v63  }
0xb3: {  	_ = 	snop  }
0xb4: {  	[hbm4b:s15+s4] =	stream.linear.scatter [tilespmem:s21], [sflag:$0x3], $0x4000, $0x38;
	[tilespmem:$0x1E800] =	vst v63  }
0xb5: {  	_ =	swait.ge [sflag:s29], $0x4000  }
0xb6: {  	[sflag:s29] =	ssyncset.done $0x0  }
0xb7: {  	[sflag:s29] =	ssyncadd.s32 $0xFFFFC000  }
0xb8: {  	_ =	swait.ge [sflag:s24], $0x4000  }
0xb9: {  	[sflag:s24] =	ssyncset.done $0x0  }
0xba: {  	[sflag:s24] =	ssyncadd.s32 $0xFFFFC000  }
0xbb: {  	[tilespmem:s21], [sflag:$0x1] =	stream.linear.gather [spmem:s8], $0x4000, $0x38;
	[tilespmem:$0x1E800] =	vst v63  }
0xbc: {  	_ = 	snop  }
0xbd: {  	[hbm4b:s16+s4] =	stream.linear.scatter [tilespmem:s26], [sflag:$0x4], $0x4000, $0x38;
	[tilespmem:$0x1E800] =	vst v63  }
0xbe: {  	_ =	swait.ge [sflag:s28], $0x4000  }
0xbf: {  	[sflag:s28] =	ssyncset.done $0x0  }
0xc0: {  	[sflag:s28] =	ssyncadd.s32 $0xFFFFC000  }
0xc1: {  	_ =	swait.ge [sflag:s30], $0x4000  }
0xc2: {  	[sflag:s30] =	ssyncset.done $0x0  }
0xc3: {  	[sflag:s30] =	ssyncadd.s32 $0xFFFFC000  }
0xc4: {  	[tilespmem:s26], [sflag:$0x2] =	stream.linear.gather [spmem:s9], $0x4000, $0x38;
	[tilespmem:$0x1E800] =	vst v63  }
0xc5: {  	_ = 	snop  }
0xc6: {  	[hbm4b:s17+s4] =	stream.linear.scatter [tilespmem:s21], [sflag:$0x3], $0x4000, $0x38;
	[tilespmem:$0x1E800] =	vst v63  }
0xc7: {  	_ =	swait.ge [sflag:s29], $0x4000  }
0xc8: {  	[sflag:s29] =	ssyncset.done $0x0  }
0xc9: {  	[sflag:s29] =	ssyncadd.s32 $0xFFFFC000  }
0xca: {  	_ =	swait.ge [sflag:s24], $0x4000  }
0xcb: {  	[sflag:s24] =	ssyncset.done $0x0  }
0xcc: {  	[sflag:s24] =	ssyncadd.s32 $0xFFFFC000  }
0xcd: {  	[tilespmem:s21], [sflag:$0x1] =	stream.linear.gather [spmem:s10], $0x4000, $0x38;
	[tilespmem:$0x1E800] =	vst v63  }
0xce: {  	_ = 	snop  }
0xcf: {  	[hbm4b:s18+s4] =	stream.linear.scatter [tilespmem:s26], [sflag:$0x4], $0x4000, $0x38;
	[tilespmem:$0x1E800] =	vst v63  }
0xd0: {  	_ =	swait.ge [sflag:s28], $0x4000  }
0xd1: {  	[sflag:s28] =	ssyncset.done $0x0  }
0xd2: {  	s3 =	sadd.s32 $0x1, s3;
	[sflag:s28] =	ssyncadd.s32 $0xFFFFC000  }
0xd3: {  	[hbm4b:s19+s4] =	stream.linear.scatter [tilespmem:s21], [sflag:$0x3], $0x4000, $0x38;
	[tilespmem:$0x1E800] =	vst v63  }
0xd4: {  	p0 =	sne.s32 s3, s20;
	_ =	swait.ge [sflag:s24], $0x4000  }
.Ltmp2:
0xd5: {  	[sflag:s24] =	ssyncset.done $0x0;
	(pc) =	sbr.rel @p0 .LBB2_1-.Ltmp2, $4  }
0xd6: {  	[sflag:s24] =	ssyncadd.s32 $0xFFFFC000  }
0xd7: {  	_ =	swait.ge [sflag:s30], $0x4000  }
0xd8: {  	[sflag:s30] =	ssyncset.done $0x0  }
0xd9: {  	[sflag:s30] =	ssyncadd.s32 $0xFFFFC000  }
0xda: {  	_ =	sfence.sel $0x180000  }
0xdb: {  	[bflag:$0x0] =	sbarrier.arrive $0xFFFF  }
0xdc: {  	_ =	strace $0x9000004A  }
0xdd: {  	s0 =	stileid.u32;
	[bflag:$0x2] =	sbarrier.arrive $0xFFFF  }
0xde: {  	p0 =	sne.s32 s0, $0x0;
	s0 =	rddreg [dreg:$0x3]  }
0xdf: {  	s0 =	sadd.s32 @!p0 $0x100000, s0  }
0xe0: {  	[sflag:s0] =	ssyncadd.tile.s32 @!p0 $0x1;
	_ =	shalt  }
.Lfunc_end2:
_tile_overlayer_lowered:
.L_overlay_start_2:
0xe1: {  	(tag) =	ssettag $0x2  }
0xe2: {  	s0 =	rddreg [dreg:$0x0];
	s2 =	stileid.u32  }
0xe3: {  	s1 =	rddreg [dreg:$0x1];
	p0 =	sne.s32 s2, $0x0  }
0xe4: {  	s3 =	rddreg [dreg:$0x2];
	[bflag:$0x3] =	sbarrier.arrive $0xFFFF;
	s2 =	simm.s32 @!p0 $0x1C05  }
0xe5: {  	[timem:s3], [sflag:s2] =	dma.local @!p0 [hbm:s0], s1  }
0xe6: {  	s0 =	simm.s32 @!p0 $0x5  }
0xe7: {  	_ =	swait.ge @!p0 [sflag:s0], s1  }
0xe8: {  	s1 =	ssub.s32 @!p0 $0x0, s1;
	[sflag:s0] =	ssyncset.done @!p0 $0x0  }
0xe9: {  	[sflag:s0] =	ssyncadd.s32 @!p0 s1  }
0xea: {  	[bflag:$0x3] =	sbarrier.arrive $0xFFFF  }
0xeb: {  	_ =	shalt  }

// kernel: _run.14.cloned.1.call-start
scs
__scs_entry_jumppad:
0x0: {  	(pc) =	sbr.rel $0x88, $3  }
0x1: {  	(tag) =	ssettag $0x0;
	lr =	simm.s32 $0x1  }
0x2: {  	[smem:$0x3F99] =	sst lr;
	_ =	strace $0xD0000000  }
0x3: {  	_ = 	snop  }
0x4: {  	_ = 	snop  }
0x5: {  	_ = 	snop  }
0x6: {  	_ = 	snop  }
0x7: {  	_ = 	snop  }
__scs_overlays_trampoline_lowered:
0x8: {  	[smem:$0x3FA8] =	sst s0  }
0x9: {  	[smem:$0x3FA9] =	sst s1  }
0xa: {  	[smem:$0x3FAA] =	sst s2  }
0xb: {  	[smem:$0x3FAB] =	sst s3  }
0xc: {  	[smem:$0x3FAC] =	sst s4  }
0xd: {  	[smem:$0x3FAD] =	sst s5  }
0xe: {  	[smem:$0x3FAE] =	sst s6  }
0xf: {  	[smem:$0x3FAF] =	sst s7  }
0x10: {  	[smem:$0x3FB0] =	sst s8  }
0x11: {  	[smem:$0x3FB1] =	sst s9;
	s0 =	simm.s32 @!p0 $0x0  }
0x12: {  	s1 =	sld [smem:$0x3F97];
	s0 =	simm.s32 @p0 $0x1  }
0x13: {  	[smem:$0x3FB2] =	sst s0;
	s0 =	simm.s32 @!p1 $0x0  }
0x14: {  	s2 =	sld [smem:$0x3F96];
	s0 =	simm.s32 @p1 $0x1  }
0x15: {  	[smem:$0x3FB3] =	sst s0;
	s0 =	simm.s32 @!p2 $0x0  }
0x16: {  	s3 =	sld [smem:$0x3FDB];
	s0 =	simm.s32 @p2 $0x1  }
0x17: {  	s4 =	simm.s32 $0x1BF5;
	[smem:$0x3FB5] =	sst s0  }
0x18: {  	s0 =	sld [smem:$0x3F98];
	_ =	swait.ge [sflag:s4], $0x0  }
0x19: {  	s7 =	sld [smem:$0x3F99]  }
0x1a: {  	s8 =	sadd.s32 $0xFFFFE003, lr  }
0x1b: {  	s9 =	sadd.s32 $0xFFFFFEF7, lr;
	s5 =	simm.s32 $0xFFFFFFFF;
	p2 =	slt.u32 s8, $0xFFFFF086  }
0x1c: {  	p1 =	slt.u32 s9, $0xF7A;
	s5 =	simm.s32 @!p2 $0x0  }
0x1d: {  	s5 =	simm.s32 @p1 $0x1;
	p0 =	seq.s32 s7, s2  }
0x1e: {  	s7 =	smul.u32 @!p0 $0xF7A, s2;
	p2 =	seq.s32 @!p0 s5, $0x0  }
0x1f: {  	s9 =	smul.u32 $0xF7A, s1;
	s8 =	simm.s32 @!p0 $0x1BF5;
	p2 =	por !p2, p0  }
0x20: {  	[sflag:s8] =	ssyncset.s32 @!p0 $0xFFFFF086;
	s6 =	sadd.s32 @!p0 s3, s7;
	s7 =	simm.s32 @!p0 $0x108  }
0x21: {  	s3 =	sadd.s32 s3, s9;
	s6 =	sadd.s32 @!p0 $0x88, s6;
	s7 =	simm.s32 @p2 $0x1082  }
0x22: {  	[simem:s7], [sflag:s8] =	dma.local @!p0 [hbm:s6], $0xF7A  }
0x23: {  	s9 =	sor.u32 $0xD0000000, s2;
	s6 =	simm.s32 $0x108;
	_ =	swait.ge @!p0 [sflag:s8], $0x0  }
0x24: {  	s3 =	sadd.s32 $0x88, s3;
	s6 =	simm.s32 @!p1 $0x1082;
	[sflag:s4] =	ssyncset.s32 $0xFFFFF086  }
0x25: {  	[simem:s6], [sflag:s4] =	dma.local [hbm:s3], $0xF7A  }
0x26: {  	[smem:$0x3F99] =	sst s1;
	(tag) =	ssettag s2;
	_ =	strace s9  }
0x27: {  	s1 =	sld [smem:$0x3FA9]  }
0x28: {  	s2 =	sld [smem:$0x3FAA]  }
0x29: {  	s4 =	sld [smem:$0x3FAC]  }
0x2a: {  	p0 =	seq.s32 s5, $0x0;
	s5 =	sld [smem:$0x3FAD]  }
0x2b: {  	s6 =	sld [smem:$0x3FAE]  }
0x2c: {  	s7 =	sld [smem:$0x3FAF]  }
0x2d: {  	s3 =	simm.s32 $0x108;
	s8 =	sld [smem:$0x3FB0]  }
0x2e: {  	s3 =	simm.s32 @!p0 $0x1082;
	s9 =	sld [smem:$0x3FB1]  }
0x2f: {  	lr =	sadd.s32 s0, s3;
	s0 =	sld [smem:$0x3FA8]  }
0x30: {  	s3 =	sld [smem:$0x3FAB]  }
0x31: {  	[smem:$0x3FB4] =	sst s10  }
0x32: {  	s10 =	sld [smem:$0x3FB2];
	_ =	sdelay $0x3  }
0x33: {  	p0 =	seq.s32 s10, $0x1;
	s10 =	sld [smem:$0x3FB4];
	_ =	sdelay $0x3  }
0x34: {  	[smem:$0x3FB4] =	sst s10  }
0x35: {  	s10 =	sld [smem:$0x3FB3];
	_ =	sdelay $0x3  }
0x36: {  	p1 =	seq.s32 s10, $0x1;
	s10 =	sld [smem:$0x3FB4];
	_ =	sdelay $0x3  }
0x37: {  	[smem:$0x3FB4] =	sst s10  }
0x38: {  	s10 =	sld [smem:$0x3FB5]  }
0x39: {  	_ = 	snop;
	(pc) =	sbr.ind lr, $3  }
0x3a: {  	_ = 	snop  }
0x3b: {  	_ = 	snop  }
0x3c: {  	p2 =	seq.s32 s10, $0x1;
	s10 =	sld [smem:$0x3FB4]  }
0x3d: {  	_ =	shalt  }
0x3e: {  	_ =	shalt  }
0x3f: {  	_ =	shalt  }
0x40: {  	_ =	shalt  }
0x41: {  	_ =	shalt  }
0x42: {  	_ =	shalt  }
0x43: {  	_ =	shalt  }
0x44: {  	_ =	shalt  }
0x45: {  	_ =	shalt  }
0x46: {  	_ =	shalt  }
0x47: {  	_ =	shalt  }
0x48: {  	_ =	shalt  }
0x49: {  	_ =	shalt  }
0x4a: {  	_ =	shalt  }
0x4b: {  	_ =	shalt  }
0x4c: {  	_ =	shalt  }
0x4d: {  	_ =	shalt  }
0x4e: {  	_ =	shalt  }
0x4f: {  	_ =	shalt  }
0x50: {  	_ =	shalt  }
0x51: {  	_ =	shalt  }
0x52: {  	_ =	shalt  }
0x53: {  	_ =	shalt  }
0x54: {  	_ =	shalt  }
0x55: {  	_ =	shalt  }
0x56: {  	_ =	shalt  }
0x57: {  	_ =	shalt  }
0x58: {  	_ =	shalt  }
0x59: {  	_ =	shalt  }
0x5a: {  	_ =	shalt  }
0x5b: {  	_ =	shalt  }
0x5c: {  	_ =	shalt  }
0x5d: {  	_ =	shalt  }
0x5e: {  	_ =	shalt  }
0x5f: {  	_ =	shalt  }
0x60: {  	_ =	shalt  }
0x61: {  	_ =	shalt  }
0x62: {  	_ =	shalt  }
0x63: {  	_ =	shalt  }
0x64: {  	_ =	shalt  }
0x65: {  	_ =	shalt  }
0x66: {  	_ =	shalt  }
0x67: {  	_ =	shalt  }
0x68: {  	_ =	shalt  }
0x69: {  	_ =	shalt  }
0x6a: {  	_ =	shalt  }
0x6b: {  	_ =	shalt  }
0x6c: {  	_ =	shalt  }
0x6d: {  	_ =	shalt  }
0x6e: {  	_ =	shalt  }
0x6f: {  	_ =	shalt  }
0x70: {  	_ =	shalt  }
0x71: {  	_ =	shalt  }
0x72: {  	_ =	shalt  }
0x73: {  	_ =	shalt  }
0x74: {  	_ =	shalt  }
0x75: {  	_ =	shalt  }
0x76: {  	_ =	shalt  }
0x77: {  	_ =	shalt  }
0x78: {  	_ =	shalt  }
0x79: {  	_ =	shalt  }
0x7a: {  	_ =	shalt  }
0x7b: {  	_ =	shalt  }
0x7c: {  	_ =	shalt  }
0x7d: {  	_ =	shalt  }
0x7e: {  	_ =	shalt  }
0x7f: {  	_ =	shalt  }
0x80: {  	_ =	shalt  }
0x81: {  	_ =	shalt  }
0x82: {  	_ =	shalt  }
0x83: {  	_ =	shalt  }
0x84: {  	_ =	shalt  }
0x85: {  	_ =	shalt  }
0x86: {  	_ =	shalt  }
0x87: {  	_ =	shalt  }
.Lfunc_end0:
.L_simem_size_0:
called_computation.2_lowered:
.L_overlay_start_0:
0x88: {  	s2 =	sld [smem:$0x3FD9]  }
0x89: {  	s3 =	sld [smem:$0x3FFE];
	_ =	sdelay $0x1  }
0x8a: {  	s1 =	srdreg.scid  }
0x8b: {  	s0 =	sand.u32 $0x1, s1  }
0x8c: {  	s17 =	sshll.u32 s0, $0xA;
	s2 =	sadd.s32 s3, s2  }
0x8d: {  	s2 =	sadd.s32 s2, s17  }
0x8e: {  	[smem:$0x3FC0] =	sst s2  }
0x8f: {  	_ = 	snop  }
0x90: {  	s2 =	sld [smem:$0x3FD0];
	(tm) =	ssettm $0x1  }
0x91: {  	s18 =	sld [smem:$0x3FFB];
	_ =	sdelay $0x3  }
0x92: {  	_ =	strace s18  }
0x93: {  	s3 =	sld [smem:$0x3FFC];
	_ =	sdelay $0x3  }
0x94: {  	_ =	strace s3  }
0x95: {  	s3 =	sld [smem:$0x3FFD];
	_ =	sdelay $0x3  }
0x96: {  	_ =	strace s3  }
0x97: {  	_ =	strace $0x8FFFFFFF  }
0x98: {  	s19 =	sld [smem:$0x3FDB];
	_ =	sdelay $0x1  }
0x99: {  	s4 =	simm.s32 $_scs_section_size  }
0x9a: {  	s5 =	simm.s32 $_size__tile_overlayer_lowered;
	s6 =	simm.s32 $_tile_overlayer_lowered  }
0x9b: {  	s22 =	simm.s32 $0x1BFF;
	s21 =	sshll.u32 s6, $0x1;
	s3 =	sadd.s32 s4, s19  }
0x9c: {  	s7 =	simm.s32 $0x0;
	s20 =	sshll.u32 s5, $0x1;
	s5 =	sadd.s32 s21, s3  }
0x9d: {  	[timem:s7], [sflag:s22] =	dma.local [hbm:s5], s20  }
0x9e: {  	_ =	swait.ge [sflag:s22], s20  }
0x9f: {  	s4 =	ssub.s32 $0x0, s20;
	[sflag:s22] =	ssyncset.done $0x0  }
0xa0: {  	[sflag:s22] =	ssyncadd.s32 s4;
	_ =	sdelay $0x1  }
0xa1: {  	s23 =	simm.s32 $0x1B8B  }
0xa2: {  	_ =	swait.ge [sflag:s23], $0x1  }
0xa3: {  	[sflag:s23] =	ssyncset.done $0x0  }
0xa4: {  	s25 =	simm.s32 $0x1B8E;
	s24 =	sld [smem:$0x3FFE];
	[sflag:s23] =	ssyncadd.s32 $0xFFFFFFFF  }
0xa5: {  	s26 =	simm.s32 $execute0_lowered;
	[smem:$0x3FD2] =	sst s25  }
0xa6: {  	s5 =	sshll.u32 s26, $0x1;
	_ =	strace $0x8000004C;
	[dreg:$0x1] =	wrdreg $0xFFFFFFFF  }
0xa7: {  	s28 =	simm.s32 $_size_execute0_lowered;
	s3 =	sadd.s32 s3, s5;
	[dreg:$0x0] =	wrdreg $0x0  }
0xa8: {  	s5 =	sshll.u32 s28, $0x1;
	[dreg:$0x2] =	wrdreg s3  }
0xa9: {  	[dreg:$0x3] =	wrdreg s5  }
0xaa: {  	[dreg:$0x4] =	wrdreg $0xC0  }
0xab: {  	_ =	task [dreg:s7], $0x5FFFF  }
0xac: {  	[dreg:$0x1] =	wrdreg $0xFFFFFFFF  }
0xad: {  	[dreg:$0x0] =	wrdreg $0x60  }
0xae: {  	[dreg:$0x2] =	wrdreg s2  }
0xaf: {  	[dreg:$0x3] =	wrdreg s24  }
0xb0: {  	[dreg:$0x4] =	wrdreg $0xA8000  }
0xb1: {  	[dreg:$0x5] =	wrdreg $0x9  }
0xb2: {  	_ =	task.clear_ibuf [dreg:s7], $0x6FFFF;
	_ =	strace $0x9000004C  }
0xb3: {  	s29 =	simm.s32 $0x9;
	_ =	strace $0x8000004E  }
0xb4: {  	_ =	swait.ge [sflag:s29], $0x1  }
0xb5: {  	[sflag:s29] =	ssyncadd.s32 $0xFFFFFFFF  }
0xb6: {  	_ =	strace $0x9000004E  }
0xb7: {  	_ =	sfence  }
0xb8: {  	s30 =	sld [smem:$0x0];
	_ =	sdelay $0x2  }
0xb9: {  	s31 =	sshll.u32 s1, $0xD;
	s1 =	sshrl.u32 s1, $0x2  }
0xba: {  	s3 =	sand.u32 $0x4000, s31;
	s1 =	sadd.s32 s1, s30  }
0xbb: {  	s0 =	sor.u32 s3, s0;
	s1 =	sshll.u32 s1, $0x11  }
0xbc: {  	s0 =	sor.u32 s1, s0  }
0xbd: {  	s0 =	sadd.s32 $0x8F2B, s0  }
0xbe: {  	[sflag:s0] =	ssyncadd.remote.s32 $0x1  }
0xbf: {  	_ =	sfence.sel $0xFFFF  }
0xc0: {  	[dreg:$0x0] =	wrdreg $0xFFFFFFFF;
	(pc) =	sbr.abs _section_cstart, $3  }
0xc1: {  	[dreg:$0x1] =	wrdreg $0xFFFFFFFF  }
0xc2: {  	_ =	task.clear_ibuf [dreg:s7], $0x2FFFF;
	_ =	strace $0x9FFFFFFF  }
0xc3: {  	(tm) =	ssettm $0x7FFFFFFF  }
tec
execute0_lowered:
.L_overlay_start_1:
0x0: {  	(tag) =	ssettag $0x1  }
0x1: {  	s1 =	rddreg [dreg:$0x0]  }
0x2: {  	s0 =	rddreg [dreg:$0x1]  }
0x3: {  	s2 =	rddreg [dreg:$0x2]  }
0x4: {  	s4 =	simm.s32 $0x0;
	s3 =	srdreg.scid;
	s9 =	stileid.u32  }
0x5: {  	s28 =	simm.s32 $0x1;
	s29 =	simm.s32 $0x2;
	s30 =	simm.s32 $0x4  }
0x6: {  	s31 =	simm.s32 $0x2700;
	[smem:$0x7FF] =	sst s4;
	s3 =	sand.u32 $0x1, s3  }
0x7: {  	s5 =	sadd.s32 $0xCC00, s0;
	s7 =	smul.u32 $0x50000, s9;
	s11 =	sadd.s32 $0x2C00, s0  }
0x8: {  	s14 =	smul.u32 $0x14000, s9;
	s10 =	sadd.s32 $0x16C00, s0;
	s0 =	sadd.s32 $0x17400, s0  }
0x9: {  	_ =	strace $0x8000004D;
	s6 =	ssub.s32 $0x2, s3;
	[dreg:$0x4] =	wrdreg s10  }
0xa: {  	s18 =	sshll.u32 s3, $0x4;
	s3 =	smul.u32 $0x140000, s3;
	s8 =	sshrl.u32 s6, $0x1  }
0xb: {  	s7 =	sshrl.u32 s7, $0x2;
	s15 =	sadd.s32 $0x4000, s14;
	s19 =	sor.u32 s9, s18  }
0xc: {  	s17 =	sadd.s32 $0x8000, s14;
	s18 =	sadd.s32 $0xC000, s14;
	s20 =	ssub.s32 s6, s8  }
0xd: {  	s6 =	sadd.s32 s7, s2;
	s7 =	sadd.s32 s15, s2;
	s12 =	smul.u32 $0x2800, s19  }
0xe: {  	s8 =	sadd.s32 s17, s2;
	s9 =	sadd.s32 s18, s2;
	s19 =	sadd.s32 $0x10000, s14  }
0xf: {  	s22 =	sadd.s32 s14, s3;
	s15 =	sadd.s32 s3, s15;
	s24 =	sadd.s32 s3, s17  }
0x10: {  	s25 =	sadd.s32 s3, s18;
	s10 =	sadd.s32 s19, s2;
	s23 =	sshrl.u32 s15, $0x3  }
0x11: {  	s3 =	sadd.s32 s3, s19;
	s26 =	sshrl.u32 s25, $0x3;
	s20 =	smax.u32 s20, $0x1  }
0x12: {  	s25 =	simm.s32 $0x80;
	s13 =	sshrl.u32 s12, $0x3;
	s3 =	sshrl.u32 s3, $0x3  }
0x13: {  	s18 =	sadd.s32 s0, s26;
	s26 =	simm.s32 $0x6800;
	s12 =	sadd.s32 s5, s13  }
0x14: {  	s21 =	sadd.s32 s11, s13;
	s16 =	sadd.s32 $0x280, s13;
	[dreg:$0x5] =	wrdreg s12  }
0x15: {  	s19 =	sadd.s32 s0, s3;
	s3 =	simm.s32 $0x0;
	[dreg:$0x6] =	wrdreg s21  }
0x16: {  	s13 =	sadd.s32 s5, s16;
	s14 =	sadd.s32 s11, s16;
	s5 =	sshrl.u32 s22, $0x3  }
0x17: {  	s16 =	sadd.s32 s0, s23;
	s21 =	simm.s32 $0x2800;
	s22 =	simm.s32 $0x5  }
0x18: {  	s23 =	simm.s32 $0x1400;
	s15 =	sadd.s32 s0, s5;
	s5 =	sshrl.u32 s24, $0x3  }
0x19: {  	s24 =	simm.s32 $0x3;
	s17 =	sadd.s32 s0, s5;
	s0 =	simm.s32 $0x2780  }
.LBB2_1:
0x1a: {  	s5 =	rddreg [dreg:$0x4]  }
0x1b: {  	[tilespmem:s21], [sflag:$0x5] =	stream.linear.gather [hbm4b:s5+s4], $0x4000, $0x38;
	[tilespmem:$0x1E800] =	vst v63  }
0x1c: {  	_ =	swait.ge [sflag:s22], $0x4000  }
0x1d: {  	[sflag:s22] =	ssyncset.done $0x0  }
0x1e: {  	[sflag:s22] =	ssyncadd.s32 $0xFFFFC000  }
0x1f: {  	[spmem:s6] =	stream.linear.scatter [tilespmem:s21], [sflag:$0x3], $0x4000, $0x38;
	[tilespmem:$0x1E800] =	vst v63  }
0x20: {  	_ = 	snop  }
0x21: {  	[spmem:s7] =	stream.linear.scatter [tilespmem:s21], [sflag:$0x3], $0x4000, $0x38;
	[tilespmem:$0x1E800] =	vst v63  }
0x22: {  	_ = 	snop  }
0x23: {  	[spmem:s8] =	stream.linear.scatter [tilespmem:s21], [sflag:$0x3], $0x4000, $0x38;
	[tilespmem:$0x1E800] =	vst v63  }
0x24: {  	_ = 	snop  }
0x25: {  	[spmem:s9] =	stream.linear.scatter [tilespmem:s21], [sflag:$0x3], $0x4000, $0x38;
	[tilespmem:$0x1E800] =	vst v63  }
0x26: {  	_ = 	snop  }
0x27: {  	[spmem:s10] =	stream.linear.scatter [tilespmem:s21], [sflag:$0x3], $0x4000, $0x38;
	[tilespmem:$0x1E800] =	vst v63  }
0x28: {  	s12 =	rddreg [dreg:$0x5]  }
0x29: {  	[tilespmem:s4], [sflag:$0x5] =	stream.linear.gather [hbm4b:s12+s4], $0x1400, $0x38;
	[tilespmem:$0x1E800] =	vst v63  }
0x2a: {  	_ =	swait.ge [sflag:s22], $0x1400  }
0x2b: {  	[sflag:s22] =	ssyncset.done $0x0  }
0x2c: {  	s11 =	rddreg [dreg:$0x6];
	[sflag:s22] =	ssyncadd.s32 $0xFFFFEC00  }
0x2d: {  	[tilespmem:s23], [sflag:$0x5] =	stream.linear.gather [hbm4b:s11+s4], $0x1400, $0x38;
	[tilespmem:$0x1E800] =	vst v63  }
0x2e: {  	_ =	swait.ge [sflag:s22], $0x1400  }
0x2f: {  	[sflag:s22] =	ssyncset.done $0x0  }
0x30: {  	[sflag:s22] =	ssyncadd.s32 $0xFFFFEC00  }
0x31: {  	_ =	swait.ge [sflag:s24], $0x4000  }
0x32: {  	[sflag:s24] =	ssyncset.done $0x0  }
0x33: {  	[sflag:s24] =	ssyncadd.s32 $0xFFFFC000  }
0x34: {  	_ =	swait.ge [sflag:s24], $0x4000  }
0x35: {  	[sflag:s24] =	ssyncset.done $0x0  }
0x36: {  	[sflag:s24] =	ssyncadd.s32 $0xFFFFC000  }
0x37: {  	_ =	swait.ge [sflag:s24], $0x4000  }
0x38: {  	[sflag:s24] =	ssyncset.done $0x0  }
0x39: {  	[sflag:s24] =	ssyncadd.s32 $0xFFFFC000  }
0x3a: {  	_ =	swait.ge [sflag:s24], $0x4000  }
0x3b: {  	[sflag:s24] =	ssyncset.done $0x0  }
0x3c: {  	[sflag:s24] =	ssyncadd.s32 $0xFFFFC000  }
0x3d: {  	_ =	swait.ge [sflag:s24], $0x4000  }
0x3e: {  	[sflag:s24] =	ssyncset.done $0x0  }
0x3f: {  	[sflag:s24] =	ssyncadd.s32 $0xFFFFC000  }
0x40: {  	[bflag:$0x0] =	sbarrier.arrive $0xFFFF  }
0x41: {  	[tilespmem:s21], [sflag:$0x1] =	stream.indirect.gather [hbm4b:s1+s25], $0x80, s4, s25, $0xb8;
	[tilespmem:$0x1E800] =	vst v63  }
0x42: {  	_ = 	snop  }
0x43: {  	[tilespmem:s26], [sflag:$0x2] =	stream.indirect.gather [hbm4b:s1+s25], $0x80, s25, s25, $0xb8;
	[tilespmem:$0x1E800] =	vst v63  }
0x44: {  	_ =	swait.ge [sflag:s28], $0x4000  }
0x45: {  	[sflag:s28] =	ssyncset.done $0x0  }
0x46: {  	s12 =	simm.s32 $0x1400;
	[sflag:s28] =	ssyncadd.s32 $0xFFFFC000  }
0x47: {  	[spmem:s2] =	stream.indirect.scatter.add.f32 [tilespmem:s21], [sflag:$0x3], $0x80, s12, s25, $0xb8;
	[tilespmem:$0x1E800] =	vst v63  }
0x48: {  	_ =	swait.ge [sflag:s24], $0x4000  }
0x49: {  	[sflag:s24] =	ssyncset.done $0x0  }
0x4a: {  	s11 =	simm.s32 $0x100;
	[sflag:s24] =	ssyncadd.s32 $0xFFFFC000  }
0x4b: {  	[tilespmem:s21], [sflag:$0x1] =	stream.indirect.gather [hbm4b:s1+s25], $0x80, s11, s25, $0xb8;
	[tilespmem:$0x1E800] =	vst v63  }
0x4c: {  	_ =	swait.ge [sflag:s29], $0x4000  }
0x4d: {  	[sflag:s29] =	ssyncset.done $0x0  }
0x4e: {  	s12 =	simm.s32 $0x1480;
	[sflag:s29] =	ssyncadd.s32 $0xFFFFC000  }
0x4f: {  	[spmem:s2] =	stream.indirect.scatter.add.f32 [tilespmem:s26], [sflag:$0x4], $0x80, s12, s25, $0xb8;
	[tilespmem:$0x1E800] =	vst v63  }
0x50: {  	_ =	swait.ge [sflag:s30], $0x4000  }
0x51: {  	[sflag:s30] =	ssyncset.done $0x0  }
0x52: {  	s5 =	simm.s32 $0x400;
	s11 =	simm.s32 $0x180;
	[sflag:s30] =	ssyncadd.s32 $0xFFFFC000  }
.LBB2_2:
0x53: {  	[tilespmem:s26], [sflag:$0x2] =	stream.indirect.gather [hbm4b:s1+s25], $0x80, s11, s25, $0xb8;
	[tilespmem:$0x1E800] =	vst v63  }
0x54: {  	s11 =	smov.u32 s5  }
0x55: {  	p0 =	sne.s32 s5, $0x4800;
	s5 =	sadd.s32 $0x400, s5;
	_ =	swait.ge [sflag:s28], $0x4000  }
0x56: {  	s11 =	sshra.s32 s11, $0x2;
	[sflag:s28] =	ssyncset.done $0x0  }
0x57: {  	s12 =	sadd.s32 $0x1400, s11;
	[sflag:s28] =	ssyncadd.s32 $0xFFFFC000  }
0x58: {  	[spmem:s2] =	stream.indirect.scatter.add.f32 [tilespmem:s21], [sflag:$0x3], $0x80, s12, s25, $0xb8;
	[tilespmem:$0x1E800] =	vst v63  }
0x59: {  	_ =	swait.ge [sflag:s24], $0x4000  }
0x5a: {  	[sflag:s24] =	ssyncset.done $0x0  }
0x5b: {  	s12 =	sadd.s32 $0x100, s11;
	[sflag:s24] =	ssyncadd.s32 $0xFFFFC000  }
0x5c: {  	[tilespmem:s21], [sflag:$0x1] =	stream.indirect.gather [hbm4b:s1+s25], $0x80, s12, s25, $0xb8;
	[tilespmem:$0x1E800] =	vst v63  }
0x5d: {  	_ =	swait.ge [sflag:s29], $0x4000  }
0x5e: {  	[sflag:s29] =	ssyncset.done $0x0  }
.Ltmp0:
0x5f: {  	s12 =	sadd.s32 $0x1480, s11;
	[sflag:s29] =	ssyncadd.s32 $0xFFFFC000;
	(pc) =	sbr.rel @p0 .LBB2_2-.Ltmp0, $4  }
0x60: {  	[spmem:s2] =	stream.indirect.scatter.add.f32 [tilespmem:s26], [sflag:$0x4], $0x80, s12, s25, $0xb8;
	[tilespmem:$0x1E800] =	vst v63  }
0x61: {  	_ =	swait.ge [sflag:s30], $0x4000  }
0x62: {  	[sflag:s30] =	ssyncset.done $0x0  }
0x63: {  	s11 =	sadd.s32 $0x180, s11;
	[sflag:s30] =	ssyncadd.s32 $0xFFFFC000  }
0x64: {  	[tilespmem:s26], [sflag:$0x2] =	stream.indirect.gather [hbm4b:s1+s25], $0x80, s11, s25, $0xb8;
	[tilespmem:$0x1E800] =	vst v63  }
0x65: {  	_ =	swait.ge [sflag:s28], $0x4000  }
0x66: {  	[sflag:s28] =	ssyncset.done $0x0  }
0x67: {  	[sflag:s28] =	ssyncadd.s32 $0xFFFFC000  }
0x68: {  	[spmem:s2] =	stream.indirect.scatter.add.f32 [tilespmem:s21], [sflag:$0x3], $0x80, s31, s25, $0xb8;
	[tilespmem:$0x1E800] =	vst v63  }
0x69: {  	_ =	swait.ge [sflag:s29], $0x4000  }
0x6a: {  	[sflag:s29] =	ssyncset.done $0x0  }
0x6b: {  	[sflag:s29] =	ssyncadd.s32 $0xFFFFC000  }
0x6c: {  	[spmem:s2] =	stream.indirect.scatter.add.f32 [tilespmem:s26], [sflag:$0x4], $0x80, s0, s25, $0xb8;
	[tilespmem:$0x1E800] =	vst v63  }
0x6d: {  	_ =	swait.ge [sflag:s24], $0x4000  }
0x6e: {  	[sflag:s24] =	ssyncset.done $0x0  }
0x6f: {  	[sflag:s24] =	ssyncadd.s32 $0xFFFFC000  }
0x70: {  	_ =	swait.ge [sflag:s30], $0x4000  }
0x71: {  	[sflag:s30] =	ssyncset.done $0x0  }
0x72: {  	s5 =	simm.s32 $0x0;
	[sflag:s30] =	ssyncadd.s32 $0xFFFFC000  }
0x73: {  	[tilespmem:s5], [sflag:$0x5] =	stream.linear.gather [hbm4b:s13+s5], $0x1400, $0x38;
	[tilespmem:$0x1E800] =	vst v63  }
0x74: {  	_ =	swait.ge [sflag:s22], $0x1400  }
0x75: {  	[sflag:s22] =	ssyncset.done $0x0  }
0x76: {  	[sflag:s22] =	ssyncadd.s32 $0xFFFFEC00  }
0x77: {  	[tilespmem:s23], [sflag:$0x5] =	stream.linear.gather [hbm4b:s14+s5], $0x1400, $0x38;
	[tilespmem:$0x1E800] =	vst v63  }
0x78: {  	_ =	swait.ge [sflag:s22], $0x1400  }
0x79: {  	[sflag:s22] =	ssyncset.done $0x0  }
0x7a: {  	[sflag:s22] =	ssyncadd.s32 $0xFFFFEC00  }
0x7b: {  	[tilespmem:s21], [sflag:$0x1] =	stream.indirect.gather [hbm4b:s1+s25], $0x80, s5, s25, $0xb8;
	[tilespmem:$0x1E800] =	vst v63  }
0x7c: {  	_ = 	snop  }
0x7d: {  	[tilespmem:s26], [sflag:$0x2] =	stream.indirect.gather [hbm4b:s1+s25], $0x80, s25, s25, $0xb8;
	[tilespmem:$0x1E800] =	vst v63  }
0x7e: {  	_ =	swait.ge [sflag:s28], $0x4000  }
0x7f: {  	[sflag:s28] =	ssyncset.done $0x0  }
0x80: {  	s12 =	simm.s32 $0x1400;
	[sflag:s28] =	ssyncadd.s32 $0xFFFFC000  }
0x81: {  	[spmem:s2] =	stream.indirect.scatter.add.f32 [tilespmem:s21], [sflag:$0x3], $0x80, s12, s25, $0xb8;
	[tilespmem:$0x1E800] =	vst v63  }
0x82: {  	_ =	swait.ge [sflag:s24], $0x4000  }
0x83: {  	[sflag:s24] =	ssyncset.done $0x0  }
0x84: {  	s11 =	simm.s32 $0x100;
	[sflag:s24] =	ssyncadd.s32 $0xFFFFC000  }
0x85: {  	[tilespmem:s21], [sflag:$0x1] =	stream.indirect.gather [hbm4b:s1+s25], $0x80, s11, s25, $0xb8;
	[tilespmem:$0x1E800] =	vst v63  }
0x86: {  	_ =	swait.ge [sflag:s29], $0x4000  }
0x87: {  	[sflag:s29] =	ssyncset.done $0x0  }
0x88: {  	s12 =	simm.s32 $0x1480;
	[sflag:s29] =	ssyncadd.s32 $0xFFFFC000  }
0x89: {  	[spmem:s2] =	stream.indirect.scatter.add.f32 [tilespmem:s26], [sflag:$0x4], $0x80, s12, s25, $0xb8;
	[tilespmem:$0x1E800] =	vst v63  }
0x8a: {  	_ =	swait.ge [sflag:s30], $0x4000  }
0x8b: {  	[sflag:s30] =	ssyncset.done $0x0  }
0x8c: {  	s5 =	simm.s32 $0x400;
	s11 =	simm.s32 $0x180;
	[sflag:s30] =	ssyncadd.s32 $0xFFFFC000  }
.LBB2_4:
0x8d: {  	[tilespmem:s26], [sflag:$0x2] =	stream.indirect.gather [hbm4b:s1+s25], $0x80, s11, s25, $0xb8;
	[tilespmem:$0x1E800] =	vst v63  }
0x8e: {  	s11 =	smov.u32 s5  }
0x8f: {  	p0 =	sne.s32 s5, $0x4800;
	s5 =	sadd.s32 $0x400, s5;
	_ =	swait.ge [sflag:s28], $0x4000  }
0x90: {  	s11 =	sshra.s32 s11, $0x2;
	[sflag:s28] =	ssyncset.done $0x0  }
0x91: {  	s12 =	sadd.s32 $0x1400, s11;
	[sflag:s28] =	ssyncadd.s32 $0xFFFFC000  }
0x92: {  	[spmem:s2] =	stream.indirect.scatter.add.f32 [tilespmem:s21], [sflag:$0x3], $0x80, s12, s25, $0xb8;
	[tilespmem:$0x1E800] =	vst v63  }
0x93: {  	_ =	swait.ge [sflag:s24], $0x4000  }
0x94: {  	[sflag:s24] =	ssyncset.done $0x0  }
0x95: {  	s12 =	sadd.s32 $0x100, s11;
	[sflag:s24] =	ssyncadd.s32 $0xFFFFC000  }
0x96: {  	[tilespmem:s21], [sflag:$0x1] =	stream.indirect.gather [hbm4b:s1+s25], $0x80, s12, s25, $0xb8;
	[tilespmem:$0x1E800] =	vst v63  }
0x97: {  	_ =	swait.ge [sflag:s29], $0x4000  }
0x98: {  	[sflag:s29] =	ssyncset.done $0x0  }
.Ltmp1:
0x99: {  	s12 =	sadd.s32 $0x1480, s11;
	[sflag:s29] =	ssyncadd.s32 $0xFFFFC000;
	(pc) =	sbr.rel @p0 .LBB2_4-.Ltmp1, $4  }
0x9a: {  	[spmem:s2] =	stream.indirect.scatter.add.f32 [tilespmem:s26], [sflag:$0x4], $0x80, s12, s25, $0xb8;
	[tilespmem:$0x1E800] =	vst v63  }
0x9b: {  	_ =	swait.ge [sflag:s30], $0x4000  }
0x9c: {  	[sflag:s30] =	ssyncset.done $0x0  }
0x9d: {  	s11 =	sadd.s32 $0x180, s11;
	[sflag:s30] =	ssyncadd.s32 $0xFFFFC000  }
0x9e: {  	[tilespmem:s26], [sflag:$0x2] =	stream.indirect.gather [hbm4b:s1+s25], $0x80, s11, s25, $0xb8;
	[tilespmem:$0x1E800] =	vst v63  }
0x9f: {  	_ =	swait.ge [sflag:s28], $0x4000  }
0xa0: {  	[sflag:s28] =	ssyncset.done $0x0  }
0xa1: {  	[sflag:s28] =	ssyncadd.s32 $0xFFFFC000  }
0xa2: {  	[spmem:s2] =	stream.indirect.scatter.add.f32 [tilespmem:s21], [sflag:$0x3], $0x80, s31, s25, $0xb8;
	[tilespmem:$0x1E800] =	vst v63  }
0xa3: {  	_ =	swait.ge [sflag:s29], $0x4000  }
0xa4: {  	[sflag:s29] =	ssyncset.done $0x0  }
0xa5: {  	[sflag:s29] =	ssyncadd.s32 $0xFFFFC000  }
0xa6: {  	[spmem:s2] =	stream.indirect.scatter.add.f32 [tilespmem:s26], [sflag:$0x4], $0x80, s0, s25, $0xb8;
	[tilespmem:$0x1E800] =	vst v63  }
0xa7: {  	_ =	swait.ge [sflag:s24], $0x4000  }
0xa8: {  	[sflag:s24] =	ssyncset.done $0x0  }
0xa9: {  	[sflag:s24] =	ssyncadd.s32 $0xFFFFC000  }
0xaa: {  	_ =	swait.ge [sflag:s30], $0x4000  }
0xab: {  	[sflag:s30] =	ssyncset.done $0x0  }
0xac: {  	[sflag:s30] =	ssyncadd.s32 $0xFFFFC000  }
0xad: {  	[bflag:$0x0] =	sbarrier.arrive $0xFFFF  }
0xae: {  	[tilespmem:s21], [sflag:$0x1] =	stream.linear.gather [spmem:s6], $0x4000, $0x38;
	[tilespmem:$0x1E800] =	vst v63  }
0xaf: {  	_ =	swait.ge [sflag:s28], $0x4000  }
0xb0: {  	[sflag:s28] =	ssyncset.done $0x0  }
0xb1: {  	[sflag:s28] =	ssyncadd.s32 $0xFFFFC000  }
0xb2: {  	[tilespmem:s26], [sflag:$0x2] =	stream.linear.gather [spmem:s7], $0x4000, $0x38;
	[tilespmem:$0x1E800] =	vst v63  }
0xb3: {  	_ = 	snop  }
0xb4: {  	[hbm4b:s15+s4] =	stream.linear.scatter [tilespmem:s21], [sflag:$0x3], $0x4000, $0x38;
	[tilespmem:$0x1E800] =	vst v63  }
0xb5: {  	_ =	swait.ge [sflag:s29], $0x4000  }
0xb6: {  	[sflag:s29] =	ssyncset.done $0x0  }
0xb7: {  	[sflag:s29] =	ssyncadd.s32 $0xFFFFC000  }
0xb8: {  	_ =	swait.ge [sflag:s24], $0x4000  }
0xb9: {  	[sflag:s24] =	ssyncset.done $0x0  }
0xba: {  	[sflag:s24] =	ssyncadd.s32 $0xFFFFC000  }
0xbb: {  	[tilespmem:s21], [sflag:$0x1] =	stream.linear.gather [spmem:s8], $0x4000, $0x38;
	[tilespmem:$0x1E800] =	vst v63  }
0xbc: {  	_ = 	snop  }
0xbd: {  	[hbm4b:s16+s4] =	stream.linear.scatter [tilespmem:s26], [sflag:$0x4], $0x4000, $0x38;
	[tilespmem:$0x1E800] =	vst v63  }
0xbe: {  	_ =	swait.ge [sflag:s28], $0x4000  }
0xbf: {  	[sflag:s28] =	ssyncset.done $0x0  }
0xc0: {  	[sflag:s28] =	ssyncadd.s32 $0xFFFFC000  }
0xc1: {  	_ =	swait.ge [sflag:s30], $0x4000  }
0xc2: {  	[sflag:s30] =	ssyncset.done $0x0  }
0xc3: {  	[sflag:s30] =	ssyncadd.s32 $0xFFFFC000  }
0xc4: {  	[tilespmem:s26], [sflag:$0x2] =	stream.linear.gather [spmem:s9], $0x4000, $0x38;
	[tilespmem:$0x1E800] =	vst v63  }
0xc5: {  	_ = 	snop  }
0xc6: {  	[hbm4b:s17+s4] =	stream.linear.scatter [tilespmem:s21], [sflag:$0x3], $0x4000, $0x38;
	[tilespmem:$0x1E800] =	vst v63  }
0xc7: {  	_ =	swait.ge [sflag:s29], $0x4000  }
0xc8: {  	[sflag:s29] =	ssyncset.done $0x0  }
0xc9: {  	[sflag:s29] =	ssyncadd.s32 $0xFFFFC000  }
0xca: {  	_ =	swait.ge [sflag:s24], $0x4000  }
0xcb: {  	[sflag:s24] =	ssyncset.done $0x0  }
0xcc: {  	[sflag:s24] =	ssyncadd.s32 $0xFFFFC000  }
0xcd: {  	[tilespmem:s21], [sflag:$0x1] =	stream.linear.gather [spmem:s10], $0x4000, $0x38;
	[tilespmem:$0x1E800] =	vst v63  }
0xce: {  	_ = 	snop  }
0xcf: {  	[hbm4b:s18+s4] =	stream.linear.scatter [tilespmem:s26], [sflag:$0x4], $0x4000, $0x38;
	[tilespmem:$0x1E800] =	vst v63  }
0xd0: {  	_ =	swait.ge [sflag:s28], $0x4000  }
0xd1: {  	[sflag:s28] =	ssyncset.done $0x0  }
0xd2: {  	s3 =	sadd.s32 $0x1, s3;
	[sflag:s28] =	ssyncadd.s32 $0xFFFFC000  }
0xd3: {  	[hbm4b:s19+s4] =	stream.linear.scatter [tilespmem:s21], [sflag:$0x3], $0x4000, $0x38;
	[tilespmem:$0x1E800] =	vst v63  }
0xd4: {  	p0 =	sne.s32 s3, s20;
	_ =	swait.ge [sflag:s24], $0x4000  }
.Ltmp2:
0xd5: {  	[sflag:s24] =	ssyncset.done $0x0;
	(pc) =	sbr.rel @p0 .LBB2_1-.Ltmp2, $4  }
0xd6: {  	[sflag:s24] =	ssyncadd.s32 $0xFFFFC000  }
0xd7: {  	_ =	swait.ge [sflag:s30], $0x4000  }
0xd8: {  	[sflag:s30] =	ssyncset.done $0x0  }
0xd9: {  	[sflag:s30] =	ssyncadd.s32 $0xFFFFC000  }
0xda: {  	_ =	sfence.sel $0x180000  }
0xdb: {  	[bflag:$0x0] =	sbarrier.arrive $0xFFFF  }
0xdc: {  	_ =	strace $0x9000004D  }
0xdd: {  	s0 =	stileid.u32;
	[bflag:$0x2] =	sbarrier.arrive $0xFFFF  }
0xde: {  	p0 =	sne.s32 s0, $0x0;
	s0 =	rddreg [dreg:$0x3]  }
0xdf: {  	s0 =	sadd.s32 @!p0 $0x100000, s0  }
0xe0: {  	[sflag:s0] =	ssyncadd.tile.s32 @!p0 $0x1;
	_ =	shalt  }
.Lfunc_end2:
_tile_overlayer_lowered:
.L_overlay_start_2:
0xe1: {  	(tag) =	ssettag $0x2  }
0xe2: {  	s0 =	rddreg [dreg:$0x0];
	s2 =	stileid.u32  }
0xe3: {  	s1 =	rddreg [dreg:$0x1];
	p0 =	sne.s32 s2, $0x0  }
0xe4: {  	s3 =	rddreg [dreg:$0x2];
	[bflag:$0x3] =	sbarrier.arrive $0xFFFF;
	s2 =	simm.s32 @!p0 $0x1C05  }
0xe5: {  	[timem:s3], [sflag:s2] =	dma.local @!p0 [hbm:s0], s1  }
0xe6: {  	s0 =	simm.s32 @!p0 $0x5  }
0xe7: {  	_ =	swait.ge @!p0 [sflag:s0], s1  }
0xe8: {  	s1 =	ssub.s32 @!p0 $0x0, s1;
	[sflag:s0] =	ssyncset.done @!p0 $0x0  }
0xe9: {  	[sflag:s0] =	ssyncadd.s32 @!p0 s1  }
0xea: {  	[bflag:$0x3] =	sbarrier.arrive $0xFFFF  }
0xeb: {  	_ =	shalt  }

// kernel: _run.8.cloned.1.call-start
scs
__scs_entry_jumppad:
0x0: {  	(pc) =	sbr.rel $0x88, $3  }
0x1: {  	(tag) =	ssettag $0x0;
	lr =	simm.s32 $0x1  }
0x2: {  	[smem:$0x3F99] =	sst lr;
	_ =	strace $0xD0000000  }
0x3: {  	_ = 	snop  }
0x4: {  	_ = 	snop  }
0x5: {  	_ = 	snop  }
0x6: {  	_ = 	snop  }
0x7: {  	_ = 	snop  }
__scs_overlays_trampoline_lowered:
0x8: {  	[smem:$0x3FA8] =	sst s0  }
0x9: {  	[smem:$0x3FA9] =	sst s1  }
0xa: {  	[smem:$0x3FAA] =	sst s2  }
0xb: {  	[smem:$0x3FAB] =	sst s3  }
0xc: {  	[smem:$0x3FAC] =	sst s4  }
0xd: {  	[smem:$0x3FAD] =	sst s5  }
0xe: {  	[smem:$0x3FAE] =	sst s6  }
0xf: {  	[smem:$0x3FAF] =	sst s7  }
0x10: {  	[smem:$0x3FB0] =	sst s8  }
0x11: {  	[smem:$0x3FB1] =	sst s9;
	s0 =	simm.s32 @!p0 $0x0  }
0x12: {  	s1 =	sld [smem:$0x3F97];
	s0 =	simm.s32 @p0 $0x1  }
0x13: {  	[smem:$0x3FB2] =	sst s0;
	s0 =	simm.s32 @!p1 $0x0  }
0x14: {  	s2 =	sld [smem:$0x3F96];
	s0 =	simm.s32 @p1 $0x1  }
0x15: {  	[smem:$0x3FB3] =	sst s0;
	s0 =	simm.s32 @!p2 $0x0  }
0x16: {  	s3 =	sld [smem:$0x3FDB];
	s0 =	simm.s32 @p2 $0x1  }
0x17: {  	s4 =	simm.s32 $0x1BF5;
	[smem:$0x3FB5] =	sst s0  }
0x18: {  	s0 =	sld [smem:$0x3F98];
	_ =	swait.ge [sflag:s4], $0x0  }
0x19: {  	s7 =	sld [smem:$0x3F99]  }
0x1a: {  	s8 =	sadd.s32 $0xFFFFE003, lr  }
0x1b: {  	s9 =	sadd.s32 $0xFFFFFEF7, lr;
	s5 =	simm.s32 $0xFFFFFFFF;
	p2 =	slt.u32 s8, $0xFFFFF086  }
0x1c: {  	p1 =	slt.u32 s9, $0xF7A;
	s5 =	simm.s32 @!p2 $0x0  }
0x1d: {  	s5 =	simm.s32 @p1 $0x1;
	p0 =	seq.s32 s7, s2  }
0x1e: {  	s7 =	smul.u32 @!p0 $0xF7A, s2;
	p2 =	seq.s32 @!p0 s5, $0x0  }
0x1f: {  	s9 =	smul.u32 $0xF7A, s1;
	s8 =	simm.s32 @!p0 $0x1BF5;
	p2 =	por !p2, p0  }
0x20: {  	[sflag:s8] =	ssyncset.s32 @!p0 $0xFFFFF086;
	s6 =	sadd.s32 @!p0 s3, s7;
	s7 =	simm.s32 @!p0 $0x108  }
0x21: {  	s3 =	sadd.s32 s3, s9;
	s6 =	sadd.s32 @!p0 $0x88, s6;
	s7 =	simm.s32 @p2 $0x1082  }
0x22: {  	[simem:s7], [sflag:s8] =	dma.local @!p0 [hbm:s6], $0xF7A  }
0x23: {  	s9 =	sor.u32 $0xD0000000, s2;
	s6 =	simm.s32 $0x108;
	_ =	swait.ge @!p0 [sflag:s8], $0x0  }
0x24: {  	s3 =	sadd.s32 $0x88, s3;
	s6 =	simm.s32 @!p1 $0x1082;
	[sflag:s4] =	ssyncset.s32 $0xFFFFF086  }
0x25: {  	[simem:s6], [sflag:s4] =	dma.local [hbm:s3], $0xF7A  }
0x26: {  	[smem:$0x3F99] =	sst s1;
	(tag) =	ssettag s2;
	_ =	strace s9  }
0x27: {  	s1 =	sld [smem:$0x3FA9]  }
0x28: {  	s2 =	sld [smem:$0x3FAA]  }
0x29: {  	s4 =	sld [smem:$0x3FAC]  }
0x2a: {  	p0 =	seq.s32 s5, $0x0;
	s5 =	sld [smem:$0x3FAD]  }
0x2b: {  	s6 =	sld [smem:$0x3FAE]  }
0x2c: {  	s7 =	sld [smem:$0x3FAF]  }
0x2d: {  	s3 =	simm.s32 $0x108;
	s8 =	sld [smem:$0x3FB0]  }
0x2e: {  	s3 =	simm.s32 @!p0 $0x1082;
	s9 =	sld [smem:$0x3FB1]  }
0x2f: {  	lr =	sadd.s32 s0, s3;
	s0 =	sld [smem:$0x3FA8]  }
0x30: {  	s3 =	sld [smem:$0x3FAB]  }
0x31: {  	[smem:$0x3FB4] =	sst s10  }
0x32: {  	s10 =	sld [smem:$0x3FB2];
	_ =	sdelay $0x3  }
0x33: {  	p0 =	seq.s32 s10, $0x1;
	s10 =	sld [smem:$0x3FB4];
	_ =	sdelay $0x3  }
0x34: {  	[smem:$0x3FB4] =	sst s10  }
0x35: {  	s10 =	sld [smem:$0x3FB3];
	_ =	sdelay $0x3  }
0x36: {  	p1 =	seq.s32 s10, $0x1;
	s10 =	sld [smem:$0x3FB4];
	_ =	sdelay $0x3  }
0x37: {  	[smem:$0x3FB4] =	sst s10  }
0x38: {  	s10 =	sld [smem:$0x3FB5]  }
0x39: {  	_ = 	snop;
	(pc) =	sbr.ind lr, $3  }
0x3a: {  	_ = 	snop  }
0x3b: {  	_ = 	snop  }
0x3c: {  	p2 =	seq.s32 s10, $0x1;
	s10 =	sld [smem:$0x3FB4]  }
0x3d: {  	_ =	shalt  }
0x3e: {  	_ =	shalt  }
0x3f: {  	_ =	shalt  }
0x40: {  	_ =	shalt  }
0x41: {  	_ =	shalt  }
0x42: {  	_ =	shalt  }
0x43: {  	_ =	shalt  }
0x44: {  	_ =	shalt  }
0x45: {  	_ =	shalt  }
0x46: {  	_ =	shalt  }
0x47: {  	_ =	shalt  }
0x48: {  	_ =	shalt  }
0x49: {  	_ =	shalt  }
0x4a: {  	_ =	shalt  }
0x4b: {  	_ =	shalt  }
0x4c: {  	_ =	shalt  }
0x4d: {  	_ =	shalt  }
0x4e: {  	_ =	shalt  }
0x4f: {  	_ =	shalt  }
0x50: {  	_ =	shalt  }
0x51: {  	_ =	shalt  }
0x52: {  	_ =	shalt  }
0x53: {  	_ =	shalt  }
0x54: {  	_ =	shalt  }
0x55: {  	_ =	shalt  }
0x56: {  	_ =	shalt  }
0x57: {  	_ =	shalt  }
0x58: {  	_ =	shalt  }
0x59: {  	_ =	shalt  }
0x5a: {  	_ =	shalt  }
0x5b: {  	_ =	shalt  }
0x5c: {  	_ =	shalt  }
0x5d: {  	_ =	shalt  }
0x5e: {  	_ =	shalt  }
0x5f: {  	_ =	shalt  }
0x60: {  	_ =	shalt  }
0x61: {  	_ =	shalt  }
0x62: {  	_ =	shalt  }
0x63: {  	_ =	shalt  }
0x64: {  	_ =	shalt  }
0x65: {  	_ =	shalt  }
0x66: {  	_ =	shalt  }
0x67: {  	_ =	shalt  }
0x68: {  	_ =	shalt  }
0x69: {  	_ =	shalt  }
0x6a: {  	_ =	shalt  }
0x6b: {  	_ =	shalt  }
0x6c: {  	_ =	shalt  }
0x6d: {  	_ =	shalt  }
0x6e: {  	_ =	shalt  }
0x6f: {  	_ =	shalt  }
0x70: {  	_ =	shalt  }
0x71: {  	_ =	shalt  }
0x72: {  	_ =	shalt  }
0x73: {  	_ =	shalt  }
0x74: {  	_ =	shalt  }
0x75: {  	_ =	shalt  }
0x76: {  	_ =	shalt  }
0x77: {  	_ =	shalt  }
0x78: {  	_ =	shalt  }
0x79: {  	_ =	shalt  }
0x7a: {  	_ =	shalt  }
0x7b: {  	_ =	shalt  }
0x7c: {  	_ =	shalt  }
0x7d: {  	_ =	shalt  }
0x7e: {  	_ =	shalt  }
0x7f: {  	_ =	shalt  }
0x80: {  	_ =	shalt  }
0x81: {  	_ =	shalt  }
0x82: {  	_ =	shalt  }
0x83: {  	_ =	shalt  }
0x84: {  	_ =	shalt  }
0x85: {  	_ =	shalt  }
0x86: {  	_ =	shalt  }
0x87: {  	_ =	shalt  }
.Lfunc_end0:
.L_simem_size_0:
called_computation_lowered:
.L_overlay_start_0:
0x88: {  	s2 =	sld [smem:$0x3FD9]  }
0x89: {  	s3 =	sld [smem:$0x3FFE];
	_ =	sdelay $0x1  }
0x8a: {  	s1 =	srdreg.scid  }
0x8b: {  	s0 =	sand.u32 $0x1, s1  }
0x8c: {  	s17 =	sshll.u32 s0, $0xA;
	s2 =	sadd.s32 s3, s2  }
0x8d: {  	s2 =	sadd.s32 s2, s17  }
0x8e: {  	[smem:$0x3FC0] =	sst s2  }
0x8f: {  	_ = 	snop  }
0x90: {  	s2 =	sld [smem:$0x3FD0];
	(tm) =	ssettm $0x1  }
0x91: {  	s18 =	sld [smem:$0x3FFB];
	_ =	sdelay $0x3  }
0x92: {  	_ =	strace s18  }
0x93: {  	s3 =	sld [smem:$0x3FFC];
	_ =	sdelay $0x3  }
0x94: {  	_ =	strace s3  }
0x95: {  	s3 =	sld [smem:$0x3FFD];
	_ =	sdelay $0x3  }
0x96: {  	_ =	strace s3  }
0x97: {  	_ =	strace $0x8FFFFFFF  }
0x98: {  	s19 =	sld [smem:$0x3FDB];
	_ =	sdelay $0x1  }
0x99: {  	s4 =	simm.s32 $_scs_section_size  }
0x9a: {  	s5 =	simm.s32 $_size__tile_overlayer_lowered;
	s6 =	simm.s32 $_tile_overlayer_lowered  }
0x9b: {  	s22 =	simm.s32 $0x1BFF;
	s21 =	sshll.u32 s6, $0x1;
	s3 =	sadd.s32 s4, s19  }
0x9c: {  	s7 =	simm.s32 $0x0;
	s20 =	sshll.u32 s5, $0x1;
	s5 =	sadd.s32 s21, s3  }
0x9d: {  	[timem:s7], [sflag:s22] =	dma.local [hbm:s5], s20  }
0x9e: {  	_ =	swait.ge [sflag:s22], s20  }
0x9f: {  	s4 =	ssub.s32 $0x0, s20;
	[sflag:s22] =	ssyncset.done $0x0  }
0xa0: {  	[sflag:s22] =	ssyncadd.s32 s4;
	_ =	sdelay $0x1  }
0xa1: {  	s23 =	simm.s32 $0x1B8B  }
0xa2: {  	_ =	swait.ge [sflag:s23], $0x1  }
0xa3: {  	[sflag:s23] =	ssyncset.done $0x0  }
0xa4: {  	s25 =	simm.s32 $0x1B8E;
	s24 =	sld [smem:$0x3FFE];
	[sflag:s23] =	ssyncadd.s32 $0xFFFFFFFF  }
0xa5: {  	s26 =	simm.s32 $execute0_lowered;
	[smem:$0x3FD2] =	sst s25  }
0xa6: {  	s5 =	sshll.u32 s26, $0x1;
	_ =	strace $0x80000046;
	[dreg:$0x1] =	wrdreg $0xFFFFFFFF  }
0xa7: {  	s28 =	simm.s32 $_size_execute0_lowered;
	s3 =	sadd.s32 s3, s5;
	[dreg:$0x0] =	wrdreg $0x0  }
0xa8: {  	s5 =	sshll.u32 s28, $0x1;
	[dreg:$0x2] =	wrdreg s3  }
0xa9: {  	[dreg:$0x3] =	wrdreg s5  }
0xaa: {  	[dreg:$0x4] =	wrdreg $0xC0  }
0xab: {  	_ =	task [dreg:s7], $0x5FFFF  }
0xac: {  	[dreg:$0x1] =	wrdreg $0xFFFFFFFF  }
0xad: {  	[dreg:$0x0] =	wrdreg $0x60  }
0xae: {  	[dreg:$0x2] =	wrdreg s24  }
0xaf: {  	[dreg:$0x3] =	wrdreg s2  }
0xb0: {  	[dreg:$0x4] =	wrdreg $0x2B000  }
0xb1: {  	[dreg:$0x5] =	wrdreg $0x9  }
0xb2: {  	_ =	task.clear_ibuf [dreg:s7], $0x6FFFF;
	_ =	strace $0x90000046  }
0xb3: {  	s29 =	simm.s32 $0x9;
	_ =	strace $0x80000048  }
0xb4: {  	_ =	swait.ge [sflag:s29], $0x1  }
0xb5: {  	[sflag:s29] =	ssyncadd.s32 $0xFFFFFFFF  }
0xb6: {  	_ =	strace $0x90000048  }
0xb7: {  	_ =	sfence  }
0xb8: {  	s30 =	sld [smem:$0x0];
	_ =	sdelay $0x2  }
0xb9: {  	s31 =	sshll.u32 s1, $0xD;
	s1 =	sshrl.u32 s1, $0x2  }
0xba: {  	s3 =	sand.u32 $0x4000, s31;
	s1 =	sadd.s32 s1, s30  }
0xbb: {  	s0 =	sor.u32 s3, s0;
	s1 =	sshll.u32 s1, $0x11  }
0xbc: {  	s0 =	sor.u32 s1, s0  }
0xbd: {  	s0 =	sadd.s32 $0x8F2B, s0  }
0xbe: {  	[sflag:s0] =	ssyncadd.remote.s32 $0x1  }
0xbf: {  	_ =	sfence.sel $0xFFFF  }
0xc0: {  	[dreg:$0x0] =	wrdreg $0xFFFFFFFF;
	(pc) =	sbr.abs _section_cstart, $3  }
0xc1: {  	[dreg:$0x1] =	wrdreg $0xFFFFFFFF  }
0xc2: {  	_ =	task.clear_ibuf [dreg:s7], $0x2FFFF;
	_ =	strace $0x9FFFFFFF  }
0xc3: {  	(tm) =	ssettm $0x7FFFFFFF  }
tec
execute0_lowered:
.L_overlay_start_1:
0x0: {  	(tag) =	ssettag $0x1  }
0x1: {  	s5 =	rddreg [dreg:$0x0]  }
0x2: {  	s6 =	rddreg [dreg:$0x1]  }
0x3: {  	s0 =	srdreg.scid;
	s2 =	rddreg [dreg:$0x2]  }
0x4: {  	s3 =	simm.s32 $0x0;
	s10 =	simm.s32 $0x80;
	s11 =	simm.s32 $0x2800  }
0x5: {  	s12 =	simm.s32 $0x1;
	s4 =	sand.u32 $0x1, s0;
	s0 =	stileid.u32  }
0x6: {  	s13 =	simm.s32 $0x0;
	s1 =	sshll.u32 s4, $0x4;
	s8 =	smul.u32 $0x280, s0  }
0x7: {  	s9 =	smul.u32 $0x2800, s4;
	s4 =	ssub.s32 $0x2, s4;
	s1 =	sor.u32 s0, s1  }
0x8: {  	[smem:$0x7FF] =	sst s3;
	s31 =	sshrl.u32 s4, $0x1;
	s7 =	smul.u32 $0x500, s1  }
0x9: {  	s1 =	rddreg [dreg:$0x3];
	_ =	strace $0x80000047;
	s9 =	sadd.s32 s8, s9  }
0xa: {  	s9 =	sshrl.u32 s9, $0x3;
	s5 =	sadd.s32 s7, s5;
	s7 =	ssub.s32 s4, s31  }
0xb: {  	s6 =	sadd.s32 s6, s9;
	s9 =	simm.s32 $0x2880;
	s4 =	sadd.s32 $0x2C00, s5  }
0xc: {  	v0 =	vimm.f32 $0.0e+00;
	v1 =	vimm.f32 $1.000000000e+00;
	s5 =	sadd.s32 s8, s2;
	s7 =	smax.u32 s7, $0x1;
	s8 =	simm.s32 $0x2  }
.LBB2_1:
0xd: {  	[tilespmem:s3], [sflag:$0x2] =	stream.linear.gather [hbm4b:s4+s3], $0x2800, $0x38;
	[tilespmem:$0x2D80] =	vst v63  }
0xe: {  	_ =	swait.ge [sflag:s8], $0x2800  }
0xf: {  	[sflag:s8] =	ssyncset.done $0x0  }
0x10: {  	[sflag:s8] =	ssyncadd.s32 $0xFFFFD800  }
0x11: {  	[tilespmem:$0x2880] =	vst v0  }
0x12: {  	[tilespmem:$0x2890] =	vst v0  }
0x13: {  	[tilespmem:$0x28A0] =	vst v0  }
0x14: {  	[tilespmem:$0x28B0] =	vst v0  }
0x15: {  	[tilespmem:$0x28C0] =	vst v0  }
0x16: {  	[tilespmem:$0x28D0] =	vst v0  }
0x17: {  	[tilespmem:$0x28E0] =	vst v0  }
0x18: {  	[tilespmem:$0x28F0] =	vst v0  }
0x19: {  	[tilespmem:$0x2900] =	vst v0  }
0x1a: {  	[tilespmem:$0x2910] =	vst v0  }
0x1b: {  	[tilespmem:$0x2920] =	vst v0  }
0x1c: {  	[tilespmem:$0x2930] =	vst v0  }
0x1d: {  	[tilespmem:$0x2940] =	vst v0  }
0x1e: {  	[tilespmem:$0x2950] =	vst v0  }
0x1f: {  	[tilespmem:$0x2960] =	vst v0  }
0x20: {  	[tilespmem:$0x2970] =	vst v0  }
0x21: {  	[tilespmem:$0x2980] =	vst v0  }
0x22: {  	[tilespmem:$0x2990] =	vst v0  }
0x23: {  	[tilespmem:$0x29A0] =	vst v0  }
0x24: {  	[tilespmem:$0x29B0] =	vst v0  }
0x25: {  	[tilespmem:$0x29C0] =	vst v0  }
0x26: {  	[tilespmem:$0x29D0] =	vst v0  }
0x27: {  	[tilespmem:$0x29E0] =	vst v0  }
0x28: {  	[tilespmem:$0x29F0] =	vst v0  }
0x29: {  	[tilespmem:$0x2A00] =	vst v0  }
0x2a: {  	[tilespmem:$0x2A10] =	vst v0  }
0x2b: {  	[tilespmem:$0x2A20] =	vst v0  }
0x2c: {  	[tilespmem:$0x2A30] =	vst v0  }
0x2d: {  	[tilespmem:$0x2A40] =	vst v0  }
0x2e: {  	[tilespmem:$0x2A50] =	vst v0  }
0x2f: {  	[tilespmem:$0x2A60] =	vst v0  }
0x30: {  	[tilespmem:$0x2A70] =	vst v0  }
0x31: {  	[tilespmem:$0x2A80] =	vst v0  }
0x32: {  	[tilespmem:$0x2A90] =	vst v0  }
0x33: {  	[tilespmem:$0x2AA0] =	vst v0  }
0x34: {  	[tilespmem:$0x2AB0] =	vst v0  }
0x35: {  	[tilespmem:$0x2AC0] =	vst v0  }
0x36: {  	[tilespmem:$0x2AD0] =	vst v0  }
0x37: {  	[tilespmem:$0x2AE0] =	vst v0  }
0x38: {  	[tilespmem:$0x2AF0] =	vst v0  }
0x39: {  	[tilespmem:$0x2800] =	vst v1  }
0x3a: {  	[tilespmem:$0x2810] =	vst v1  }
0x3b: {  	[tilespmem:$0x2820] =	vst v1  }
0x3c: {  	[tilespmem:$0x2830] =	vst v1  }
0x3d: {  	[tilespmem:$0x2840] =	vst v1  }
0x3e: {  	[tilespmem:$0x2850] =	vst v1  }
0x3f: {  	[tilespmem:$0x2860] =	vst v1  }
0x40: {  	[tilespmem:$0x2870] =	vst v1  }
0x41: {  	[spmem:s5] =	stream.linear.scatter [tilespmem:s9], [sflag:$0x2], $0x280, $0x38;
	[tilespmem:$0x2D80] =	vst v63  }
0x42: {  	_ =	swait.ge [sflag:s8], $0x280  }
0x43: {  	[sflag:s8] =	ssyncset.done $0x0  }
0x44: {  	[sflag:s8] =	ssyncadd.s32 $0xFFFFFD80  }
0x45: {  	s14 =	simm.s32 $0x0;
	[bflag:$0x0] =	sbarrier.arrive $0xFFFF  }
.LBB2_2:
0x46: {  	p0 =	sne.s32 s14, $0x9E00  }
.Ltmp0:
0x47: {  	_ = 	snop;
	(pc) =	sbr.rel @p0 .LBB2_2-.Ltmp0, $3  }
0x48: {  	_ =	sdelay $0x1  }
0x49: {  	s15 =	sshra.s32 s14, $0x2;
	s14 =	sadd.s32 $0x200, s14  }
0x4a: {  	[spmem:s2] =	stream.indirect.scatter.add.f32 [tilespmem:s11], [sflag:$0x1], $0x1, s15, s10, $0xb8;
	[tilespmem:$0x2D80] =	vst v63  }
0x4b: {  	_ =	swait.ge [sflag:s12], $0x80  }
0x4c: {  	s14 =	simm.s32 $0x4F;
	[sflag:s12] =	ssyncset.done $0x0  }
.LBB2_4:
0x4d: {  	p0 =	sne.s32 s14, $0x1;
	s14 =	sadd.s32 $0xFFFFFFFF, s14;
	[sflag:s12] =	ssyncadd.s32 $0xFFFFFF80  }
.Ltmp1:
0x4e: {  	(pc) =	sbr.rel @p0 .LBB2_4-.Ltmp1, $3  }
0x4f: {  	_ =	sdelay $0x1  }
0x50: {  	_ =	swait.ge [sflag:s12], $0x80  }
0x51: {  	[sflag:s12] =	ssyncset.done $0x0  }
0x52: {  	[sflag:s12] =	ssyncadd.s32 $0xFFFFFF80  }
0x53: {  	[bflag:$0x0] =	sbarrier.arrive $0xFFFF  }
0x54: {  	[tilespmem:s9], [sflag:$0x2] =	stream.linear.gather [spmem:s5], $0x280, $0x38;
	[tilespmem:$0x2D80] =	vst v63  }
0x55: {  	s13 =	sadd.s32 $0x1, s13;
	_ =	swait.ge [sflag:s8], $0x280  }
0x56: {  	p0 =	sne.s32 s13, s7;
	[sflag:s8] =	ssyncset.done $0x0  }
.Ltmp2:
0x57: {  	[sflag:s8] =	ssyncadd.s32 $0xFFFFFD80;
	(pc) =	sbr.rel @p0 .LBB2_1-.Ltmp2, $4  }
0x58: {  	[hbm4b:s6+s3] =	stream.linear.scatter [tilespmem:s9], [sflag:$0x2], $0x280, $0x38;
	[tilespmem:$0x2D80] =	vst v63  }
0x59: {  	_ =	swait.ge [sflag:s8], $0x280  }
0x5a: {  	[sflag:s8] =	ssyncset.done $0x0  }
0x5b: {  	[sflag:s8] =	ssyncadd.s32 $0xFFFFFD80  }
0x5c: {  	_ =	sfence.sel $0x180000  }
0x5d: {  	[bflag:$0x0] =	sbarrier.arrive $0xFFFF  }
0x5e: {  	p0 =	sne.s32 s0, $0x0;
	_ =	strace $0x90000047  }
0x5f: {  	s0 =	sadd.s32 @!p0 $0x100000, s1;
	[bflag:$0x2] =	sbarrier.arrive $0xFFFF  }
0x60: {  	[sflag:s0] =	ssyncadd.tile.s32 @!p0 $0x1;
	_ =	shalt  }
.Lfunc_end2:
_tile_overlayer_lowered:
.L_overlay_start_2:
0x61: {  	(tag) =	ssettag $0x2  }
0x62: {  	s0 =	rddreg [dreg:$0x0];
	s2 =	stileid.u32  }
0x63: {  	s1 =	rddreg [dreg:$0x1];
	p0 =	sne.s32 s2, $0x0  }
0x64: {  	s3 =	rddreg [dreg:$0x2];
	[bflag:$0x3] =	sbarrier.arrive $0xFFFF;
	s2 =	simm.s32 @!p0 $0x1C02  }
0x65: {  	[timem:s3], [sflag:s2] =	dma.local @!p0 [hbm:s0], s1  }
0x66: {  	s0 =	simm.s32 @!p0 $0x2  }
0x67: {  	_ =	swait.ge @!p0 [sflag:s0], s1  }
0x68: {  	s1 =	ssub.s32 @!p0 $0x0, s1;
	[sflag:s0] =	ssyncset.done @!p0 $0x0  }
0x69: {  	[sflag:s0] =	ssyncadd.s32 @!p0 s1  }
0x6a: {  	[bflag:$0x3] =	sbarrier.arrive $0xFFFF  }
0x6b: {  	_ =	shalt  }

</sc_bundles>
